<compile_context>
chip_gen: v7x
topology: tpu7x:2x2x1
jax: 0.10.2.dev20260603
libtpu: 0.0.44.dev20260713+nightly
codegen_flags: <defaults>
</compile_context>

<pallas_src>
import functools

import jax
import jax.numpy as jnp
from jax import lax
from jax.experimental import pallas as pl
from jax.experimental.pallas import tpu as pltpu
from jax.experimental.pallas import tpu_sc as plsc

D = 64
MARGIN = 0.1
BN_EPS = 1e-5

NW = 32
NC = 2
CH = 512
HP = CH // 2

NCOLS = 9
NRELCOLS = 2
NCH = NCOLS + NRELCOLS


def _sc_gather(idx_nat, idx_rel, class_embed, class_rad, rel_embed, b):
    nblk = b // CH
    assert nblk == NW

    mesh = plsc.VectorSubcoreMesh(core_axis_name="c", subcore_axis_name="s")

    def body(idxn_hbm, ridx_hbm, table_hbm, rad_hbm, rel_hbm,
             emb_out, rad_out, rel_out,
             idxn_v, buf0, buf1, buf2, rbuf,
             gsem0, gsem1, gsem2, wsem0, wsem1, wsem2, rsem):
        wid = lax.axis_index("s") * NC + lax.axis_index("c")
        bufs = (buf0, buf1, buf2)
        gsems = (gsem0, gsem1, gsem2)
        wsems = (wsem0, wsem1, wsem2)

        for t in range(NCOLS):
            pltpu.sync_copy(idxn_hbm.at[t, wid],
                            idxn_v.at[pl.ds(t * CH, CH)])
        for t in range(NRELCOLS):
            pltpu.sync_copy(ridx_hbm.at[t, wid],
                            idxn_v.at[pl.ds((NCOLS + t) * CH, CH)])

        rad_cp = pltpu.async_copy(
            rad_hbm.at[idxn_v.at[pl.ds(0, NCOLS * CH)]], rbuf, rsem)

        nch2 = 2 * NCH

        def gather(t):
            src = table_hbm if t < 2 * NCOLS else rel_hbm
            return pltpu.async_copy(
                src.at[idxn_v.at[pl.ds(t * HP, HP)]], bufs[t % 3],
                gsems[t % 3])

        def write(t):
            col, half = t // 2, t % 2
            if col < NCOLS:
                dst = emb_out.at[col, pl.ds(wid * HP, HP)]
            else:
                dst = rel_out.at[col - NCOLS, pl.ds(wid * HP, HP)]
            return pltpu.async_copy(
                bufs[t % 3].at[:, pl.ds(0, D)],
                dst.at[:, pl.ds(half * D, D)], wsems[t % 3])

        gcp = {0: gather(0), 1: gather(1)}
        wcp = {}
        for t in range(nch2):
            gcp[t].wait()
            wcp[t] = write(t)
            if t + 2 < nch2:
                if t - 1 >= 0:
                    wcp[t - 1].wait()
                gcp[t + 2] = gather(t + 2)
        wcp[nch2 - 2].wait()
        wcp[nch2 - 1].wait()

        rad_cp.wait()
        for t in range(NCOLS):
            pltpu.sync_copy(rbuf.at[pl.ds(t * CH, CH)],
                            rad_out.at[pl.ds(t * NW * CH + wid * CH, CH)])

    k = pl.kernel(
        body,
        out_type=(
            jax.ShapeDtypeStruct((NCOLS, b // 2, 2 * D), jnp.float32),
            jax.ShapeDtypeStruct((NCOLS * b,), jnp.float32),
            jax.ShapeDtypeStruct((NRELCOLS, b // 2, 2 * D), jnp.float32),
        ),
        mesh=mesh,
        compiler_params=pltpu.CompilerParams(use_tc_tiling_on_sc=False),
        scratch_types=[
            pltpu.VMEM((NCH * CH,), jnp.int32),
            pltpu.VMEM((HP, 2 * D), jnp.float32),
            pltpu.VMEM((HP, 2 * D), jnp.float32),
            pltpu.VMEM((HP, 2 * D), jnp.float32),
            pltpu.VMEM((NCOLS * CH,), jnp.float32),
            pltpu.SemaphoreType.DMA,
            pltpu.SemaphoreType.DMA,
            pltpu.SemaphoreType.DMA,
            pltpu.SemaphoreType.DMA,
            pltpu.SemaphoreType.DMA,
            pltpu.SemaphoreType.DMA,
            pltpu.SemaphoreType.DMA,
        ],
    )
    return k(idx_nat, idx_rel,
             jnp.pad(class_embed, ((0, 0), (0, D))),
             jnp.squeeze(class_rad, 1),
             jnp.pad(rel_embed, ((0, 0), (0, D))))


def _stats_body(emb_ref, sum_ref, sq_ref):
    i = pl.program_id(0)
    x = emb_ref[...]
    s = jnp.sum(x, axis=1)
    q = jnp.sum(x * x, axis=1)

    @pl.when(i == 0)
    def _():
        sum_ref[...] = s
        sq_ref[...] = q

    @pl.when(i > 0)
    def _():
        sum_ref[...] += s
        sq_ref[...] += q


def _loss_body(emb_ref, rad_ref, rel_ref, sum_ref, sq_ref, gamma_ref,
               beta_ref, out_ref, *, batch):
    i = pl.program_id(0)
    inv_b = jnp.float32(1.0 / batch)
    s64 = sum_ref[:, :D] + sum_ref[:, D:]
    q64 = sq_ref[:, :D] + sq_ref[:, D:]
    mean = s64 * inv_b
    var = q64 * inv_b - mean * mean
    scale = gamma_ref[:, :D] * lax.rsqrt(var + BN_EPS)
    shift = beta_ref[:, :D] - mean * scale
    scale2 = jnp.concatenate([scale, scale], axis=-1)
    shift2 = jnp.concatenate([shift, shift], axis=-1)

    x = emb_ref[...]
    h = x * scale2[:, None, :] + shift2[:, None, :]
    r = jnp.abs(rad_ref[...])[:, 0]
    rel = rel_ref[...]

    lane = lax.broadcasted_iota(jnp.int32, (HP, 2 * D), 1)
    mlo = lane < D

    def norms(v):
        d2 = v * v
        qlo = jnp.sum(jnp.where(mlo, d2, 0.0), axis=-1)
        qhi = jnp.sum(jnp.where(mlo, 0.0, d2), axis=-1)
        tiny = jnp.float32(1e-12)
        return (jnp.sqrt(qlo + tiny).reshape(2, D * 2),
                jnp.sqrt(qhi + tiny).reshape(2, D * 2))

    relu = jax.nn.relu
    m = jnp.float32(MARGIN)

    def rlo(g):
        return r[g, 0:2, :]

    def rhi(g):
        return r[g, 2:4, :]

    total = jnp.float32(0.0)
    nlo, nhi = norms(h[0] - h[1])
    total += jnp.sum(relu(nlo + rlo(0) - rlo(1) - m))
    total += jnp.sum(relu(nhi + rhi(0) - rhi(1) - m))
    nlo, nhi = norms(h[3] - h[2])
    total += jnp.sum(relu(nlo - (rlo(2) + rlo(3)) - m))
    total += jnp.sum(relu(nhi - (rhi(2) + rhi(3)) - m))
    nlo, nhi = norms(h[4] - h[2])
    total += jnp.sum(relu(nlo - rlo(2) - m))
    total += jnp.sum(relu(nhi - rhi(2) - m))
    nlo, nhi = norms(h[4] - h[3])
    total += jnp.sum(relu(nlo - rlo(3) - m))
    total += jnp.sum(relu(nhi - rhi(3) - m))
    nlo, nhi = norms(h[5] + rel[0] - h[6])
    total += jnp.sum(relu(nlo + rlo(5) - rlo(6) - m))
    total += jnp.sum(relu(nhi + rhi(5) - rhi(6) - m))
    total += jnp.sum(relu(rlo(5) + rlo(6) - nlo + m))
    total += jnp.sum(relu(rhi(5) + rhi(6) - nhi + m))
    nlo, nhi = norms(h[7] - rel[1] - h[8])
    total += jnp.sum(relu(nlo - rlo(7) - rlo(8) - m))
    total += jnp.sum(relu(nhi - rhi(7) - rhi(8) - m))

    total = total.reshape(1, 1)

    @pl.when(i == 0)
    def _():
        out_ref[...] = total

    @pl.when(i > 0)
    def _():
        out_ref[...] += total

    @pl.when(i == pl.num_programs(0) - 1)
    def _():
        out_ref[...] *= inv_b


def kernel(gci0, gci1, gci2, gci3, class_embed, class_rad, rel_embed,
           bn_gamma, bn_beta):
    b = gci0.shape[0]
    cols = jnp.stack(
        [gci0[:, 0], gci0[:, 1],
         gci1[:, 0], gci1[:, 1], gci1[:, 2],
         gci2[:, 0], gci2[:, 2],
         gci3[:, 1], gci3[:, 2]], axis=0)
    relcols = jnp.stack([gci2[:, 1], gci3[:, 0]], axis=0)
    idx_nat = cols.reshape(NCOLS, b // CH, CH)
    idx_rel = relcols.reshape(NRELCOLS, b // CH, CH)

    emb4, rad_all, rel4 = _sc_gather(
        idx_nat, idx_rel, class_embed, class_rad, rel_embed, b)

    rad3 = rad_all.reshape(NCOLS, b // CH, 4, 2 * D)
    g2 = jnp.concatenate([bn_gamma, bn_gamma]).reshape(1, 2 * D)
    b2 = jnp.concatenate([bn_beta, bn_beta]).reshape(1, 2 * D)

    ng = b // CH

    sums, sqs = pl.pallas_call(
        _stats_body,
        grid=(ng,),
        in_specs=[pl.BlockSpec((NCOLS, HP, 2 * D), lambda i: (0, i, 0))],
        out_specs=(pl.BlockSpec((NCOLS, 2 * D), lambda i: (0, 0)),
                   pl.BlockSpec((NCOLS, 2 * D), lambda i: (0, 0))),
        out_shape=(jax.ShapeDtypeStruct((NCOLS, 2 * D), jnp.float32),
                   jax.ShapeDtypeStruct((NCOLS, 2 * D), jnp.float32)),
    )(emb4)

    loss = pl.pallas_call(
        functools.partial(_loss_body, batch=b),
        grid=(ng,),
        in_specs=[
            pl.BlockSpec((NCOLS, HP, 2 * D), lambda i: (0, i, 0)),
            pl.BlockSpec((NCOLS, 1, 4, 2 * D), lambda i: (0, i, 0, 0)),
            pl.BlockSpec((NRELCOLS, HP, 2 * D), lambda i: (0, i, 0)),
            pl.BlockSpec((NCOLS, 2 * D), lambda i: (0, 0)),
            pl.BlockSpec((NCOLS, 2 * D), lambda i: (0, 0)),
            pl.BlockSpec((1, 2 * D), lambda i: (0, 0)),
            pl.BlockSpec((1, 2 * D), lambda i: (0, 0)),
        ],
        out_specs=pl.BlockSpec((1, 1), lambda i: (0, 0)),
        out_shape=jax.ShapeDtypeStruct((1, 1), jnp.float32),
    )(emb4, rad3, rel4, sums, sqs, g2, b2)

    return loss[0, 0]

# --- scband reference (transcript-rebuilt; emitter-appended) ---
"""Pipeline reference for scband-elmodel-1726576853566 (READ-ONLY COPY).

The authoritative reference and input builder live on the scoring server;
editing this copy changes nothing except your own understanding.
"""

import jax, jax.numpy as jnp
import numpy as np

NB_CLASSES = 1000000
NB_RELS = 1000
EMBED_DIM = 64
MARGIN = 0.1
BN_EPS = 1e-5
B = 16384


def _batch_norm(x, gamma, beta):
    # BatchNorm1d in training mode: per-batch biased statistics
    mean = jnp.mean(x, axis=0, keepdims=True)
    var = jnp.var(x, axis=0, keepdims=True)
    return (x - mean) / jnp.sqrt(var + BN_EPS) * gamma + beta


def _norm(x):
    # numerically-safe L2 norm over last dim (avoids NaN grad at exact zero)
    return jnp.sqrt(jnp.sum(x * x, axis=1, keepdims=True) + 1e-12)


def setup_inputs(seed: int = 0) -> dict:
    key = jax.random.key(seed)
    ks = jax.random.split(key, 8)
    gci0 = jax.random.randint(ks[0], (B, 2), 0, NB_CLASSES, dtype=jnp.int32)
    gci1 = jax.random.randint(ks[1], (B, 3), 0, NB_CLASSES, dtype=jnp.int32)
    gci2 = jax.random.randint(ks[2], (B, 3), 0, NB_RELS, dtype=jnp.int32)
    gci3 = jax.random.randint(ks[3], (B, 3), 0, NB_RELS, dtype=jnp.int32)
    class_embed = jax.random.uniform(ks[4], (NB_CLASSES, EMBED_DIM), minval=0.0, maxval=1.0, dtype=jnp.float32)
    class_rad = jax.random.uniform(ks[5], (NB_CLASSES, 1), minval=0.0, maxval=1.0, dtype=jnp.float32)
    k = float(np.sqrt(1.0 / EMBED_DIM))
    rel_embed = jax.random.uniform(ks[6], (NB_RELS, EMBED_DIM), minval=-k, maxval=k, dtype=jnp.float32)
    bn_gamma = jnp.ones((EMBED_DIM,), dtype=jnp.float32)
    bn_beta = jnp.zeros((EMBED_DIM,), dtype=jnp.float32)
    return {"gci0": gci0, "gci1": gci1, "gci2": gci2, "gci3": gci3,
            "class_embed": class_embed, "class_rad": class_rad,
            "rel_embed": rel_embed, "bn_gamma": bn_gamma, "bn_beta": bn_beta}


def reference(gci0, gci1, gci2, gci3, class_embed, class_rad, rel_embed, bn_gamma, bn_beta):
    def emb(idx):
        return _batch_norm(jnp.take(class_embed, idx, axis=0), bn_gamma, bn_beta)

    def rad(idx):
        return jnp.abs(jnp.take(class_rad, idx, axis=0))

    relu = jax.nn.relu
    loss = jnp.float32(0.0)

    # gci0: C subClassOf D
    c = emb(gci0[:, 0]); d = emb(gci0[:, 1])
    rc = rad(gci0[:, 0]); rd = rad(gci0[:, 1])
    dist = _norm(c - d) + rc - rd
    loss = loss + jnp.mean(relu(dist - MARGIN))

    # gci1: C and D subClassOf E
    c = emb(gci1[:, 0]); d = emb(gci1[:, 1]); e = emb(gci1[:, 2])
    rc = rad(gci1[:, 0]); rd = rad(gci1[:, 1])
    sr = rc + rd
    dst = _norm(d - c)
    dst2 = _norm(e - c)
    dst3 = _norm(e - d)
    loss = loss + jnp.mean(relu(dst - sr - MARGIN) + relu(dst2 - rc - MARGIN) + relu(dst3 - rd - MARGIN))

    # gci2: C subClassOf R some D  (pos + neg)
    c = emb(gci2[:, 0])
    rE = jnp.take(rel_embed, gci2[:, 1], axis=0)
    d = emb(gci2[:, 2])
    rc = rad(gci2[:, 0]); rd = rad(gci2[:, 2])
    dst = _norm(c + rE - d)
    loss = loss + jnp.mean(relu(dst + rc - rd - MARGIN))
    loss = loss + jnp.mean(relu(rc + rd - dst + MARGIN))

    # gci3: R some C subClassOf D
    rE = jnp.take(rel_embed, gci3[:, 0], axis=0)
    c = emb(gci3[:, 1]); d = emb(gci3[:, 2])
    rc = rad(gci3[:, 1]); rd = rad(gci3[:, 2])
    euc = _norm(c - rE - d)
    loss = loss + jnp.mean(relu(euc - rc - rd - MARGIN))

    return loss

if __name__ == "__main__":
    import jax
    _d = setup_inputs()
    print(jax.jit(kernel)(*tuple(_d.values())))

</pallas_src>

<mosaic_0001>
#map = affine_map<(d0, d1) -> (0, 0, 0)>
#map1 = affine_map<(d0, d1) -> (0, 0)>
#map2 = affine_map<(d0, d1) -> (0)>
module attributes {stable_mosaic.version = 14 : i64} {
  func.func @body(%arg0: i32, %arg1: i32, %arg2: memref<9x32x512xi32, #tpu.memory_space<hbm>>, %arg3: memref<2x32x512xi32, #tpu.memory_space<hbm>>, %arg4: memref<1000000x128xf32, #tpu.memory_space<hbm>>, %arg5: memref<1000000xf32, #tpu.memory_space<hbm>>, %arg6: memref<1000x128xf32, #tpu.memory_space<hbm>>, %arg7: memref<9x8192x128xf32, #tpu.memory_space<hbm>>, %arg8: memref<147456xf32, #tpu.memory_space<hbm>>, %arg9: memref<2x8192x128xf32, #tpu.memory_space<hbm>>, %arg10: memref<5632xi32, #tpu.memory_space<vmem>>, %arg11: memref<256x128xf32, #tpu.memory_space<vmem>>, %arg12: memref<256x128xf32, #tpu.memory_space<vmem>>, %arg13: memref<256x128xf32, #tpu.memory_space<vmem>>, %arg14: memref<4608xf32, #tpu.memory_space<vmem>>, %arg15: memref<!tpu.dma_semaphore, #tpu.memory_space<semaphore_mem>>, %arg16: memref<!tpu.dma_semaphore, #tpu.memory_space<semaphore_mem>>, %arg17: memref<!tpu.dma_semaphore, #tpu.memory_space<semaphore_mem>>, %arg18: memref<!tpu.dma_semaphore, #tpu.memory_space<semaphore_mem>>, %arg19: memref<!tpu.dma_semaphore, #tpu.memory_space<semaphore_mem>>, %arg20: memref<!tpu.dma_semaphore, #tpu.memory_space<semaphore_mem>>, %arg21: memref<!tpu.dma_semaphore, #tpu.memory_space<semaphore_mem>>) attributes {dimension_semantics = [#tpu.dimension_semantics<core_parallel>, #tpu.dimension_semantics<subcore_parallel>], iteration_bounds = array<i64: 2, 16>, scalar_prefetch = 0 : i64, scratch_operands = 12 : i64, tpu.core_type = #tpu.core_type<sc_vector_subcore>, window_params = [{transform_indices = #map}, {transform_indices = #map}, {transform_indices = #map1}, {transform_indices = #map2}, {transform_indices = #map1}, {transform_indices = #map}, {transform_indices = #map2}, {transform_indices = #map}]} {
    %mul3A = arith.constant 2 : i32
    %mul3A_0 = arith.muli %arg1, %mul3A : i32
    %add3A = arith.addi %mul3A_0, %arg0 : i32
    %run_scoped3A = arith.constant 0 : i32
    "tpu.region"() ({
      %run_scoped3A_1134 = tpu.sem_alloc : memref<!tpu.dma_semaphore, #tpu.memory_space<semaphore_mem>>
      %dma_start3A_1135 = arith.constant 0 : i32
      %dma_start3A_1136 = tpu.memref_slice %arg10[%dma_start3A_1135] : memref<5632xi32, #tpu.memory_space<vmem>> -> memref<512xi32, #tpu.memory_space<vmem>>
      %dma_start3A_1137 = arith.constant 0 : i32
      %dma_start3A_1138 = tpu.memref_slice %arg2[%run_scoped3A, %add3A, %dma_start3A_1137] : memref<9x32x512xi32, #tpu.memory_space<hbm>> -> memref<1x1x512xi32, #tpu.memory_space<hbm>>
      %dma_start3A_1139 = tpu.memref_squeeze %dma_start3A_1138 : memref<1x1x512xi32, #tpu.memory_space<hbm>> -> memref<512xi32, #tpu.memory_space<hbm>>
      %dma_start3A_1140 = arith.constant 0 : i32
      %dma_start3A_1141 = tpu.memref_slice %arg10[%dma_start3A_1140] : memref<5632xi32, #tpu.memory_space<vmem>> -> memref<512xi32, #tpu.memory_space<vmem>>
      %dma_start3A_1142 = arith.constant 0 : i32
      %dma_start3A_1143 = tpu.memref_slice %arg2[%run_scoped3A, %add3A, %dma_start3A_1142] : memref<9x32x512xi32, #tpu.memory_space<hbm>> -> memref<1x1x512xi32, #tpu.memory_space<hbm>>
      %dma_start3A_1144 = tpu.memref_squeeze %dma_start3A_1143 : memref<1x1x512xi32, #tpu.memory_space<hbm>> -> memref<512xi32, #tpu.memory_space<hbm>>
      tpu.enqueue_dma source(%dma_start3A_1144 : memref<512xi32, #tpu.memory_space<hbm>>) target(%dma_start3A_1141 : memref<512xi32, #tpu.memory_space<vmem>>) target_semaphore(%run_scoped3A_1134 : memref<!tpu.dma_semaphore, #tpu.memory_space<semaphore_mem>>)
      %dma_wait3A_1145 = arith.constant 0 : i32
      %dma_wait3A_1146 = tpu.memref_slice %arg10[%dma_wait3A_1145] : memref<5632xi32, #tpu.memory_space<vmem>> -> memref<512xi32, #tpu.memory_space<vmem>>
      %dma_wait3A_1147 = arith.constant 0 : i32
      %dma_wait3A_1148 = tpu.memref_slice %arg2[%run_scoped3A, %add3A, %dma_wait3A_1147] : memref<9x32x512xi32, #tpu.memory_space<hbm>> -> memref<1x1x512xi32, #tpu.memory_space<hbm>>
      %dma_wait3A_1149 = tpu.memref_squeeze %dma_wait3A_1148 : memref<1x1x512xi32, #tpu.memory_space<hbm>> -> memref<512xi32, #tpu.memory_space<hbm>>
      %dma_wait3A_1150 = arith.constant 0 : i32
      %dma_wait3A_1151 = tpu.memref_slice %arg10[%dma_wait3A_1150] : memref<5632xi32, #tpu.memory_space<vmem>> -> memref<512xi32, #tpu.memory_space<vmem>>
      %dma_wait3A_1152 = arith.constant 0 : i32
      %dma_wait3A_1153 = tpu.memref_slice %arg2[%run_scoped3A, %add3A, %dma_wait3A_1152] : memref<9x32x512xi32, #tpu.memory_space<hbm>> -> memref<1x1x512xi32, #tpu.memory_space<hbm>>
      %dma_wait3A_1154 = tpu.memref_squeeze %dma_wait3A_1153 : memref<1x1x512xi32, #tpu.memory_space<hbm>> -> memref<512xi32, #tpu.memory_space<hbm>>
      tpu.wait_dma2 semaphore(%run_scoped3A_1134 : memref<!tpu.dma_semaphore, #tpu.memory_space<semaphore_mem>>) src(%dma_wait3A_1154 : memref<512xi32, #tpu.memory_space<hbm>>) dst(%dma_wait3A_1151 : memref<512xi32, #tpu.memory_space<vmem>>)
      tpu.yield
    }) : () -> ()
    %run_scoped3A_1 = arith.constant 1 : i32
    "tpu.region"() ({
      %run_scoped3A_1134 = tpu.sem_alloc : memref<!tpu.dma_semaphore, #tpu.memory_space<semaphore_mem>>
      %dma_start3A_1135 = arith.constant 512 : i32
      %dma_start3A_1136 = tpu.memref_slice %arg10[%dma_start3A_1135] : memref<5632xi32, #tpu.memory_space<vmem>> -> memref<512xi32, #tpu.memory_space<vmem>>
      %dma_start3A_1137 = arith.constant 0 : i32
      %dma_start3A_1138 = tpu.memref_slice %arg2[%run_scoped3A_1, %add3A, %dma_start3A_1137] : memref<9x32x512xi32, #tpu.memory_space<hbm>> -> memref<1x1x512xi32, #tpu.memory_space<hbm>>
      %dma_start3A_1139 = tpu.memref_squeeze %dma_start3A_1138 : memref<1x1x512xi32, #tpu.memory_space<hbm>> -> memref<512xi32, #tpu.memory_space<hbm>>
      %dma_start3A_1140 = arith.constant 512 : i32
      %dma_start3A_1141 = tpu.memref_slice %arg10[%dma_start3A_1140] : memref<5632xi32, #tpu.memory_space<vmem>> -> memref<512xi32, #tpu.memory_space<vmem>>
      %dma_start3A_1142 = arith.constant 0 : i32
      %dma_start3A_1143 = tpu.memref_slice %arg2[%run_scoped3A_1, %add3A, %dma_start3A_1142] : memref<9x32x512xi32, #tpu.memory_space<hbm>> -> memref<1x1x512xi32, #tpu.memory_space<hbm>>
      %dma_start3A_1144 = tpu.memref_squeeze %dma_start3A_1143 : memref<1x1x512xi32, #tpu.memory_space<hbm>> -> memref<512xi32, #tpu.memory_space<hbm>>
      tpu.enqueue_dma source(%dma_start3A_1144 : memref<512xi32, #tpu.memory_space<hbm>>) target(%dma_start3A_1141 : memref<512xi32, #tpu.memory_space<vmem>>) target_semaphore(%run_scoped3A_1134 : memref<!tpu.dma_semaphore, #tpu.memory_space<semaphore_mem>>)
      %dma_wait3A_1145 = arith.constant 512 : i32
      %dma_wait3A_1146 = tpu.memref_slice %arg10[%dma_wait3A_1145] : memref<5632xi32, #tpu.memory_space<vmem>> -> memref<512xi32, #tpu.memory_space<vmem>>
      %dma_wait3A_1147 = arith.constant 0 : i32
      %dma_wait3A_1148 = tpu.memref_slice %arg2[%run_scoped3A_1, %add3A, %dma_wait3A_1147] : memref<9x32x512xi32, #tpu.memory_space<hbm>> -> memref<1x1x512xi32, #tpu.memory_space<hbm>>
      %dma_wait3A_1149 = tpu.memref_squeeze %dma_wait3A_1148 : memref<1x1x512xi32, #tpu.memory_space<hbm>> -> memref<512xi32, #tpu.memory_space<hbm>>
      %dma_wait3A_1150 = arith.constant 512 : i32
      %dma_wait3A_1151 = tpu.memref_slice %arg10[%dma_wait3A_1150] : memref<5632xi32, #tpu.memory_space<vmem>> -> memref<512xi32, #tpu.memory_space<vmem>>
      %dma_wait3A_1152 = arith.constant 0 : i32
      %dma_wait3A_1153 = tpu.memref_slice %arg2[%run_scoped3A_1, %add3A, %dma_wait3A_1152] : memref<9x32x512xi32, #tpu.memory_space<hbm>> -> memref<1x1x512xi32, #tpu.memory_space<hbm>>
      %dma_wait3A_1154 = tpu.memref_squeeze %dma_wait3A_1153 : memref<1x1x512xi32, #tpu.memory_space<hbm>> -> memref<512xi32, #tpu.memory_space<hbm>>
      tpu.wait_dma2 semaphore(%run_scoped3A_1134 : memref<!tpu.dma_semaphore, #tpu.memory_space<semaphore_mem>>) src(%dma_wait3A_1154 : memref<512xi32, #tpu.memory_space<hbm>>) dst(%dma_wait3A_1151 : memref<512xi32, #tpu.memory_space<vmem>>)
      tpu.yield
    }) : () -> ()
    %run_scoped3A_2 = arith.constant 2 : i32
    "tpu.region"() ({
      %run_scoped3A_1134 = tpu.sem_alloc : memref<!tpu.dma_semaphore, #tpu.memory_space<semaphore_mem>>
      %dma_start3A_1135 = arith.constant 1024 : i32
      %dma_start3A_1136 = tpu.memref_slice %arg10[%dma_start3A_1135] : memref<5632xi32, #tpu.memory_space<vmem>> -> memref<512xi32, #tpu.memory_space<vmem>>
      %dma_start3A_1137 = arith.constant 0 : i32
      %dma_start3A_1138 = tpu.memref_slice %arg2[%run_scoped3A_2, %add3A, %dma_start3A_1137] : memref<9x32x512xi32, #tpu.memory_space<hbm>> -> memref<1x1x512xi32, #tpu.memory_space<hbm>>
      %dma_start3A_1139 = tpu.memref_squeeze %dma_start3A_1138 : memref<1x1x512xi32, #tpu.memory_space<hbm>> -> memref<512xi32, #tpu.memory_space<hbm>>
      %dma_start3A_1140 = arith.constant 1024 : i32
      %dma_start3A_1141 = tpu.memref_slice %arg10[%dma_start3A_1140] : memref<5632xi32, #tpu.memory_space<vmem>> -> memref<512xi32, #tpu.memory_space<vmem>>
      %dma_start3A_1142 = arith.constant 0 : i32
      %dma_start3A_1143 = tpu.memref_slice %arg2[%run_scoped3A_2, %add3A, %dma_start3A_1142] : memref<9x32x512xi32, #tpu.memory_space<hbm>> -> memref<1x1x512xi32, #tpu.memory_space<hbm>>
      %dma_start3A_1144 = tpu.memref_squeeze %dma_start3A_1143 : memref<1x1x512xi32, #tpu.memory_space<hbm>> -> memref<512xi32, #tpu.memory_space<hbm>>
      tpu.enqueue_dma source(%dma_start3A_1144 : memref<512xi32, #tpu.memory_space<hbm>>) target(%dma_start3A_1141 : memref<512xi32, #tpu.memory_space<vmem>>) target_semaphore(%run_scoped3A_1134 : memref<!tpu.dma_semaphore, #tpu.memory_space<semaphore_mem>>)
      %dma_wait3A_1145 = arith.constant 1024 : i32
      %dma_wait3A_1146 = tpu.memref_slice %arg10[%dma_wait3A_1145] : memref<5632xi32, #tpu.memory_space<vmem>> -> memref<512xi32, #tpu.memory_space<vmem>>
      %dma_wait3A_1147 = arith.constant 0 : i32
      %dma_wait3A_1148 = tpu.memref_slice %arg2[%run_scoped3A_2, %add3A, %dma_wait3A_1147] : memref<9x32x512xi32, #tpu.memory_space<hbm>> -> memref<1x1x512xi32, #tpu.memory_space<hbm>>
      %dma_wait3A_1149 = tpu.memref_squeeze %dma_wait3A_1148 : memref<1x1x512xi32, #tpu.memory_space<hbm>> -> memref<512xi32, #tpu.memory_space<hbm>>
      %dma_wait3A_1150 = arith.constant 1024 : i32
      %dma_wait3A_1151 = tpu.memref_slice %arg10[%dma_wait3A_1150] : memref<5632xi32, #tpu.memory_space<vmem>> -> memref<512xi32, #tpu.memory_space<vmem>>
      %dma_wait3A_1152 = arith.constant 0 : i32
      %dma_wait3A_1153 = tpu.memref_slice %arg2[%run_scoped3A_2, %add3A, %dma_wait3A_1152] : memref<9x32x512xi32, #tpu.memory_space<hbm>> -> memref<1x1x512xi32, #tpu.memory_space<hbm>>
      %dma_wait3A_1154 = tpu.memref_squeeze %dma_wait3A_1153 : memref<1x1x512xi32, #tpu.memory_space<hbm>> -> memref<512xi32, #tpu.memory_space<hbm>>
      tpu.wait_dma2 semaphore(%run_scoped3A_1134 : memref<!tpu.dma_semaphore, #tpu.memory_space<semaphore_mem>>) src(%dma_wait3A_1154 : memref<512xi32, #tpu.memory_space<hbm>>) dst(%dma_wait3A_1151 : memref<512xi32, #tpu.memory_space<vmem>>)
      tpu.yield
    }) : () -> ()
    %run_scoped3A_3 = arith.constant 3 : i32
    "tpu.region"() ({
      %run_scoped3A_1134 = tpu.sem_alloc : memref<!tpu.dma_semaphore, #tpu.memory_space<semaphore_mem>>
      %dma_start3A_1135 = arith.constant 1536 : i32
      %dma_start3A_1136 = tpu.memref_slice %arg10[%dma_start3A_1135] : memref<5632xi32, #tpu.memory_space<vmem>> -> memref<512xi32, #tpu.memory_space<vmem>>
      %dma_start3A_1137 = arith.constant 0 : i32
      %dma_start3A_1138 = tpu.memref_slice %arg2[%run_scoped3A_3, %add3A, %dma_start3A_1137] : memref<9x32x512xi32, #tpu.memory_space<hbm>> -> memref<1x1x512xi32, #tpu.memory_space<hbm>>
      %dma_start3A_1139 = tpu.memref_squeeze %dma_start3A_1138 : memref<1x1x512xi32, #tpu.memory_space<hbm>> -> memref<512xi32, #tpu.memory_space<hbm>>
      %dma_start3A_1140 = arith.constant 1536 : i32
      %dma_start3A_1141 = tpu.memref_slice %arg10[%dma_start3A_1140] : memref<5632xi32, #tpu.memory_space<vmem>> -> memref<512xi32, #tpu.memory_space<vmem>>
      %dma_start3A_1142 = arith.constant 0 : i32
      %dma_start3A_1143 = tpu.memref_slice %arg2[%run_scoped3A_3, %add3A, %dma_start3A_1142] : memref<9x32x512xi32, #tpu.memory_space<hbm>> -> memref<1x1x512xi32, #tpu.memory_space<hbm>>
      %dma_start3A_1144 = tpu.memref_squeeze %dma_start3A_1143 : memref<1x1x512xi32, #tpu.memory_space<hbm>> -> memref<512xi32, #tpu.memory_space<hbm>>
      tpu.enqueue_dma source(%dma_start3A_1144 : memref<512xi32, #tpu.memory_space<hbm>>) target(%dma_start3A_1141 : memref<512xi32, #tpu.memory_space<vmem>>) target_semaphore(%run_scoped3A_1134 : memref<!tpu.dma_semaphore, #tpu.memory_space<semaphore_mem>>)
      %dma_wait3A_1145 = arith.constant 1536 : i32
      %dma_wait3A_1146 = tpu.memref_slice %arg10[%dma_wait3A_1145] : memref<5632xi32, #tpu.memory_space<vmem>> -> memref<512xi32, #tpu.memory_space<vmem>>
      %dma_wait3A_1147 = arith.constant 0 : i32
      %dma_wait3A_1148 = tpu.memref_slice %arg2[%run_scoped3A_3, %add3A, %dma_wait3A_1147] : memref<9x32x512xi32, #tpu.memory_space<hbm>> -> memref<1x1x512xi32, #tpu.memory_space<hbm>>
      %dma_wait3A_1149 = tpu.memref_squeeze %dma_wait3A_1148 : memref<1x1x512xi32, #tpu.memory_space<hbm>> -> memref<512xi32, #tpu.memory_space<hbm>>
      %dma_wait3A_1150 = arith.constant 1536 : i32
      %dma_wait3A_1151 = tpu.memref_slice %arg10[%dma_wait3A_1150] : memref<5632xi32, #tpu.memory_space<vmem>> -> memref<512xi32, #tpu.memory_space<vmem>>
      %dma_wait3A_1152 = arith.constant 0 : i32
      %dma_wait3A_1153 = tpu.memref_slice %arg2[%run_scoped3A_3, %add3A, %dma_wait3A_1152] : memref<9x32x512xi32, #tpu.memory_space<hbm>> -> memref<1x1x512xi32, #tpu.memory_space<hbm>>
      %dma_wait3A_1154 = tpu.memref_squeeze %dma_wait3A_1153 : memref<1x1x512xi32, #tpu.memory_space<hbm>> -> memref<512xi32, #tpu.memory_space<hbm>>
      tpu.wait_dma2 semaphore(%run_scoped3A_1134 : memref<!tpu.dma_semaphore, #tpu.memory_space<semaphore_mem>>) src(%dma_wait3A_1154 : memref<512xi32, #tpu.memory_space<hbm>>) dst(%dma_wait3A_1151 : memref<512xi32, #tpu.memory_space<vmem>>)
      tpu.yield
    }) : () -> ()
    %run_scoped3A_4 = arith.constant 4 : i32
    "tpu.region"() ({
      %run_scoped3A_1134 = tpu.sem_alloc : memref<!tpu.dma_semaphore, #tpu.memory_space<semaphore_mem>>
      %dma_start3A_1135 = arith.constant 2048 : i32
      %dma_start3A_1136 = tpu.memref_slice %arg10[%dma_start3A_1135] : memref<5632xi32, #tpu.memory_space<vmem>> -> memref<512xi32, #tpu.memory_space<vmem>>
      %dma_start3A_1137 = arith.constant 0 : i32
      %dma_start3A_1138 = tpu.memref_slice %arg2[%run_scoped3A_4, %add3A, %dma_start3A_1137] : memref<9x32x512xi32, #tpu.memory_space<hbm>> -> memref<1x1x512xi32, #tpu.memory_space<hbm>>
      %dma_start3A_1139 = tpu.memref_squeeze %dma_start3A_1138 : memref<1x1x512xi32, #tpu.memory_space<hbm>> -> memref<512xi32, #tpu.memory_space<hbm>>
      %dma_start3A_1140 = arith.constant 2048 : i32
      %dma_start3A_1141 = tpu.memref_slice %arg10[%dma_start3A_1140] : memref<5632xi32, #tpu.memory_space<vmem>> -> memref<512xi32, #tpu.memory_space<vmem>>
      %dma_start3A_1142 = arith.constant 0 : i32
      %dma_start3A_1143 = tpu.memref_slice %arg2[%run_scoped3A_4, %add3A, %dma_start3A_1142] : memref<9x32x512xi32, #tpu.memory_space<hbm>> -> memref<1x1x512xi32, #tpu.memory_space<hbm>>
      %dma_start3A_1144 = tpu.memref_squeeze %dma_start3A_1143 : memref<1x1x512xi32, #tpu.memory_space<hbm>> -> memref<512xi32, #tpu.memory_space<hbm>>
      tpu.enqueue_dma source(%dma_start3A_1144 : memref<512xi32, #tpu.memory_space<hbm>>) target(%dma_start3A_1141 : memref<512xi32, #tpu.memory_space<vmem>>) target_semaphore(%run_scoped3A_1134 : memref<!tpu.dma_semaphore, #tpu.memory_space<semaphore_mem>>)
      %dma_wait3A_1145 = arith.constant 2048 : i32
      %dma_wait3A_1146 = tpu.memref_slice %arg10[%dma_wait3A_1145] : memref<5632xi32, #tpu.memory_space<vmem>> -> memref<512xi32, #tpu.memory_space<vmem>>
      %dma_wait3A_1147 = arith.constant 0 : i32
      %dma_wait3A_1148 = tpu.memref_slice %arg2[%run_scoped3A_4, %add3A, %dma_wait3A_1147] : memref<9x32x512xi32, #tpu.memory_space<hbm>> -> memref<1x1x512xi32, #tpu.memory_space<hbm>>
      %dma_wait3A_1149 = tpu.memref_squeeze %dma_wait3A_1148 : memref<1x1x512xi32, #tpu.memory_space<hbm>> -> memref<512xi32, #tpu.memory_space<hbm>>
      %dma_wait3A_1150 = arith.constant 2048 : i32
      %dma_wait3A_1151 = tpu.memref_slice %arg10[%dma_wait3A_1150] : memref<5632xi32, #tpu.memory_space<vmem>> -> memref<512xi32, #tpu.memory_space<vmem>>
      %dma_wait3A_1152 = arith.constant 0 : i32
      %dma_wait3A_1153 = tpu.memref_slice %arg2[%run_scoped3A_4, %add3A, %dma_wait3A_1152] : memref<9x32x512xi32, #tpu.memory_space<hbm>> -> memref<1x1x512xi32, #tpu.memory_space<hbm>>
      %dma_wait3A_1154 = tpu.memref_squeeze %dma_wait3A_1153 : memref<1x1x512xi32, #tpu.memory_space<hbm>> -> memref<512xi32, #tpu.memory_space<hbm>>
      tpu.wait_dma2 semaphore(%run_scoped3A_1134 : memref<!tpu.dma_semaphore, #tpu.memory_space<semaphore_mem>>) src(%dma_wait3A_1154 : memref<512xi32, #tpu.memory_space<hbm>>) dst(%dma_wait3A_1151 : memref<512xi32, #tpu.memory_space<vmem>>)
      tpu.yield
    }) : () -> ()
    %run_scoped3A_5 = arith.constant 5 : i32
    "tpu.region"() ({
      %run_scoped3A_1134 = tpu.sem_alloc : memref<!tpu.dma_semaphore, #tpu.memory_space<semaphore_mem>>
      %dma_start3A_1135 = arith.constant 2560 : i32
      %dma_start3A_1136 = tpu.memref_slice %arg10[%dma_start3A_1135] : memref<5632xi32, #tpu.memory_space<vmem>> -> memref<512xi32, #tpu.memory_space<vmem>>
      %dma_start3A_1137 = arith.constant 0 : i32
      %dma_start3A_1138 = tpu.memref_slice %arg2[%run_scoped3A_5, %add3A, %dma_start3A_1137] : memref<9x32x512xi32, #tpu.memory_space<hbm>> -> memref<1x1x512xi32, #tpu.memory_space<hbm>>
      %dma_start3A_1139 = tpu.memref_squeeze %dma_start3A_1138 : memref<1x1x512xi32, #tpu.memory_space<hbm>> -> memref<512xi32, #tpu.memory_space<hbm>>
      %dma_start3A_1140 = arith.constant 2560 : i32
      %dma_start3A_1141 = tpu.memref_slice %arg10[%dma_start3A_1140] : memref<5632xi32, #tpu.memory_space<vmem>> -> memref<512xi32, #tpu.memory_space<vmem>>
      %dma_start3A_1142 = arith.constant 0 : i32
      %dma_start3A_1143 = tpu.memref_slice %arg2[%run_scoped3A_5, %add3A, %dma_start3A_1142] : memref<9x32x512xi32, #tpu.memory_space<hbm>> -> memref<1x1x512xi32, #tpu.memory_space<hbm>>
      %dma_start3A_1144 = tpu.memref_squeeze %dma_start3A_1143 : memref<1x1x512xi32, #tpu.memory_space<hbm>> -> memref<512xi32, #tpu.memory_space<hbm>>
      tpu.enqueue_dma source(%dma_start3A_1144 : memref<512xi32, #tpu.memory_space<hbm>>) target(%dma_start3A_1141 : memref<512xi32, #tpu.memory_space<vmem>>) target_semaphore(%run_scoped3A_1134 : memref<!tpu.dma_semaphore, #tpu.memory_space<semaphore_mem>>)
      %dma_wait3A_1145 = arith.constant 2560 : i32
      %dma_wait3A_1146 = tpu.memref_slice %arg10[%dma_wait3A_1145] : memref<5632xi32, #tpu.memory_space<vmem>> -> memref<512xi32, #tpu.memory_space<vmem>>
      %dma_wait3A_1147 = arith.constant 0 : i32
      %dma_wait3A_1148 = tpu.memref_slice %arg2[%run_scoped3A_5, %add3A, %dma_wait3A_1147] : memref<9x32x512xi32, #tpu.memory_space<hbm>> -> memref<1x1x512xi32, #tpu.memory_space<hbm>>
      %dma_wait3A_1149 = tpu.memref_squeeze %dma_wait3A_1148 : memref<1x1x512xi32, #tpu.memory_space<hbm>> -> memref<512xi32, #tpu.memory_space<hbm>>
      %dma_wait3A_1150 = arith.constant 2560 : i32
      %dma_wait3A_1151 = tpu.memref_slice %arg10[%dma_wait3A_1150] : memref<5632xi32, #tpu.memory_space<vmem>> -> memref<512xi32, #tpu.memory_space<vmem>>
      %dma_wait3A_1152 = arith.constant 0 : i32
      %dma_wait3A_1153 = tpu.memref_slice %arg2[%run_scoped3A_5, %add3A, %dma_wait3A_1152] : memref<9x32x512xi32, #tpu.memory_space<hbm>> -> memref<1x1x512xi32, #tpu.memory_space<hbm>>
      %dma_wait3A_1154 = tpu.memref_squeeze %dma_wait3A_1153 : memref<1x1x512xi32, #tpu.memory_space<hbm>> -> memref<512xi32, #tpu.memory_space<hbm>>
      tpu.wait_dma2 semaphore(%run_scoped3A_1134 : memref<!tpu.dma_semaphore, #tpu.memory_space<semaphore_mem>>) src(%dma_wait3A_1154 : memref<512xi32, #tpu.memory_space<hbm>>) dst(%dma_wait3A_1151 : memref<512xi32, #tpu.memory_space<vmem>>)
      tpu.yield
    }) : () -> ()
    %run_scoped3A_6 = arith.constant 6 : i32
    "tpu.region"() ({
      %run_scoped3A_1134 = tpu.sem_alloc : memref<!tpu.dma_semaphore, #tpu.memory_space<semaphore_mem>>
      %dma_start3A_1135 = arith.constant 3072 : i32
      %dma_start3A_1136 = tpu.memref_slice %arg10[%dma_start3A_1135] : memref<5632xi32, #tpu.memory_space<vmem>> -> memref<512xi32, #tpu.memory_space<vmem>>
      %dma_start3A_1137 = arith.constant 0 : i32
      %dma_start3A_1138 = tpu.memref_slice %arg2[%run_scoped3A_6, %add3A, %dma_start3A_1137] : memref<9x32x512xi32, #tpu.memory_space<hbm>> -> memref<1x1x512xi32, #tpu.memory_space<hbm>>
      %dma_start3A_1139 = tpu.memref_squeeze %dma_start3A_1138 : memref<1x1x512xi32, #tpu.memory_space<hbm>> -> memref<512xi32, #tpu.memory_space<hbm>>
      %dma_start3A_1140 = arith.constant 3072 : i32
      %dma_start3A_1141 = tpu.memref_slice %arg10[%dma_start3A_1140] : memref<5632xi32, #tpu.memory_space<vmem>> -> memref<512xi32, #tpu.memory_space<vmem>>
      %dma_start3A_1142 = arith.constant 0 : i32
      %dma_start3A_1143 = tpu.memref_slice %arg2[%run_scoped3A_6, %add3A, %dma_start3A_1142] : memref<9x32x512xi32, #tpu.memory_space<hbm>> -> memref<1x1x512xi32, #tpu.memory_space<hbm>>
      %dma_start3A_1144 = tpu.memref_squeeze %dma_start3A_1143 : memref<1x1x512xi32, #tpu.memory_space<hbm>> -> memref<512xi32, #tpu.memory_space<hbm>>
      tpu.enqueue_dma source(%dma_start3A_1144 : memref<512xi32, #tpu.memory_space<hbm>>) target(%dma_start3A_1141 : memref<512xi32, #tpu.memory_space<vmem>>) target_semaphore(%run_scoped3A_1134 : memref<!tpu.dma_semaphore, #tpu.memory_space<semaphore_mem>>)
      %dma_wait3A_1145 = arith.constant 3072 : i32
      %dma_wait3A_1146 = tpu.memref_slice %arg10[%dma_wait3A_1145] : memref<5632xi32, #tpu.memory_space<vmem>> -> memref<512xi32, #tpu.memory_space<vmem>>
      %dma_wait3A_1147 = arith.constant 0 : i32
      %dma_wait3A_1148 = tpu.memref_slice %arg2[%run_scoped3A_6, %add3A, %dma_wait3A_1147] : memref<9x32x512xi32, #tpu.memory_space<hbm>> -> memref<1x1x512xi32, #tpu.memory_space<hbm>>
      %dma_wait3A_1149 = tpu.memref_squeeze %dma_wait3A_1148 : memref<1x1x512xi32, #tpu.memory_space<hbm>> -> memref<512xi32, #tpu.memory_space<hbm>>
      %dma_wait3A_1150 = arith.constant 3072 : i32
      %dma_wait3A_1151 = tpu.memref_slice %arg10[%dma_wait3A_1150] : memref<5632xi32, #tpu.memory_space<vmem>> -> memref<512xi32, #tpu.memory_space<vmem>>
      %dma_wait3A_1152 = arith.constant 0 : i32
      %dma_wait3A_1153 = tpu.memref_slice %arg2[%run_scoped3A_6, %add3A, %dma_wait3A_1152] : memref<9x32x512xi32, #tpu.memory_space<hbm>> -> memref<1x1x512xi32, #tpu.memory_space<hbm>>
      %dma_wait3A_1154 = tpu.memref_squeeze %dma_wait3A_1153 : memref<1x1x512xi32, #tpu.memory_space<hbm>> -> memref<512xi32, #tpu.memory_space<hbm>>
      tpu.wait_dma2 semaphore(%run_scoped3A_1134 : memref<!tpu.dma_semaphore, #tpu.memory_space<semaphore_mem>>) src(%dma_wait3A_1154 : memref<512xi32, #tpu.memory_space<hbm>>) dst(%dma_wait3A_1151 : memref<512xi32, #tpu.memory_space<vmem>>)
      tpu.yield
    }) : () -> ()
    %run_scoped3A_7 = arith.constant 7 : i32
    "tpu.region"() ({
      %run_scoped3A_1134 = tpu.sem_alloc : memref<!tpu.dma_semaphore, #tpu.memory_space<semaphore_mem>>
      %dma_start3A_1135 = arith.constant 3584 : i32
      %dma_start3A_1136 = tpu.memref_slice %arg10[%dma_start3A_1135] : memref<5632xi32, #tpu.memory_space<vmem>> -> memref<512xi32, #tpu.memory_space<vmem>>
      %dma_start3A_1137 = arith.constant 0 : i32
      %dma_start3A_1138 = tpu.memref_slice %arg2[%run_scoped3A_7, %add3A, %dma_start3A_1137] : memref<9x32x512xi32, #tpu.memory_space<hbm>> -> memref<1x1x512xi32, #tpu.memory_space<hbm>>
      %dma_start3A_1139 = tpu.memref_squeeze %dma_start3A_1138 : memref<1x1x512xi32, #tpu.memory_space<hbm>> -> memref<512xi32, #tpu.memory_space<hbm>>
      %dma_start3A_1140 = arith.constant 3584 : i32
      %dma_start3A_1141 = tpu.memref_slice %arg10[%dma_start3A_1140] : memref<5632xi32, #tpu.memory_space<vmem>> -> memref<512xi32, #tpu.memory_space<vmem>>
      %dma_start3A_1142 = arith.constant 0 : i32
      %dma_start3A_1143 = tpu.memref_slice %arg2[%run_scoped3A_7, %add3A, %dma_start3A_1142] : memref<9x32x512xi32, #tpu.memory_space<hbm>> -> memref<1x1x512xi32, #tpu.memory_space<hbm>>
      %dma_start3A_1144 = tpu.memref_squeeze %dma_start3A_1143 : memref<1x1x512xi32, #tpu.memory_space<hbm>> -> memref<512xi32, #tpu.memory_space<hbm>>
      tpu.enqueue_dma source(%dma_start3A_1144 : memref<512xi32, #tpu.memory_space<hbm>>) target(%dma_start3A_1141 : memref<512xi32, #tpu.memory_space<vmem>>) target_semaphore(%run_scoped3A_1134 : memref<!tpu.dma_semaphore, #tpu.memory_space<semaphore_mem>>)
      %dma_wait3A_1145 = arith.constant 3584 : i32
      %dma_wait3A_1146 = tpu.memref_slice %arg10[%dma_wait3A_1145] : memref<5632xi32, #tpu.memory_space<vmem>> -> memref<512xi32, #tpu.memory_space<vmem>>
      %dma_wait3A_1147 = arith.constant 0 : i32
      %dma_wait3A_1148 = tpu.memref_slice %arg2[%run_scoped3A_7, %add3A, %dma_wait3A_1147] : memref<9x32x512xi32, #tpu.memory_space<hbm>> -> memref<1x1x512xi32, #tpu.memory_space<hbm>>
      %dma_wait3A_1149 = tpu.memref_squeeze %dma_wait3A_1148 : memref<1x1x512xi32, #tpu.memory_space<hbm>> -> memref<512xi32, #tpu.memory_space<hbm>>
      %dma_wait3A_1150 = arith.constant 3584 : i32
      %dma_wait3A_1151 = tpu.memref_slice %arg10[%dma_wait3A_1150] : memref<5632xi32, #tpu.memory_space<vmem>> -> memref<512xi32, #tpu.memory_space<vmem>>
      %dma_wait3A_1152 = arith.constant 0 : i32
      %dma_wait3A_1153 = tpu.memref_slice %arg2[%run_scoped3A_7, %add3A, %dma_wait3A_1152] : memref<9x32x512xi32, #tpu.memory_space<hbm>> -> memref<1x1x512xi32, #tpu.memory_space<hbm>>
      %dma_wait3A_1154 = tpu.memref_squeeze %dma_wait3A_1153 : memref<1x1x512xi32, #tpu.memory_space<hbm>> -> memref<512xi32, #tpu.memory_space<hbm>>
      tpu.wait_dma2 semaphore(%run_scoped3A_1134 : memref<!tpu.dma_semaphore, #tpu.memory_space<semaphore_mem>>) src(%dma_wait3A_1154 : memref<512xi32, #tpu.memory_space<hbm>>) dst(%dma_wait3A_1151 : memref<512xi32, #tpu.memory_space<vmem>>)
      tpu.yield
    }) : () -> ()
    %run_scoped3A_8 = arith.constant 8 : i32
    "tpu.region"() ({
      %run_scoped3A_1134 = tpu.sem_alloc : memref<!tpu.dma_semaphore, #tpu.memory_space<semaphore_mem>>
      %dma_start3A_1135 = arith.constant 4096 : i32
      %dma_start3A_1136 = tpu.memref_slice %arg10[%dma_start3A_1135] : memref<5632xi32, #tpu.memory_space<vmem>> -> memref<512xi32, #tpu.memory_space<vmem>>
      %dma_start3A_1137 = arith.constant 0 : i32
      %dma_start3A_1138 = tpu.memref_slice %arg2[%run_scoped3A_8, %add3A, %dma_start3A_1137] : memref<9x32x512xi32, #tpu.memory_space<hbm>> -> memref<1x1x512xi32, #tpu.memory_space<hbm>>
      %dma_start3A_1139 = tpu.memref_squeeze %dma_start3A_1138 : memref<1x1x512xi32, #tpu.memory_space<hbm>> -> memref<512xi32, #tpu.memory_space<hbm>>
      %dma_start3A_1140 = arith.constant 4096 : i32
      %dma_start3A_1141 = tpu.memref_slice %arg10[%dma_start3A_1140] : memref<5632xi32, #tpu.memory_space<vmem>> -> memref<512xi32, #tpu.memory_space<vmem>>
      %dma_start3A_1142 = arith.constant 0 : i32
      %dma_start3A_1143 = tpu.memref_slice %arg2[%run_scoped3A_8, %add3A, %dma_start3A_1142] : memref<9x32x512xi32, #tpu.memory_space<hbm>> -> memref<1x1x512xi32, #tpu.memory_space<hbm>>
      %dma_start3A_1144 = tpu.memref_squeeze %dma_start3A_1143 : memref<1x1x512xi32, #tpu.memory_space<hbm>> -> memref<512xi32, #tpu.memory_space<hbm>>
      tpu.enqueue_dma source(%dma_start3A_1144 : memref<512xi32, #tpu.memory_space<hbm>>) target(%dma_start3A_1141 : memref<512xi32, #tpu.memory_space<vmem>>) target_semaphore(%run_scoped3A_1134 : memref<!tpu.dma_semaphore, #tpu.memory_space<semaphore_mem>>)
      %dma_wait3A_1145 = arith.constant 4096 : i32
      %dma_wait3A_1146 = tpu.memref_slice %arg10[%dma_wait3A_1145] : memref<5632xi32, #tpu.memory_space<vmem>> -> memref<512xi32, #tpu.memory_space<vmem>>
      %dma_wait3A_1147 = arith.constant 0 : i32
      %dma_wait3A_1148 = tpu.memref_slice %arg2[%run_scoped3A_8, %add3A, %dma_wait3A_1147] : memref<9x32x512xi32, #tpu.memory_space<hbm>> -> memref<1x1x512xi32, #tpu.memory_space<hbm>>
      %dma_wait3A_1149 = tpu.memref_squeeze %dma_wait3A_1148 : memref<1x1x512xi32, #tpu.memory_space<hbm>> -> memref<512xi32, #tpu.memory_space<hbm>>
      %dma_wait3A_1150 = arith.constant 4096 : i32
      %dma_wait3A_1151 = tpu.memref_slice %arg10[%dma_wait3A_1150] : memref<5632xi32, #tpu.memory_space<vmem>> -> memref<512xi32, #tpu.memory_space<vmem>>
      %dma_wait3A_1152 = arith.constant 0 : i32
      %dma_wait3A_1153 = tpu.memref_slice %arg2[%run_scoped3A_8, %add3A, %dma_wait3A_1152] : memref<9x32x512xi32, #tpu.memory_space<hbm>> -> memref<1x1x512xi32, #tpu.memory_space<hbm>>
      %dma_wait3A_1154 = tpu.memref_squeeze %dma_wait3A_1153 : memref<1x1x512xi32, #tpu.memory_space<hbm>> -> memref<512xi32, #tpu.memory_space<hbm>>
      tpu.wait_dma2 semaphore(%run_scoped3A_1134 : memref<!tpu.dma_semaphore, #tpu.memory_space<semaphore_mem>>) src(%dma_wait3A_1154 : memref<512xi32, #tpu.memory_space<hbm>>) dst(%dma_wait3A_1151 : memref<512xi32, #tpu.memory_space<vmem>>)
      tpu.yield
    }) : () -> ()
    %run_scoped3A_9 = arith.constant 0 : i32
    "tpu.region"() ({
      %run_scoped3A_1134 = tpu.sem_alloc : memref<!tpu.dma_semaphore, #tpu.memory_space<semaphore_mem>>
      %dma_start3A_1135 = arith.constant 4608 : i32
      %dma_start3A_1136 = tpu.memref_slice %arg10[%dma_start3A_1135] : memref<5632xi32, #tpu.memory_space<vmem>> -> memref<512xi32, #tpu.memory_space<vmem>>
      %dma_start3A_1137 = arith.constant 0 : i32
      %dma_start3A_1138 = tpu.memref_slice %arg3[%run_scoped3A_9, %add3A, %dma_start3A_1137] : memref<2x32x512xi32, #tpu.memory_space<hbm>> -> memref<1x1x512xi32, #tpu.memory_space<hbm>>
      %dma_start3A_1139 = tpu.memref_squeeze %dma_start3A_1138 : memref<1x1x512xi32, #tpu.memory_space<hbm>> -> memref<512xi32, #tpu.memory_space<hbm>>
      %dma_start3A_1140 = arith.constant 4608 : i32
      %dma_start3A_1141 = tpu.memref_slice %arg10[%dma_start3A_1140] : memref<5632xi32, #tpu.memory_space<vmem>> -> memref<512xi32, #tpu.memory_space<vmem>>
      %dma_start3A_1142 = arith.constant 0 : i32
      %dma_start3A_1143 = tpu.memref_slice %arg3[%run_scoped3A_9, %add3A, %dma_start3A_1142] : memref<2x32x512xi32, #tpu.memory_space<hbm>> -> memref<1x1x512xi32, #tpu.memory_space<hbm>>
      %dma_start3A_1144 = tpu.memref_squeeze %dma_start3A_1143 : memref<1x1x512xi32, #tpu.memory_space<hbm>> -> memref<512xi32, #tpu.memory_space<hbm>>
      tpu.enqueue_dma source(%dma_start3A_1144 : memref<512xi32, #tpu.memory_space<hbm>>) target(%dma_start3A_1141 : memref<512xi32, #tpu.memory_space<vmem>>) target_semaphore(%run_scoped3A_1134 : memref<!tpu.dma_semaphore, #tpu.memory_space<semaphore_mem>>)
      %dma_wait3A_1145 = arith.constant 4608 : i32
      %dma_wait3A_1146 = tpu.memref_slice %arg10[%dma_wait3A_1145] : memref<5632xi32, #tpu.memory_space<vmem>> -> memref<512xi32, #tpu.memory_space<vmem>>
      %dma_wait3A_1147 = arith.constant 0 : i32
      %dma_wait3A_1148 = tpu.memref_slice %arg3[%run_scoped3A_9, %add3A, %dma_wait3A_1147] : memref<2x32x512xi32, #tpu.memory_space<hbm>> -> memref<1x1x512xi32, #tpu.memory_space<hbm>>
      %dma_wait3A_1149 = tpu.memref_squeeze %dma_wait3A_1148 : memref<1x1x512xi32, #tpu.memory_space<hbm>> -> memref<512xi32, #tpu.memory_space<hbm>>
      %dma_wait3A_1150 = arith.constant 4608 : i32
      %dma_wait3A_1151 = tpu.memref_slice %arg10[%dma_wait3A_1150] : memref<5632xi32, #tpu.memory_space<vmem>> -> memref<512xi32, #tpu.memory_space<vmem>>
      %dma_wait3A_1152 = arith.constant 0 : i32
      %dma_wait3A_1153 = tpu.memref_slice %arg3[%run_scoped3A_9, %add3A, %dma_wait3A_1152] : memref<2x32x512xi32, #tpu.memory_space<hbm>> -> memref<1x1x512xi32, #tpu.memory_space<hbm>>
      %dma_wait3A_1154 = tpu.memref_squeeze %dma_wait3A_1153 : memref<1x1x512xi32, #tpu.memory_space<hbm>> -> memref<512xi32, #tpu.memory_space<hbm>>
      tpu.wait_dma2 semaphore(%run_scoped3A_1134 : memref<!tpu.dma_semaphore, #tpu.memory_space<semaphore_mem>>) src(%dma_wait3A_1154 : memref<512xi32, #tpu.memory_space<hbm>>) dst(%dma_wait3A_1151 : memref<512xi32, #tpu.memory_space<vmem>>)
      tpu.yield
    }) : () -> ()
    %run_scoped3A_10 = arith.constant 1 : i32
    "tpu.region"() ({
      %run_scoped3A_1134 = tpu.sem_alloc : memref<!tpu.dma_semaphore, #tpu.memory_space<semaphore_mem>>
      %dma_start3A_1135 = arith.constant 5120 : i32
      %dma_start3A_1136 = tpu.memref_slice %arg10[%dma_start3A_1135] : memref<5632xi32, #tpu.memory_space<vmem>> -> memref<512xi32, #tpu.memory_space<vmem>>
      %dma_start3A_1137 = arith.constant 0 : i32
      %dma_start3A_1138 = tpu.memref_slice %arg3[%run_scoped3A_10, %add3A, %dma_start3A_1137] : memref<2x32x512xi32, #tpu.memory_space<hbm>> -> memref<1x1x512xi32, #tpu.memory_space<hbm>>
      %dma_start3A_1139 = tpu.memref_squeeze %dma_start3A_1138 : memref<1x1x512xi32, #tpu.memory_space<hbm>> -> memref<512xi32, #tpu.memory_space<hbm>>
      %dma_start3A_1140 = arith.constant 5120 : i32
      %dma_start3A_1141 = tpu.memref_slice %arg10[%dma_start3A_1140] : memref<5632xi32, #tpu.memory_space<vmem>> -> memref<512xi32, #tpu.memory_space<vmem>>
      %dma_start3A_1142 = arith.constant 0 : i32
      %dma_start3A_1143 = tpu.memref_slice %arg3[%run_scoped3A_10, %add3A, %dma_start3A_1142] : memref<2x32x512xi32, #tpu.memory_space<hbm>> -> memref<1x1x512xi32, #tpu.memory_space<hbm>>
      %dma_start3A_1144 = tpu.memref_squeeze %dma_start3A_1143 : memref<1x1x512xi32, #tpu.memory_space<hbm>> -> memref<512xi32, #tpu.memory_space<hbm>>
      tpu.enqueue_dma source(%dma_start3A_1144 : memref<512xi32, #tpu.memory_space<hbm>>) target(%dma_start3A_1141 : memref<512xi32, #tpu.memory_space<vmem>>) target_semaphore(%run_scoped3A_1134 : memref<!tpu.dma_semaphore, #tpu.memory_space<semaphore_mem>>)
      %dma_wait3A_1145 = arith.constant 5120 : i32
      %dma_wait3A_1146 = tpu.memref_slice %arg10[%dma_wait3A_1145] : memref<5632xi32, #tpu.memory_space<vmem>> -> memref<512xi32, #tpu.memory_space<vmem>>
      %dma_wait3A_1147 = arith.constant 0 : i32
      %dma_wait3A_1148 = tpu.memref_slice %arg3[%run_scoped3A_10, %add3A, %dma_wait3A_1147] : memref<2x32x512xi32, #tpu.memory_space<hbm>> -> memref<1x1x512xi32, #tpu.memory_space<hbm>>
      %dma_wait3A_1149 = tpu.memref_squeeze %dma_wait3A_1148 : memref<1x1x512xi32, #tpu.memory_space<hbm>> -> memref<512xi32, #tpu.memory_space<hbm>>
      %dma_wait3A_1150 = arith.constant 5120 : i32
      %dma_wait3A_1151 = tpu.memref_slice %arg10[%dma_wait3A_1150] : memref<5632xi32, #tpu.memory_space<vmem>> -> memref<512xi32, #tpu.memory_space<vmem>>
      %dma_wait3A_1152 = arith.constant 0 : i32
      %dma_wait3A_1153 = tpu.memref_slice %arg3[%run_scoped3A_10, %add3A, %dma_wait3A_1152] : memref<2x32x512xi32, #tpu.memory_space<hbm>> -> memref<1x1x512xi32, #tpu.memory_space<hbm>>
      %dma_wait3A_1154 = tpu.memref_squeeze %dma_wait3A_1153 : memref<1x1x512xi32, #tpu.memory_space<hbm>> -> memref<512xi32, #tpu.memory_space<hbm>>
      tpu.wait_dma2 semaphore(%run_scoped3A_1134 : memref<!tpu.dma_semaphore, #tpu.memory_space<semaphore_mem>>) src(%dma_wait3A_1154 : memref<512xi32, #tpu.memory_space<hbm>>) dst(%dma_wait3A_1151 : memref<512xi32, #tpu.memory_space<vmem>>)
      tpu.yield
    }) : () -> ()
    %dma_start3A = arith.constant 0 : i32
    %dma_start3A_11 = tpu.memref_slice %arg10[%dma_start3A] : memref<5632xi32, #tpu.memory_space<vmem>> -> memref<4608xi32, #tpu.memory_space<vmem>>
    %dma_start3A_12 = arith.constant 0 : i32
    %dma_start3A_13 = tpu.memref_slice %arg5[%dma_start3A_12] : memref<1000000xf32, #tpu.memory_space<hbm>> -> memref<1000000xf32, #tpu.memory_space<hbm>>
    tpu.enqueue_indirect_dma source(%dma_start3A_13 : memref<1000000xf32, #tpu.memory_space<hbm>>) target(%arg14 : memref<4608xf32, #tpu.memory_space<vmem>>) offsets(%dma_start3A_11 : memref<4608xi32, #tpu.memory_space<vmem>>) semaphore(%arg21 : memref<!tpu.dma_semaphore, #tpu.memory_space<semaphore_mem>>)
    %dma_start3A_14 = arith.constant 0 : i32
    %dma_start3A_15 = tpu.memref_slice %arg10[%dma_start3A_14] : memref<5632xi32, #tpu.memory_space<vmem>> -> memref<256xi32, #tpu.memory_space<vmem>>
    %dma_start3A_16 = arith.constant 0 : i32
    %dma_start3A_17 = arith.constant 0 : i32
    %dma_start3A_18 = tpu.memref_slice %arg4[%dma_start3A_16, %dma_start3A_17] : memref<1000000x128xf32, #tpu.memory_space<hbm>> -> memref<1000000x128xf32, #tpu.memory_space<hbm>>
    tpu.enqueue_indirect_dma source(%dma_start3A_18 : memref<1000000x128xf32, #tpu.memory_space<hbm>>) target(%arg11 : memref<256x128xf32, #tpu.memory_space<vmem>>) offsets(%dma_start3A_15 : memref<256xi32, #tpu.memory_space<vmem>>) semaphore(%arg15 : memref<!tpu.dma_semaphore, #tpu.memory_space<semaphore_mem>>)
    %dma_start3A_19 = arith.constant 256 : i32
    %dma_start3A_20 = tpu.memref_slice %arg10[%dma_start3A_19] : memref<5632xi32, #tpu.memory_space<vmem>> -> memref<256xi32, #tpu.memory_space<vmem>>
    %dma_start3A_21 = arith.constant 0 : i32
    %dma_start3A_22 = arith.constant 0 : i32
    %dma_start3A_23 = tpu.memref_slice %arg4[%dma_start3A_21, %dma_start3A_22] : memref<1000000x128xf32, #tpu.memory_space<hbm>> -> memref<1000000x128xf32, #tpu.memory_space<hbm>>
    tpu.enqueue_indirect_dma source(%dma_start3A_23 : memref<1000000x128xf32, #tpu.memory_space<hbm>>) target(%arg12 : memref<256x128xf32, #tpu.memory_space<vmem>>) offsets(%dma_start3A_20 : memref<256xi32, #tpu.memory_space<vmem>>) semaphore(%arg16 : memref<!tpu.dma_semaphore, #tpu.memory_space<semaphore_mem>>)
    %dma_wait3A = arith.constant 0 : i32
    %dma_wait3A_24 = tpu.memref_slice %arg10[%dma_wait3A] : memref<5632xi32, #tpu.memory_space<vmem>> -> memref<256xi32, #tpu.memory_space<vmem>>
    %dma_wait3A_25 = arith.constant 0 : i32
    %dma_wait3A_26 = arith.constant 0 : i32
    %dma_wait3A_27 = tpu.memref_slice %arg4[%dma_wait3A_25, %dma_wait3A_26] : memref<1000000x128xf32, #tpu.memory_space<hbm>> -> memref<1000000x128xf32, #tpu.memory_space<hbm>>
    tpu.wait_indirect_dma semaphore(%arg15 : memref<!tpu.dma_semaphore, #tpu.memory_space<semaphore_mem>>) src(%dma_wait3A_27 : memref<1000000x128xf32, #tpu.memory_space<hbm>>) dst(%arg11 : memref<256x128xf32, #tpu.memory_space<vmem>>)
    %mul3A_28 = arith.constant 256 : i32
    %mul3A_29 = arith.muli %add3A, %mul3A_28 : i32
    %dma_start3A_30 = arith.constant 0 : i32
    %dma_start3A_31 = arith.constant 0 : i32
    %dma_start3A_32 = arith.constant 0 : i32
    %dma_start3A_33 = tpu.memref_slice %arg11[%dma_start3A_31, %dma_start3A_32] : memref<256x128xf32, #tpu.memory_space<vmem>> -> memref<256x64xf32, #tpu.memory_space<vmem>>
    %dma_start3A_34 = arith.constant 0 : i32
    %dma_start3A_35 = tpu.memref_slice %arg7[%dma_start3A_30, %mul3A_29, %dma_start3A_34] : memref<9x8192x128xf32, #tpu.memory_space<hbm>> -> memref<1x256x128xf32, #tpu.memory_space<hbm>>
    %dma_start3A_36 = tpu.memref_squeeze %dma_start3A_35 : memref<1x256x128xf32, #tpu.memory_space<hbm>> -> memref<256x128xf32, #tpu.memory_space<hbm>>
    %dma_start3A_37 = arith.constant 0 : i32
    %dma_start3A_38 = arith.constant 0 : i32
    %dma_start3A_39 = tpu.memref_slice %dma_start3A_36[%dma_start3A_37, %dma_start3A_38] : memref<256x128xf32, #tpu.memory_space<hbm>> -> memref<256x64xf32, #tpu.memory_space<hbm>>
    %dma_start3A_40 = arith.constant 0 : i32
    %dma_start3A_41 = tpu.memref_slice %arg7[%dma_start3A_30, %mul3A_29, %dma_start3A_40] : memref<9x8192x128xf32, #tpu.memory_space<hbm>> -> memref<1x256x128xf32, #tpu.memory_space<hbm>>
    %dma_start3A_42 = tpu.memref_squeeze %dma_start3A_41 : memref<1x256x128xf32, #tpu.memory_space<hbm>> -> memref<256x128xf32, #tpu.memory_space<hbm>>
    %dma_start3A_43 = arith.constant 0 : i32
    %dma_start3A_44 = arith.constant 0 : i32
    %dma_start3A_45 = tpu.memref_slice %dma_start3A_42[%dma_start3A_43, %dma_start3A_44] : memref<256x128xf32, #tpu.memory_space<hbm>> -> memref<256x64xf32, #tpu.memory_space<hbm>>
    %dma_start3A_46 = arith.constant 0 : i32
    %dma_start3A_47 = arith.constant 0 : i32
    %dma_start3A_48 = tpu.memref_slice %arg11[%dma_start3A_46, %dma_start3A_47] : memref<256x128xf32, #tpu.memory_space<vmem>> -> memref<256x64xf32, #tpu.memory_space<vmem>>
    tpu.enqueue_dma source(%dma_start3A_48 : memref<256x64xf32, #tpu.memory_space<vmem>>) target(%dma_start3A_45 : memref<256x64xf32, #tpu.memory_space<hbm>>) target_semaphore(%arg18 : memref<!tpu.dma_semaphore, #tpu.memory_space<semaphore_mem>>)
    %dma_start3A_49 = arith.constant 512 : i32
    %dma_start3A_50 = tpu.memref_slice %arg10[%dma_start3A_49] : memref<5632xi32, #tpu.memory_space<vmem>> -> memref<256xi32, #tpu.memory_space<vmem>>
    %dma_start3A_51 = arith.constant 0 : i32
    %dma_start3A_52 = arith.constant 0 : i32
    %dma_start3A_53 = tpu.memref_slice %arg4[%dma_start3A_51, %dma_start3A_52] : memref<1000000x128xf32, #tpu.memory_space<hbm>> -> memref<1000000x128xf32, #tpu.memory_space<hbm>>
    tpu.enqueue_indirect_dma source(%dma_start3A_53 : memref<1000000x128xf32, #tpu.memory_space<hbm>>) target(%arg13 : memref<256x128xf32, #tpu.memory_space<vmem>>) offsets(%dma_start3A_50 : memref<256xi32, #tpu.memory_space<vmem>>) semaphore(%arg17 : memref<!tpu.dma_semaphore, #tpu.memory_space<semaphore_mem>>)
    %dma_wait3A_54 = arith.constant 256 : i32
    %dma_wait3A_55 = tpu.memref_slice %arg10[%dma_wait3A_54] : memref<5632xi32, #tpu.memory_space<vmem>> -> memref<256xi32, #tpu.memory_space<vmem>>
    %dma_wait3A_56 = arith.constant 0 : i32
    %dma_wait3A_57 = arith.constant 0 : i32
    %dma_wait3A_58 = tpu.memref_slice %arg4[%dma_wait3A_56, %dma_wait3A_57] : memref<1000000x128xf32, #tpu.memory_space<hbm>> -> memref<1000000x128xf32, #tpu.memory_space<hbm>>
    tpu.wait_indirect_dma semaphore(%arg16 : memref<!tpu.dma_semaphore, #tpu.memory_space<semaphore_mem>>) src(%dma_wait3A_58 : memref<1000000x128xf32, #tpu.memory_space<hbm>>) dst(%arg12 : memref<256x128xf32, #tpu.memory_space<vmem>>)
    %mul3A_59 = arith.constant 256 : i32
    %mul3A_60 = arith.muli %add3A, %mul3A_59 : i32
    %dma_start3A_61 = arith.constant 0 : i32
    %dma_start3A_62 = arith.constant 0 : i32
    %dma_start3A_63 = arith.constant 0 : i32
    %dma_start3A_64 = tpu.memref_slice %arg12[%dma_start3A_62, %dma_start3A_63] : memref<256x128xf32, #tpu.memory_space<vmem>> -> memref<256x64xf32, #tpu.memory_space<vmem>>
    %dma_start3A_65 = arith.constant 0 : i32
    %dma_start3A_66 = tpu.memref_slice %arg7[%dma_start3A_61, %mul3A_60, %dma_start3A_65] : memref<9x8192x128xf32, #tpu.memory_space<hbm>> -> memref<1x256x128xf32, #tpu.memory_space<hbm>>
    %dma_start3A_67 = tpu.memref_squeeze %dma_start3A_66 : memref<1x256x128xf32, #tpu.memory_space<hbm>> -> memref<256x128xf32, #tpu.memory_space<hbm>>
    %dma_start3A_68 = arith.constant 0 : i32
    %dma_start3A_69 = arith.constant 64 : i32
    %dma_start3A_70 = tpu.memref_slice %dma_start3A_67[%dma_start3A_68, %dma_start3A_69] : memref<256x128xf32, #tpu.memory_space<hbm>> -> memref<256x64xf32, #tpu.memory_space<hbm>>
    %dma_start3A_71 = arith.constant 0 : i32
    %dma_start3A_72 = tpu.memref_slice %arg7[%dma_start3A_61, %mul3A_60, %dma_start3A_71] : memref<9x8192x128xf32, #tpu.memory_space<hbm>> -> memref<1x256x128xf32, #tpu.memory_space<hbm>>
    %dma_start3A_73 = tpu.memref_squeeze %dma_start3A_72 : memref<1x256x128xf32, #tpu.memory_space<hbm>> -> memref<256x128xf32, #tpu.memory_space<hbm>>
    %dma_start3A_74 = arith.constant 0 : i32
    %dma_start3A_75 = arith.constant 64 : i32
    %dma_start3A_76 = tpu.memref_slice %dma_start3A_73[%dma_start3A_74, %dma_start3A_75] : memref<256x128xf32, #tpu.memory_space<hbm>> -> memref<256x64xf32, #tpu.memory_space<hbm>>
    %dma_start3A_77 = arith.constant 0 : i32
    %dma_start3A_78 = arith.constant 0 : i32
    %dma_start3A_79 = tpu.memref_slice %arg12[%dma_start3A_77, %dma_start3A_78] : memref<256x128xf32, #tpu.memory_space<vmem>> -> memref<256x64xf32, #tpu.memory_space<vmem>>
    tpu.enqueue_dma source(%dma_start3A_79 : memref<256x64xf32, #tpu.memory_space<vmem>>) target(%dma_start3A_76 : memref<256x64xf32, #tpu.memory_space<hbm>>) target_semaphore(%arg19 : memref<!tpu.dma_semaphore, #tpu.memory_space<semaphore_mem>>)
    %dma_wait3A_80 = arith.constant 0 : i32
    %dma_wait3A_81 = arith.constant 0 : i32
    %dma_wait3A_82 = arith.constant 0 : i32
    %dma_wait3A_83 = tpu.memref_slice %arg11[%dma_wait3A_81, %dma_wait3A_82] : memref<256x128xf32, #tpu.memory_space<vmem>> -> memref<256x64xf32, #tpu.memory_space<vmem>>
    %dma_wait3A_84 = arith.constant 0 : i32
    %dma_wait3A_85 = tpu.memref_slice %arg7[%dma_wait3A_80, %mul3A_29, %dma_wait3A_84] : memref<9x8192x128xf32, #tpu.memory_space<hbm>> -> memref<1x256x128xf32, #tpu.memory_space<hbm>>
    %dma_wait3A_86 = tpu.memref_squeeze %dma_wait3A_85 : memref<1x256x128xf32, #tpu.memory_space<hbm>> -> memref<256x128xf32, #tpu.memory_space<hbm>>
    %dma_wait3A_87 = arith.constant 0 : i32
    %dma_wait3A_88 = arith.constant 0 : i32
    %dma_wait3A_89 = tpu.memref_slice %dma_wait3A_86[%dma_wait3A_87, %dma_wait3A_88] : memref<256x128xf32, #tpu.memory_space<hbm>> -> memref<256x64xf32, #tpu.memory_space<hbm>>
    %dma_wait3A_90 = arith.constant 0 : i32
    %dma_wait3A_91 = tpu.memref_slice %arg7[%dma_wait3A_80, %mul3A_29, %dma_wait3A_90] : memref<9x8192x128xf32, #tpu.memory_space<hbm>> -> memref<1x256x128xf32, #tpu.memory_space<hbm>>
    %dma_wait3A_92 = tpu.memref_squeeze %dma_wait3A_91 : memref<1x256x128xf32, #tpu.memory_space<hbm>> -> memref<256x128xf32, #tpu.memory_space<hbm>>
    %dma_wait3A_93 = arith.constant 0 : i32
    %dma_wait3A_94 = arith.constant 0 : i32
    %dma_wait3A_95 = tpu.memref_slice %dma_wait3A_92[%dma_wait3A_93, %dma_wait3A_94] : memref<256x128xf32, #tpu.memory_space<hbm>> -> memref<256x64xf32, #tpu.memory_space<hbm>>
    %dma_wait3A_96 = arith.constant 0 : i32
    %dma_wait3A_97 = arith.constant 0 : i32
    %dma_wait3A_98 = tpu.memref_slice %arg11[%dma_wait3A_96, %dma_wait3A_97] : memref<256x128xf32, #tpu.memory_space<vmem>> -> memref<256x64xf32, #tpu.memory_space<vmem>>
    tpu.wait_dma2 semaphore(%arg18 : memref<!tpu.dma_semaphore, #tpu.memory_space<semaphore_mem>>) src(%dma_wait3A_98 : memref<256x64xf32, #tpu.memory_space<vmem>>) dst(%dma_wait3A_95 : memref<256x64xf32, #tpu.memory_space<hbm>>)
    %dma_start3A_99 = arith.constant 768 : i32
    %dma_start3A_100 = tpu.memref_slice %arg10[%dma_start3A_99] : memref<5632xi32, #tpu.memory_space<vmem>> -> memref<256xi32, #tpu.memory_space<vmem>>
    %dma_start3A_101 = arith.constant 0 : i32
    %dma_start3A_102 = arith.constant 0 : i32
    %dma_start3A_103 = tpu.memref_slice %arg4[%dma_start3A_101, %dma_start3A_102] : memref<1000000x128xf32, #tpu.memory_space<hbm>> -> memref<1000000x128xf32, #tpu.memory_space<hbm>>
    tpu.enqueue_indirect_dma source(%dma_start3A_103 : memref<1000000x128xf32, #tpu.memory_space<hbm>>) target(%arg11 : memref<256x128xf32, #tpu.memory_space<vmem>>) offsets(%dma_start3A_100 : memref<256xi32, #tpu.memory_space<vmem>>) semaphore(%arg15 : memref<!tpu.dma_semaphore, #tpu.memory_space<semaphore_mem>>)
    %dma_wait3A_104 = arith.constant 512 : i32
    %dma_wait3A_105 = tpu.memref_slice %arg10[%dma_wait3A_104] : memref<5632xi32, #tpu.memory_space<vmem>> -> memref<256xi32, #tpu.memory_space<vmem>>
    %dma_wait3A_106 = arith.constant 0 : i32
    %dma_wait3A_107 = arith.constant 0 : i32
    %dma_wait3A_108 = tpu.memref_slice %arg4[%dma_wait3A_106, %dma_wait3A_107] : memref<1000000x128xf32, #tpu.memory_space<hbm>> -> memref<1000000x128xf32, #tpu.memory_space<hbm>>
    tpu.wait_indirect_dma semaphore(%arg17 : memref<!tpu.dma_semaphore, #tpu.memory_space<semaphore_mem>>) src(%dma_wait3A_108 : memref<1000000x128xf32, #tpu.memory_space<hbm>>) dst(%arg13 : memref<256x128xf32, #tpu.memory_space<vmem>>)
    %mul3A_109 = arith.constant 256 : i32
    %mul3A_110 = arith.muli %add3A, %mul3A_109 : i32
    %dma_start3A_111 = arith.constant 1 : i32
    %dma_start3A_112 = arith.constant 0 : i32
    %dma_start3A_113 = arith.constant 0 : i32
    %dma_start3A_114 = tpu.memref_slice %arg13[%dma_start3A_112, %dma_start3A_113] : memref<256x128xf32, #tpu.memory_space<vmem>> -> memref<256x64xf32, #tpu.memory_space<vmem>>
    %dma_start3A_115 = arith.constant 0 : i32
    %dma_start3A_116 = tpu.memref_slice %arg7[%dma_start3A_111, %mul3A_110, %dma_start3A_115] : memref<9x8192x128xf32, #tpu.memory_space<hbm>> -> memref<1x256x128xf32, #tpu.memory_space<hbm>>
    %dma_start3A_117 = tpu.memref_squeeze %dma_start3A_116 : memref<1x256x128xf32, #tpu.memory_space<hbm>> -> memref<256x128xf32, #tpu.memory_space<hbm>>
    %dma_start3A_118 = arith.constant 0 : i32
    %dma_start3A_119 = arith.constant 0 : i32
    %dma_start3A_120 = tpu.memref_slice %dma_start3A_117[%dma_start3A_118, %dma_start3A_119] : memref<256x128xf32, #tpu.memory_space<hbm>> -> memref<256x64xf32, #tpu.memory_space<hbm>>
    %dma_start3A_121 = arith.constant 0 : i32
    %dma_start3A_122 = tpu.memref_slice %arg7[%dma_start3A_111, %mul3A_110, %dma_start3A_121] : memref<9x8192x128xf32, #tpu.memory_space<hbm>> -> memref<1x256x128xf32, #tpu.memory_space<hbm>>
    %dma_start3A_123 = tpu.memref_squeeze %dma_start3A_122 : memref<1x256x128xf32, #tpu.memory_space<hbm>> -> memref<256x128xf32, #tpu.memory_space<hbm>>
    %dma_start3A_124 = arith.constant 0 : i32
    %dma_start3A_125 = arith.constant 0 : i32
    %dma_start3A_126 = tpu.memref_slice %dma_start3A_123[%dma_start3A_124, %dma_start3A_125] : memref<256x128xf32, #tpu.memory_space<hbm>> -> memref<256x64xf32, #tpu.memory_space<hbm>>
    %dma_start3A_127 = arith.constant 0 : i32
    %dma_start3A_128 = arith.constant 0 : i32
    %dma_start3A_129 = tpu.memref_slice %arg13[%dma_start3A_127, %dma_start3A_128] : memref<256x128xf32, #tpu.memory_space<vmem>> -> memref<256x64xf32, #tpu.memory_space<vmem>>
    tpu.enqueue_dma source(%dma_start3A_129 : memref<256x64xf32, #tpu.memory_space<vmem>>) target(%dma_start3A_126 : memref<256x64xf32, #tpu.memory_space<hbm>>) target_semaphore(%arg20 : memref<!tpu.dma_semaphore, #tpu.memory_space<semaphore_mem>>)
    %dma_wait3A_130 = arith.constant 0 : i32
    %dma_wait3A_131 = arith.constant 0 : i32
    %dma_wait3A_132 = arith.constant 0 : i32
    %dma_wait3A_133 = tpu.memref_slice %arg12[%dma_wait3A_131, %dma_wait3A_132] : memref<256x128xf32, #tpu.memory_space<vmem>> -> memref<256x64xf32, #tpu.memory_space<vmem>>
    %dma_wait3A_134 = arith.constant 0 : i32
    %dma_wait3A_135 = tpu.memref_slice %arg7[%dma_wait3A_130, %mul3A_60, %dma_wait3A_134] : memref<9x8192x128xf32, #tpu.memory_space<hbm>> -> memref<1x256x128xf32, #tpu.memory_space<hbm>>
    %dma_wait3A_136 = tpu.memref_squeeze %dma_wait3A_135 : memref<1x256x128xf32, #tpu.memory_space<hbm>> -> memref<256x128xf32, #tpu.memory_space<hbm>>
    %dma_wait3A_137 = arith.constant 0 : i32
    %dma_wait3A_138 = arith.constant 64 : i32
    %dma_wait3A_139 = tpu.memref_slice %dma_wait3A_136[%dma_wait3A_137, %dma_wait3A_138] : memref<256x128xf32, #tpu.memory_space<hbm>> -> memref<256x64xf32, #tpu.memory_space<hbm>>
    %dma_wait3A_140 = arith.constant 0 : i32
    %dma_wait3A_141 = tpu.memref_slice %arg7[%dma_wait3A_130, %mul3A_60, %dma_wait3A_140] : memref<9x8192x128xf32, #tpu.memory_space<hbm>> -> memref<1x256x128xf32, #tpu.memory_space<hbm>>
    %dma_wait3A_142 = tpu.memref_squeeze %dma_wait3A_141 : memref<1x256x128xf32, #tpu.memory_space<hbm>> -> memref<256x128xf32, #tpu.memory_space<hbm>>
    %dma_wait3A_143 = arith.constant 0 : i32
    %dma_wait3A_144 = arith.constant 64 : i32
    %dma_wait3A_145 = tpu.memref_slice %dma_wait3A_142[%dma_wait3A_143, %dma_wait3A_144] : memref<256x128xf32, #tpu.memory_space<hbm>> -> memref<256x64xf32, #tpu.memory_space<hbm>>
    %dma_wait3A_146 = arith.constant 0 : i32
    %dma_wait3A_147 = arith.constant 0 : i32
    %dma_wait3A_148 = tpu.memref_slice %arg12[%dma_wait3A_146, %dma_wait3A_147] : memref<256x128xf32, #tpu.memory_space<vmem>> -> memref<256x64xf32, #tpu.memory_space<vmem>>
    tpu.wait_dma2 semaphore(%arg19 : memref<!tpu.dma_semaphore, #tpu.memory_space<semaphore_mem>>) src(%dma_wait3A_148 : memref<256x64xf32, #tpu.memory_space<vmem>>) dst(%dma_wait3A_145 : memref<256x64xf32, #tpu.memory_space<hbm>>)
    %dma_start3A_149 = arith.constant 1024 : i32
    %dma_start3A_150 = tpu.memref_slice %arg10[%dma_start3A_149] : memref<5632xi32, #tpu.memory_space<vmem>> -> memref<256xi32, #tpu.memory_space<vmem>>
    %dma_start3A_151 = arith.constant 0 : i32
    %dma_start3A_152 = arith.constant 0 : i32
    %dma_start3A_153 = tpu.memref_slice %arg4[%dma_start3A_151, %dma_start3A_152] : memref<1000000x128xf32, #tpu.memory_space<hbm>> -> memref<1000000x128xf32, #tpu.memory_space<hbm>>
    tpu.enqueue_indirect_dma source(%dma_start3A_153 : memref<1000000x128xf32, #tpu.memory_space<hbm>>) target(%arg12 : memref<256x128xf32, #tpu.memory_space<vmem>>) offsets(%dma_start3A_150 : memref<256xi32, #tpu.memory_space<vmem>>) semaphore(%arg16 : memref<!tpu.dma_semaphore, #tpu.memory_space<semaphore_mem>>)
    %dma_wait3A_154 = arith.constant 768 : i32
    %dma_wait3A_155 = tpu.memref_slice %arg10[%dma_wait3A_154] : memref<5632xi32, #tpu.memory_space<vmem>> -> memref<256xi32, #tpu.memory_space<vmem>>
    %dma_wait3A_156 = arith.constant 0 : i32
    %dma_wait3A_157 = arith.constant 0 : i32
    %dma_wait3A_158 = tpu.memref_slice %arg4[%dma_wait3A_156, %dma_wait3A_157] : memref<1000000x128xf32, #tpu.memory_space<hbm>> -> memref<1000000x128xf32, #tpu.memory_space<hbm>>
    tpu.wait_indirect_dma semaphore(%arg15 : memref<!tpu.dma_semaphore, #tpu.memory_space<semaphore_mem>>) src(%dma_wait3A_158 : memref<1000000x128xf32, #tpu.memory_space<hbm>>) dst(%arg11 : memref<256x128xf32, #tpu.memory_space<vmem>>)
    %mul3A_159 = arith.constant 256 : i32
    %mul3A_160 = arith.muli %add3A, %mul3A_159 : i32
    %dma_start3A_161 = arith.constant 1 : i32
    %dma_start3A_162 = arith.constant 0 : i32
    %dma_start3A_163 = arith.constant 0 : i32
    %dma_start3A_164 = tpu.memref_slice %arg11[%dma_start3A_162, %dma_start3A_163] : memref<256x128xf32, #tpu.memory_space<vmem>> -> memref<256x64xf32, #tpu.memory_space<vmem>>
    %dma_start3A_165 = arith.constant 0 : i32
    %dma_start3A_166 = tpu.memref_slice %arg7[%dma_start3A_161, %mul3A_160, %dma_start3A_165] : memref<9x8192x128xf32, #tpu.memory_space<hbm>> -> memref<1x256x128xf32, #tpu.memory_space<hbm>>
    %dma_start3A_167 = tpu.memref_squeeze %dma_start3A_166 : memref<1x256x128xf32, #tpu.memory_space<hbm>> -> memref<256x128xf32, #tpu.memory_space<hbm>>
    %dma_start3A_168 = arith.constant 0 : i32
    %dma_start3A_169 = arith.constant 64 : i32
    %dma_start3A_170 = tpu.memref_slice %dma_start3A_167[%dma_start3A_168, %dma_start3A_169] : memref<256x128xf32, #tpu.memory_space<hbm>> -> memref<256x64xf32, #tpu.memory_space<hbm>>
    %dma_start3A_171 = arith.constant 0 : i32
    %dma_start3A_172 = tpu.memref_slice %arg7[%dma_start3A_161, %mul3A_160, %dma_start3A_171] : memref<9x8192x128xf32, #tpu.memory_space<hbm>> -> memref<1x256x128xf32, #tpu.memory_space<hbm>>
    %dma_start3A_173 = tpu.memref_squeeze %dma_start3A_172 : memref<1x256x128xf32, #tpu.memory_space<hbm>> -> memref<256x128xf32, #tpu.memory_space<hbm>>
    %dma_start3A_174 = arith.constant 0 : i32
    %dma_start3A_175 = arith.constant 64 : i32
    %dma_start3A_176 = tpu.memref_slice %dma_start3A_173[%dma_start3A_174, %dma_start3A_175] : memref<256x128xf32, #tpu.memory_space<hbm>> -> memref<256x64xf32, #tpu.memory_space<hbm>>
    %dma_start3A_177 = arith.constant 0 : i32
    %dma_start3A_178 = arith.constant 0 : i32
    %dma_start3A_179 = tpu.memref_slice %arg11[%dma_start3A_177, %dma_start3A_178] : memref<256x128xf32, #tpu.memory_space<vmem>> -> memref<256x64xf32, #tpu.memory_space<vmem>>
    tpu.enqueue_dma source(%dma_start3A_179 : memref<256x64xf32, #tpu.memory_space<vmem>>) target(%dma_start3A_176 : memref<256x64xf32, #tpu.memory_space<hbm>>) target_semaphore(%arg18 : memref<!tpu.dma_semaphore, #tpu.memory_space<semaphore_mem>>)
    %dma_wait3A_180 = arith.constant 1 : i32
    %dma_wait3A_181 = arith.constant 0 : i32
    %dma_wait3A_182 = arith.constant 0 : i32
    %dma_wait3A_183 = tpu.memref_slice %arg13[%dma_wait3A_181, %dma_wait3A_182] : memref<256x128xf32, #tpu.memory_space<vmem>> -> memref<256x64xf32, #tpu.memory_space<vmem>>
    %dma_wait3A_184 = arith.constant 0 : i32
    %dma_wait3A_185 = tpu.memref_slice %arg7[%dma_wait3A_180, %mul3A_110, %dma_wait3A_184] : memref<9x8192x128xf32, #tpu.memory_space<hbm>> -> memref<1x256x128xf32, #tpu.memory_space<hbm>>
    %dma_wait3A_186 = tpu.memref_squeeze %dma_wait3A_185 : memref<1x256x128xf32, #tpu.memory_space<hbm>> -> memref<256x128xf32, #tpu.memory_space<hbm>>
    %dma_wait3A_187 = arith.constant 0 : i32
    %dma_wait3A_188 = arith.constant 0 : i32
    %dma_wait3A_189 = tpu.memref_slice %dma_wait3A_186[%dma_wait3A_187, %dma_wait3A_188] : memref<256x128xf32, #tpu.memory_space<hbm>> -> memref<256x64xf32, #tpu.memory_space<hbm>>
    %dma_wait3A_190 = arith.constant 0 : i32
    %dma_wait3A_191 = tpu.memref_slice %arg7[%dma_wait3A_180, %mul3A_110, %dma_wait3A_190] : memref<9x8192x128xf32, #tpu.memory_space<hbm>> -> memref<1x256x128xf32, #tpu.memory_space<hbm>>
    %dma_wait3A_192 = tpu.memref_squeeze %dma_wait3A_191 : memref<1x256x128xf32, #tpu.memory_space<hbm>> -> memref<256x128xf32, #tpu.memory_space<hbm>>
    %dma_wait3A_193 = arith.constant 0 : i32
    %dma_wait3A_194 = arith.constant 0 : i32
    %dma_wait3A_195 = tpu.memref_slice %dma_wait3A_192[%dma_wait3A_193, %dma_wait3A_194] : memref<256x128xf32, #tpu.memory_space<hbm>> -> memref<256x64xf32, #tpu.memory_space<hbm>>
    %dma_wait3A_196 = arith.constant 0 : i32
    %dma_wait3A_197 = arith.constant 0 : i32
    %dma_wait3A_198 = tpu.memref_slice %arg13[%dma_wait3A_196, %dma_wait3A_197] : memref<256x128xf32, #tpu.memory_space<vmem>> -> memref<256x64xf32, #tpu.memory_space<vmem>>
    tpu.wait_dma2 semaphore(%arg20 : memref<!tpu.dma_semaphore, #tpu.memory_space<semaphore_mem>>) src(%dma_wait3A_198 : memref<256x64xf32, #tpu.memory_space<vmem>>) dst(%dma_wait3A_195 : memref<256x64xf32, #tpu.memory_space<hbm>>)
    %dma_start3A_199 = arith.constant 1280 : i32
    %dma_start3A_200 = tpu.memref_slice %arg10[%dma_start3A_199] : memref<5632xi32, #tpu.memory_space<vmem>> -> memref<256xi32, #tpu.memory_space<vmem>>
    %dma_start3A_201 = arith.constant 0 : i32
    %dma_start3A_202 = arith.constant 0 : i32
    %dma_start3A_203 = tpu.memref_slice %arg4[%dma_start3A_201, %dma_start3A_202] : memref<1000000x128xf32, #tpu.memory_space<hbm>> -> memref<1000000x128xf32, #tpu.memory_space<hbm>>
    tpu.enqueue_indirect_dma source(%dma_start3A_203 : memref<1000000x128xf32, #tpu.memory_space<hbm>>) target(%arg13 : memref<256x128xf32, #tpu.memory_space<vmem>>) offsets(%dma_start3A_200 : memref<256xi32, #tpu.memory_space<vmem>>) semaphore(%arg17 : memref<!tpu.dma_semaphore, #tpu.memory_space<semaphore_mem>>)
    %dma_wait3A_204 = arith.constant 1024 : i32
    %dma_wait3A_205 = tpu.memref_slice %arg10[%dma_wait3A_204] : memref<5632xi32, #tpu.memory_space<vmem>> -> memref<256xi32, #tpu.memory_space<vmem>>
    %dma_wait3A_206 = arith.constant 0 : i32
    %dma_wait3A_207 = arith.constant 0 : i32
    %dma_wait3A_208 = tpu.memref_slice %arg4[%dma_wait3A_206, %dma_wait3A_207] : memref<1000000x128xf32, #tpu.memory_space<hbm>> -> memref<1000000x128xf32, #tpu.memory_space<hbm>>
    tpu.wait_indirect_dma semaphore(%arg16 : memref<!tpu.dma_semaphore, #tpu.memory_space<semaphore_mem>>) src(%dma_wait3A_208 : memref<1000000x128xf32, #tpu.memory_space<hbm>>) dst(%arg12 : memref<256x128xf32, #tpu.memory_space<vmem>>)
    %mul3A_209 = arith.constant 256 : i32
    %mul3A_210 = arith.muli %add3A, %mul3A_209 : i32
    %dma_start3A_211 = arith.constant 2 : i32
    %dma_start3A_212 = arith.constant 0 : i32
    %dma_start3A_213 = arith.constant 0 : i32
    %dma_start3A_214 = tpu.memref_slice %arg12[%dma_start3A_212, %dma_start3A_213] : memref<256x128xf32, #tpu.memory_space<vmem>> -> memref<256x64xf32, #tpu.memory_space<vmem>>
    %dma_start3A_215 = arith.constant 0 : i32
    %dma_start3A_216 = tpu.memref_slice %arg7[%dma_start3A_211, %mul3A_210, %dma_start3A_215] : memref<9x8192x128xf32, #tpu.memory_space<hbm>> -> memref<1x256x128xf32, #tpu.memory_space<hbm>>
    %dma_start3A_217 = tpu.memref_squeeze %dma_start3A_216 : memref<1x256x128xf32, #tpu.memory_space<hbm>> -> memref<256x128xf32, #tpu.memory_space<hbm>>
    %dma_start3A_218 = arith.constant 0 : i32
    %dma_start3A_219 = arith.constant 0 : i32
    %dma_start3A_220 = tpu.memref_slice %dma_start3A_217[%dma_start3A_218, %dma_start3A_219] : memref<256x128xf32, #tpu.memory_space<hbm>> -> memref<256x64xf32, #tpu.memory_space<hbm>>
    %dma_start3A_221 = arith.constant 0 : i32
    %dma_start3A_222 = tpu.memref_slice %arg7[%dma_start3A_211, %mul3A_210, %dma_start3A_221] : memref<9x8192x128xf32, #tpu.memory_space<hbm>> -> memref<1x256x128xf32, #tpu.memory_space<hbm>>
    %dma_start3A_223 = tpu.memref_squeeze %dma_start3A_222 : memref<1x256x128xf32, #tpu.memory_space<hbm>> -> memref<256x128xf32, #tpu.memory_space<hbm>>
    %dma_start3A_224 = arith.constant 0 : i32
    %dma_start3A_225 = arith.constant 0 : i32
    %dma_start3A_226 = tpu.memref_slice %dma_start3A_223[%dma_start3A_224, %dma_start3A_225] : memref<256x128xf32, #tpu.memory_space<hbm>> -> memref<256x64xf32, #tpu.memory_space<hbm>>
    %dma_start3A_227 = arith.constant 0 : i32
    %dma_start3A_228 = arith.constant 0 : i32
    %dma_start3A_229 = tpu.memref_slice %arg12[%dma_start3A_227, %dma_start3A_228] : memref<256x128xf32, #tpu.memory_space<vmem>> -> memref<256x64xf32, #tpu.memory_space<vmem>>
    tpu.enqueue_dma source(%dma_start3A_229 : memref<256x64xf32, #tpu.memory_space<vmem>>) target(%dma_start3A_226 : memref<256x64xf32, #tpu.memory_space<hbm>>) target_semaphore(%arg19 : memref<!tpu.dma_semaphore, #tpu.memory_space<semaphore_mem>>)
    %dma_wait3A_230 = arith.constant 1 : i32
    %dma_wait3A_231 = arith.constant 0 : i32
    %dma_wait3A_232 = arith.constant 0 : i32
    %dma_wait3A_233 = tpu.memref_slice %arg11[%dma_wait3A_231, %dma_wait3A_232] : memref<256x128xf32, #tpu.memory_space<vmem>> -> memref<256x64xf32, #tpu.memory_space<vmem>>
    %dma_wait3A_234 = arith.constant 0 : i32
    %dma_wait3A_235 = tpu.memref_slice %arg7[%dma_wait3A_230, %mul3A_160, %dma_wait3A_234] : memref<9x8192x128xf32, #tpu.memory_space<hbm>> -> memref<1x256x128xf32, #tpu.memory_space<hbm>>
    %dma_wait3A_236 = tpu.memref_squeeze %dma_wait3A_235 : memref<1x256x128xf32, #tpu.memory_space<hbm>> -> memref<256x128xf32, #tpu.memory_space<hbm>>
    %dma_wait3A_237 = arith.constant 0 : i32
    %dma_wait3A_238 = arith.constant 64 : i32
    %dma_wait3A_239 = tpu.memref_slice %dma_wait3A_236[%dma_wait3A_237, %dma_wait3A_238] : memref<256x128xf32, #tpu.memory_space<hbm>> -> memref<256x64xf32, #tpu.memory_space<hbm>>
    %dma_wait3A_240 = arith.constant 0 : i32
    %dma_wait3A_241 = tpu.memref_slice %arg7[%dma_wait3A_230, %mul3A_160, %dma_wait3A_240] : memref<9x8192x128xf32, #tpu.memory_space<hbm>> -> memref<1x256x128xf32, #tpu.memory_space<hbm>>
    %dma_wait3A_242 = tpu.memref_squeeze %dma_wait3A_241 : memref<1x256x128xf32, #tpu.memory_space<hbm>> -> memref<256x128xf32, #tpu.memory_space<hbm>>
    %dma_wait3A_243 = arith.constant 0 : i32
    %dma_wait3A_244 = arith.constant 64 : i32
    %dma_wait3A_245 = tpu.memref_slice %dma_wait3A_242[%dma_wait3A_243, %dma_wait3A_244] : memref<256x128xf32, #tpu.memory_space<hbm>> -> memref<256x64xf32, #tpu.memory_space<hbm>>
    %dma_wait3A_246 = arith.constant 0 : i32
    %dma_wait3A_247 = arith.constant 0 : i32
    %dma_wait3A_248 = tpu.memref_slice %arg11[%dma_wait3A_246, %dma_wait3A_247] : memref<256x128xf32, #tpu.memory_space<vmem>> -> memref<256x64xf32, #tpu.memory_space<vmem>>
    tpu.wait_dma2 semaphore(%arg18 : memref<!tpu.dma_semaphore, #tpu.memory_space<semaphore_mem>>) src(%dma_wait3A_248 : memref<256x64xf32, #tpu.memory_space<vmem>>) dst(%dma_wait3A_245 : memref<256x64xf32, #tpu.memory_space<hbm>>)
    %dma_start3A_249 = arith.constant 1536 : i32
    %dma_start3A_250 = tpu.memref_slice %arg10[%dma_start3A_249] : memref<5632xi32, #tpu.memory_space<vmem>> -> memref<256xi32, #tpu.memory_space<vmem>>
    %dma_start3A_251 = arith.constant 0 : i32
    %dma_start3A_252 = arith.constant 0 : i32
    %dma_start3A_253 = tpu.memref_slice %arg4[%dma_start3A_251, %dma_start3A_252] : memref<1000000x128xf32, #tpu.memory_space<hbm>> -> memref<1000000x128xf32, #tpu.memory_space<hbm>>
    tpu.enqueue_indirect_dma source(%dma_start3A_253 : memref<1000000x128xf32, #tpu.memory_space<hbm>>) target(%arg11 : memref<256x128xf32, #tpu.memory_space<vmem>>) offsets(%dma_start3A_250 : memref<256xi32, #tpu.memory_space<vmem>>) semaphore(%arg15 : memref<!tpu.dma_semaphore, #tpu.memory_space<semaphore_mem>>)
    %dma_wait3A_254 = arith.constant 1280 : i32
    %dma_wait3A_255 = tpu.memref_slice %arg10[%dma_wait3A_254] : memref<5632xi32, #tpu.memory_space<vmem>> -> memref<256xi32, #tpu.memory_space<vmem>>
    %dma_wait3A_256 = arith.constant 0 : i32
    %dma_wait3A_257 = arith.constant 0 : i32
    %dma_wait3A_258 = tpu.memref_slice %arg4[%dma_wait3A_256, %dma_wait3A_257] : memref<1000000x128xf32, #tpu.memory_space<hbm>> -> memref<1000000x128xf32, #tpu.memory_space<hbm>>
    tpu.wait_indirect_dma semaphore(%arg17 : memref<!tpu.dma_semaphore, #tpu.memory_space<semaphore_mem>>) src(%dma_wait3A_258 : memref<1000000x128xf32, #tpu.memory_space<hbm>>) dst(%arg13 : memref<256x128xf32, #tpu.memory_space<vmem>>)
    %mul3A_259 = arith.constant 256 : i32
    %mul3A_260 = arith.muli %add3A, %mul3A_259 : i32
    %dma_start3A_261 = arith.constant 2 : i32
    %dma_start3A_262 = arith.constant 0 : i32
    %dma_start3A_263 = arith.constant 0 : i32
    %dma_start3A_264 = tpu.memref_slice %arg13[%dma_start3A_262, %dma_start3A_263] : memref<256x128xf32, #tpu.memory_space<vmem>> -> memref<256x64xf32, #tpu.memory_space<vmem>>
    %dma_start3A_265 = arith.constant 0 : i32
    %dma_start3A_266 = tpu.memref_slice %arg7[%dma_start3A_261, %mul3A_260, %dma_start3A_265] : memref<9x8192x128xf32, #tpu.memory_space<hbm>> -> memref<1x256x128xf32, #tpu.memory_space<hbm>>
    %dma_start3A_267 = tpu.memref_squeeze %dma_start3A_266 : memref<1x256x128xf32, #tpu.memory_space<hbm>> -> memref<256x128xf32, #tpu.memory_space<hbm>>
    %dma_start3A_268 = arith.constant 0 : i32
    %dma_start3A_269 = arith.constant 64 : i32
    %dma_start3A_270 = tpu.memref_slice %dma_start3A_267[%dma_start3A_268, %dma_start3A_269] : memref<256x128xf32, #tpu.memory_space<hbm>> -> memref<256x64xf32, #tpu.memory_space<hbm>>
    %dma_start3A_271 = arith.constant 0 : i32
    %dma_start3A_272 = tpu.memref_slice %arg7[%dma_start3A_261, %mul3A_260, %dma_start3A_271] : memref<9x8192x128xf32, #tpu.memory_space<hbm>> -> memref<1x256x128xf32, #tpu.memory_space<hbm>>
    %dma_start3A_273 = tpu.memref_squeeze %dma_start3A_272 : memref<1x256x128xf32, #tpu.memory_space<hbm>> -> memref<256x128xf32, #tpu.memory_space<hbm>>
    %dma_start3A_274 = arith.constant 0 : i32
    %dma_start3A_275 = arith.constant 64 : i32
    %dma_start3A_276 = tpu.memref_slice %dma_start3A_273[%dma_start3A_274, %dma_start3A_275] : memref<256x128xf32, #tpu.memory_space<hbm>> -> memref<256x64xf32, #tpu.memory_space<hbm>>
    %dma_start3A_277 = arith.constant 0 : i32
    %dma_start3A_278 = arith.constant 0 : i32
    %dma_start3A_279 = tpu.memref_slice %arg13[%dma_start3A_277, %dma_start3A_278] : memref<256x128xf32, #tpu.memory_space<vmem>> -> memref<256x64xf32, #tpu.memory_space<vmem>>
    tpu.enqueue_dma source(%dma_start3A_279 : memref<256x64xf32, #tpu.memory_space<vmem>>) target(%dma_start3A_276 : memref<256x64xf32, #tpu.memory_space<hbm>>) target_semaphore(%arg20 : memref<!tpu.dma_semaphore, #tpu.memory_space<semaphore_mem>>)
    %dma_wait3A_280 = arith.constant 2 : i32
    %dma_wait3A_281 = arith.constant 0 : i32
    %dma_wait3A_282 = arith.constant 0 : i32
    %dma_wait3A_283 = tpu.memref_slice %arg12[%dma_wait3A_281, %dma_wait3A_282] : memref<256x128xf32, #tpu.memory_space<vmem>> -> memref<256x64xf32, #tpu.memory_space<vmem>>
    %dma_wait3A_284 = arith.constant 0 : i32
    %dma_wait3A_285 = tpu.memref_slice %arg7[%dma_wait3A_280, %mul3A_210, %dma_wait3A_284] : memref<9x8192x128xf32, #tpu.memory_space<hbm>> -> memref<1x256x128xf32, #tpu.memory_space<hbm>>
    %dma_wait3A_286 = tpu.memref_squeeze %dma_wait3A_285 : memref<1x256x128xf32, #tpu.memory_space<hbm>> -> memref<256x128xf32, #tpu.memory_space<hbm>>
    %dma_wait3A_287 = arith.constant 0 : i32
    %dma_wait3A_288 = arith.constant 0 : i32
    %dma_wait3A_289 = tpu.memref_slice %dma_wait3A_286[%dma_wait3A_287, %dma_wait3A_288] : memref<256x128xf32, #tpu.memory_space<hbm>> -> memref<256x64xf32, #tpu.memory_space<hbm>>
    %dma_wait3A_290 = arith.constant 0 : i32
    %dma_wait3A_291 = tpu.memref_slice %arg7[%dma_wait3A_280, %mul3A_210, %dma_wait3A_290] : memref<9x8192x128xf32, #tpu.memory_space<hbm>> -> memref<1x256x128xf32, #tpu.memory_space<hbm>>
    %dma_wait3A_292 = tpu.memref_squeeze %dma_wait3A_291 : memref<1x256x128xf32, #tpu.memory_space<hbm>> -> memref<256x128xf32, #tpu.memory_space<hbm>>
    %dma_wait3A_293 = arith.constant 0 : i32
    %dma_wait3A_294 = arith.constant 0 : i32
    %dma_wait3A_295 = tpu.memref_slice %dma_wait3A_292[%dma_wait3A_293, %dma_wait3A_294] : memref<256x128xf32, #tpu.memory_space<hbm>> -> memref<256x64xf32, #tpu.memory_space<hbm>>
    %dma_wait3A_296 = arith.constant 0 : i32
    %dma_wait3A_297 = arith.constant 0 : i32
    %dma_wait3A_298 = tpu.memref_slice %arg12[%dma_wait3A_296, %dma_wait3A_297] : memref<256x128xf32, #tpu.memory_space<vmem>> -> memref<256x64xf32, #tpu.memory_space<vmem>>
    tpu.wait_dma2 semaphore(%arg19 : memref<!tpu.dma_semaphore, #tpu.memory_space<semaphore_mem>>) src(%dma_wait3A_298 : memref<256x64xf32, #tpu.memory_space<vmem>>) dst(%dma_wait3A_295 : memref<256x64xf32, #tpu.memory_space<hbm>>)
    %dma_start3A_299 = arith.constant 1792 : i32
    %dma_start3A_300 = tpu.memref_slice %arg10[%dma_start3A_299] : memref<5632xi32, #tpu.memory_space<vmem>> -> memref<256xi32, #tpu.memory_space<vmem>>
    %dma_start3A_301 = arith.constant 0 : i32
    %dma_start3A_302 = arith.constant 0 : i32
    %dma_start3A_303 = tpu.memref_slice %arg4[%dma_start3A_301, %dma_start3A_302] : memref<1000000x128xf32, #tpu.memory_space<hbm>> -> memref<1000000x128xf32, #tpu.memory_space<hbm>>
    tpu.enqueue_indirect_dma source(%dma_start3A_303 : memref<1000000x128xf32, #tpu.memory_space<hbm>>) target(%arg12 : memref<256x128xf32, #tpu.memory_space<vmem>>) offsets(%dma_start3A_300 : memref<256xi32, #tpu.memory_space<vmem>>) semaphore(%arg16 : memref<!tpu.dma_semaphore, #tpu.memory_space<semaphore_mem>>)
    %dma_wait3A_304 = arith.constant 1536 : i32
    %dma_wait3A_305 = tpu.memref_slice %arg10[%dma_wait3A_304] : memref<5632xi32, #tpu.memory_space<vmem>> -> memref<256xi32, #tpu.memory_space<vmem>>
    %dma_wait3A_306 = arith.constant 0 : i32
    %dma_wait3A_307 = arith.constant 0 : i32
    %dma_wait3A_308 = tpu.memref_slice %arg4[%dma_wait3A_306, %dma_wait3A_307] : memref<1000000x128xf32, #tpu.memory_space<hbm>> -> memref<1000000x128xf32, #tpu.memory_space<hbm>>
    tpu.wait_indirect_dma semaphore(%arg15 : memref<!tpu.dma_semaphore, #tpu.memory_space<semaphore_mem>>) src(%dma_wait3A_308 : memref<1000000x128xf32, #tpu.memory_space<hbm>>) dst(%arg11 : memref<256x128xf32, #tpu.memory_space<vmem>>)
    %mul3A_309 = arith.constant 256 : i32
    %mul3A_310 = arith.muli %add3A, %mul3A_309 : i32
    %dma_start3A_311 = arith.constant 3 : i32
    %dma_start3A_312 = arith.constant 0 : i32
    %dma_start3A_313 = arith.constant 0 : i32
    %dma_start3A_314 = tpu.memref_slice %arg11[%dma_start3A_312, %dma_start3A_313] : memref<256x128xf32, #tpu.memory_space<vmem>> -> memref<256x64xf32, #tpu.memory_space<vmem>>
    %dma_start3A_315 = arith.constant 0 : i32
    %dma_start3A_316 = tpu.memref_slice %arg7[%dma_start3A_311, %mul3A_310, %dma_start3A_315] : memref<9x8192x128xf32, #tpu.memory_space<hbm>> -> memref<1x256x128xf32, #tpu.memory_space<hbm>>
    %dma_start3A_317 = tpu.memref_squeeze %dma_start3A_316 : memref<1x256x128xf32, #tpu.memory_space<hbm>> -> memref<256x128xf32, #tpu.memory_space<hbm>>
    %dma_start3A_318 = arith.constant 0 : i32
    %dma_start3A_319 = arith.constant 0 : i32
    %dma_start3A_320 = tpu.memref_slice %dma_start3A_317[%dma_start3A_318, %dma_start3A_319] : memref<256x128xf32, #tpu.memory_space<hbm>> -> memref<256x64xf32, #tpu.memory_space<hbm>>
    %dma_start3A_321 = arith.constant 0 : i32
    %dma_start3A_322 = tpu.memref_slice %arg7[%dma_start3A_311, %mul3A_310, %dma_start3A_321] : memref<9x8192x128xf32, #tpu.memory_space<hbm>> -> memref<1x256x128xf32, #tpu.memory_space<hbm>>
    %dma_start3A_323 = tpu.memref_squeeze %dma_start3A_322 : memref<1x256x128xf32, #tpu.memory_space<hbm>> -> memref<256x128xf32, #tpu.memory_space<hbm>>
    %dma_start3A_324 = arith.constant 0 : i32
    %dma_start3A_325 = arith.constant 0 : i32
    %dma_start3A_326 = tpu.memref_slice %dma_start3A_323[%dma_start3A_324, %dma_start3A_325] : memref<256x128xf32, #tpu.memory_space<hbm>> -> memref<256x64xf32, #tpu.memory_space<hbm>>
    %dma_start3A_327 = arith.constant 0 : i32
    %dma_start3A_328 = arith.constant 0 : i32
    %dma_start3A_329 = tpu.memref_slice %arg11[%dma_start3A_327, %dma_start3A_328] : memref<256x128xf32, #tpu.memory_space<vmem>> -> memref<256x64xf32, #tpu.memory_space<vmem>>
    tpu.enqueue_dma source(%dma_start3A_329 : memref<256x64xf32, #tpu.memory_space<vmem>>) target(%dma_start3A_326 : memref<256x64xf32, #tpu.memory_space<hbm>>) target_semaphore(%arg18 : memref<!tpu.dma_semaphore, #tpu.memory_space<semaphore_mem>>)
    %dma_wait3A_330 = arith.constant 2 : i32
    %dma_wait3A_331 = arith.constant 0 : i32
    %dma_wait3A_332 = arith.constant 0 : i32
    %dma_wait3A_333 = tpu.memref_slice %arg13[%dma_wait3A_331, %dma_wait3A_332] : memref<256x128xf32, #tpu.memory_space<vmem>> -> memref<256x64xf32, #tpu.memory_space<vmem>>
    %dma_wait3A_334 = arith.constant 0 : i32
    %dma_wait3A_335 = tpu.memref_slice %arg7[%dma_wait3A_330, %mul3A_260, %dma_wait3A_334] : memref<9x8192x128xf32, #tpu.memory_space<hbm>> -> memref<1x256x128xf32, #tpu.memory_space<hbm>>
    %dma_wait3A_336 = tpu.memref_squeeze %dma_wait3A_335 : memref<1x256x128xf32, #tpu.memory_space<hbm>> -> memref<256x128xf32, #tpu.memory_space<hbm>>
    %dma_wait3A_337 = arith.constant 0 : i32
    %dma_wait3A_338 = arith.constant 64 : i32
    %dma_wait3A_339 = tpu.memref_slice %dma_wait3A_336[%dma_wait3A_337, %dma_wait3A_338] : memref<256x128xf32, #tpu.memory_space<hbm>> -> memref<256x64xf32, #tpu.memory_space<hbm>>
    %dma_wait3A_340 = arith.constant 0 : i32
    %dma_wait3A_341 = tpu.memref_slice %arg7[%dma_wait3A_330, %mul3A_260, %dma_wait3A_340] : memref<9x8192x128xf32, #tpu.memory_space<hbm>> -> memref<1x256x128xf32, #tpu.memory_space<hbm>>
    %dma_wait3A_342 = tpu.memref_squeeze %dma_wait3A_341 : memref<1x256x128xf32, #tpu.memory_space<hbm>> -> memref<256x128xf32, #tpu.memory_space<hbm>>
    %dma_wait3A_343 = arith.constant 0 : i32
    %dma_wait3A_344 = arith.constant 64 : i32
    %dma_wait3A_345 = tpu.memref_slice %dma_wait3A_342[%dma_wait3A_343, %dma_wait3A_344] : memref<256x128xf32, #tpu.memory_space<hbm>> -> memref<256x64xf32, #tpu.memory_space<hbm>>
    %dma_wait3A_346 = arith.constant 0 : i32
    %dma_wait3A_347 = arith.constant 0 : i32
    %dma_wait3A_348 = tpu.memref_slice %arg13[%dma_wait3A_346, %dma_wait3A_347] : memref<256x128xf32, #tpu.memory_space<vmem>> -> memref<256x64xf32, #tpu.memory_space<vmem>>
    tpu.wait_dma2 semaphore(%arg20 : memref<!tpu.dma_semaphore, #tpu.memory_space<semaphore_mem>>) src(%dma_wait3A_348 : memref<256x64xf32, #tpu.memory_space<vmem>>) dst(%dma_wait3A_345 : memref<256x64xf32, #tpu.memory_space<hbm>>)
    %dma_start3A_349 = arith.constant 2048 : i32
    %dma_start3A_350 = tpu.memref_slice %arg10[%dma_start3A_349] : memref<5632xi32, #tpu.memory_space<vmem>> -> memref<256xi32, #tpu.memory_space<vmem>>
    %dma_start3A_351 = arith.constant 0 : i32
    %dma_start3A_352 = arith.constant 0 : i32
    %dma_start3A_353 = tpu.memref_slice %arg4[%dma_start3A_351, %dma_start3A_352] : memref<1000000x128xf32, #tpu.memory_space<hbm>> -> memref<1000000x128xf32, #tpu.memory_space<hbm>>
    tpu.enqueue_indirect_dma source(%dma_start3A_353 : memref<1000000x128xf32, #tpu.memory_space<hbm>>) target(%arg13 : memref<256x128xf32, #tpu.memory_space<vmem>>) offsets(%dma_start3A_350 : memref<256xi32, #tpu.memory_space<vmem>>) semaphore(%arg17 : memref<!tpu.dma_semaphore, #tpu.memory_space<semaphore_mem>>)
    %dma_wait3A_354 = arith.constant 1792 : i32
    %dma_wait3A_355 = tpu.memref_slice %arg10[%dma_wait3A_354] : memref<5632xi32, #tpu.memory_space<vmem>> -> memref<256xi32, #tpu.memory_space<vmem>>
    %dma_wait3A_356 = arith.constant 0 : i32
    %dma_wait3A_357 = arith.constant 0 : i32
    %dma_wait3A_358 = tpu.memref_slice %arg4[%dma_wait3A_356, %dma_wait3A_357] : memref<1000000x128xf32, #tpu.memory_space<hbm>> -> memref<1000000x128xf32, #tpu.memory_space<hbm>>
    tpu.wait_indirect_dma semaphore(%arg16 : memref<!tpu.dma_semaphore, #tpu.memory_space<semaphore_mem>>) src(%dma_wait3A_358 : memref<1000000x128xf32, #tpu.memory_space<hbm>>) dst(%arg12 : memref<256x128xf32, #tpu.memory_space<vmem>>)
    %mul3A_359 = arith.constant 256 : i32
    %mul3A_360 = arith.muli %add3A, %mul3A_359 : i32
    %dma_start3A_361 = arith.constant 3 : i32
    %dma_start3A_362 = arith.constant 0 : i32
    %dma_start3A_363 = arith.constant 0 : i32
    %dma_start3A_364 = tpu.memref_slice %arg12[%dma_start3A_362, %dma_start3A_363] : memref<256x128xf32, #tpu.memory_space<vmem>> -> memref<256x64xf32, #tpu.memory_space<vmem>>
    %dma_start3A_365 = arith.constant 0 : i32
    %dma_start3A_366 = tpu.memref_slice %arg7[%dma_start3A_361, %mul3A_360, %dma_start3A_365] : memref<9x8192x128xf32, #tpu.memory_space<hbm>> -> memref<1x256x128xf32, #tpu.memory_space<hbm>>
    %dma_start3A_367 = tpu.memref_squeeze %dma_start3A_366 : memref<1x256x128xf32, #tpu.memory_space<hbm>> -> memref<256x128xf32, #tpu.memory_space<hbm>>
    %dma_start3A_368 = arith.constant 0 : i32
    %dma_start3A_369 = arith.constant 64 : i32
    %dma_start3A_370 = tpu.memref_slice %dma_start3A_367[%dma_start3A_368, %dma_start3A_369] : memref<256x128xf32, #tpu.memory_space<hbm>> -> memref<256x64xf32, #tpu.memory_space<hbm>>
    %dma_start3A_371 = arith.constant 0 : i32
    %dma_start3A_372 = tpu.memref_slice %arg7[%dma_start3A_361, %mul3A_360, %dma_start3A_371] : memref<9x8192x128xf32, #tpu.memory_space<hbm>> -> memref<1x256x128xf32, #tpu.memory_space<hbm>>
    %dma_start3A_373 = tpu.memref_squeeze %dma_start3A_372 : memref<1x256x128xf32, #tpu.memory_space<hbm>> -> memref<256x128xf32, #tpu.memory_space<hbm>>
    %dma_start3A_374 = arith.constant 0 : i32
    %dma_start3A_375 = arith.constant 64 : i32
    %dma_start3A_376 = tpu.memref_slice %dma_start3A_373[%dma_start3A_374, %dma_start3A_375] : memref<256x128xf32, #tpu.memory_space<hbm>> -> memref<256x64xf32, #tpu.memory_space<hbm>>
    %dma_start3A_377 = arith.constant 0 : i32
    %dma_start3A_378 = arith.constant 0 : i32
    %dma_start3A_379 = tpu.memref_slice %arg12[%dma_start3A_377, %dma_start3A_378] : memref<256x128xf32, #tpu.memory_space<vmem>> -> memref<256x64xf32, #tpu.memory_space<vmem>>
    tpu.enqueue_dma source(%dma_start3A_379 : memref<256x64xf32, #tpu.memory_space<vmem>>) target(%dma_start3A_376 : memref<256x64xf32, #tpu.memory_space<hbm>>) target_semaphore(%arg19 : memref<!tpu.dma_semaphore, #tpu.memory_space<semaphore_mem>>)
    %dma_wait3A_380 = arith.constant 3 : i32
    %dma_wait3A_381 = arith.constant 0 : i32
    %dma_wait3A_382 = arith.constant 0 : i32
    %dma_wait3A_383 = tpu.memref_slice %arg11[%dma_wait3A_381, %dma_wait3A_382] : memref<256x128xf32, #tpu.memory_space<vmem>> -> memref<256x64xf32, #tpu.memory_space<vmem>>
    %dma_wait3A_384 = arith.constant 0 : i32
    %dma_wait3A_385 = tpu.memref_slice %arg7[%dma_wait3A_380, %mul3A_310, %dma_wait3A_384] : memref<9x8192x128xf32, #tpu.memory_space<hbm>> -> memref<1x256x128xf32, #tpu.memory_space<hbm>>
    %dma_wait3A_386 = tpu.memref_squeeze %dma_wait3A_385 : memref<1x256x128xf32, #tpu.memory_space<hbm>> -> memref<256x128xf32, #tpu.memory_space<hbm>>
    %dma_wait3A_387 = arith.constant 0 : i32
    %dma_wait3A_388 = arith.constant 0 : i32
    %dma_wait3A_389 = tpu.memref_slice %dma_wait3A_386[%dma_wait3A_387, %dma_wait3A_388] : memref<256x128xf32, #tpu.memory_space<hbm>> -> memref<256x64xf32, #tpu.memory_space<hbm>>
    %dma_wait3A_390 = arith.constant 0 : i32
    %dma_wait3A_391 = tpu.memref_slice %arg7[%dma_wait3A_380, %mul3A_310, %dma_wait3A_390] : memref<9x8192x128xf32, #tpu.memory_space<hbm>> -> memref<1x256x128xf32, #tpu.memory_space<hbm>>
    %dma_wait3A_392 = tpu.memref_squeeze %dma_wait3A_391 : memref<1x256x128xf32, #tpu.memory_space<hbm>> -> memref<256x128xf32, #tpu.memory_space<hbm>>
    %dma_wait3A_393 = arith.constant 0 : i32
    %dma_wait3A_394 = arith.constant 0 : i32
    %dma_wait3A_395 = tpu.memref_slice %dma_wait3A_392[%dma_wait3A_393, %dma_wait3A_394] : memref<256x128xf32, #tpu.memory_space<hbm>> -> memref<256x64xf32, #tpu.memory_space<hbm>>
    %dma_wait3A_396 = arith.constant 0 : i32
    %dma_wait3A_397 = arith.constant 0 : i32
    %dma_wait3A_398 = tpu.memref_slice %arg11[%dma_wait3A_396, %dma_wait3A_397] : memref<256x128xf32, #tpu.memory_space<vmem>> -> memref<256x64xf32, #tpu.memory_space<vmem>>
    tpu.wait_dma2 semaphore(%arg18 : memref<!tpu.dma_semaphore, #tpu.memory_space<semaphore_mem>>) src(%dma_wait3A_398 : memref<256x64xf32, #tpu.memory_space<vmem>>) dst(%dma_wait3A_395 : memref<256x64xf32, #tpu.memory_space<hbm>>)
    %dma_start3A_399 = arith.constant 2304 : i32
    %dma_start3A_400 = tpu.memref_slice %arg10[%dma_start3A_399] : memref<5632xi32, #tpu.memory_space<vmem>> -> memref<256xi32, #tpu.memory_space<vmem>>
    %dma_start3A_401 = arith.constant 0 : i32
    %dma_start3A_402 = arith.constant 0 : i32
    %dma_start3A_403 = tpu.memref_slice %arg4[%dma_start3A_401, %dma_start3A_402] : memref<1000000x128xf32, #tpu.memory_space<hbm>> -> memref<1000000x128xf32, #tpu.memory_space<hbm>>
    tpu.enqueue_indirect_dma source(%dma_start3A_403 : memref<1000000x128xf32, #tpu.memory_space<hbm>>) target(%arg11 : memref<256x128xf32, #tpu.memory_space<vmem>>) offsets(%dma_start3A_400 : memref<256xi32, #tpu.memory_space<vmem>>) semaphore(%arg15 : memref<!tpu.dma_semaphore, #tpu.memory_space<semaphore_mem>>)
    %dma_wait3A_404 = arith.constant 2048 : i32
    %dma_wait3A_405 = tpu.memref_slice %arg10[%dma_wait3A_404] : memref<5632xi32, #tpu.memory_space<vmem>> -> memref<256xi32, #tpu.memory_space<vmem>>
    %dma_wait3A_406 = arith.constant 0 : i32
    %dma_wait3A_407 = arith.constant 0 : i32
    %dma_wait3A_408 = tpu.memref_slice %arg4[%dma_wait3A_406, %dma_wait3A_407] : memref<1000000x128xf32, #tpu.memory_space<hbm>> -> memref<1000000x128xf32, #tpu.memory_space<hbm>>
    tpu.wait_indirect_dma semaphore(%arg17 : memref<!tpu.dma_semaphore, #tpu.memory_space<semaphore_mem>>) src(%dma_wait3A_408 : memref<1000000x128xf32, #tpu.memory_space<hbm>>) dst(%arg13 : memref<256x128xf32, #tpu.memory_space<vmem>>)
    %mul3A_409 = arith.constant 256 : i32
    %mul3A_410 = arith.muli %add3A, %mul3A_409 : i32
    %dma_start3A_411 = arith.constant 4 : i32
    %dma_start3A_412 = arith.constant 0 : i32
    %dma_start3A_413 = arith.constant 0 : i32
    %dma_start3A_414 = tpu.memref_slice %arg13[%dma_start3A_412, %dma_start3A_413] : memref<256x128xf32, #tpu.memory_space<vmem>> -> memref<256x64xf32, #tpu.memory_space<vmem>>
    %dma_start3A_415 = arith.constant 0 : i32
    %dma_start3A_416 = tpu.memref_slice %arg7[%dma_start3A_411, %mul3A_410, %dma_start3A_415] : memref<9x8192x128xf32, #tpu.memory_space<hbm>> -> memref<1x256x128xf32, #tpu.memory_space<hbm>>
    %dma_start3A_417 = tpu.memref_squeeze %dma_start3A_416 : memref<1x256x128xf32, #tpu.memory_space<hbm>> -> memref<256x128xf32, #tpu.memory_space<hbm>>
    %dma_start3A_418 = arith.constant 0 : i32
    %dma_start3A_419 = arith.constant 0 : i32
    %dma_start3A_420 = tpu.memref_slice %dma_start3A_417[%dma_start3A_418, %dma_start3A_419] : memref<256x128xf32, #tpu.memory_space<hbm>> -> memref<256x64xf32, #tpu.memory_space<hbm>>
    %dma_start3A_421 = arith.constant 0 : i32
    %dma_start3A_422 = tpu.memref_slice %arg7[%dma_start3A_411, %mul3A_410, %dma_start3A_421] : memref<9x8192x128xf32, #tpu.memory_space<hbm>> -> memref<1x256x128xf32, #tpu.memory_space<hbm>>
    %dma_start3A_423 = tpu.memref_squeeze %dma_start3A_422 : memref<1x256x128xf32, #tpu.memory_space<hbm>> -> memref<256x128xf32, #tpu.memory_space<hbm>>
    %dma_start3A_424 = arith.constant 0 : i32
    %dma_start3A_425 = arith.constant 0 : i32
    %dma_start3A_426 = tpu.memref_slice %dma_start3A_423[%dma_start3A_424, %dma_start3A_425] : memref<256x128xf32, #tpu.memory_space<hbm>> -> memref<256x64xf32, #tpu.memory_space<hbm>>
    %dma_start3A_427 = arith.constant 0 : i32
    %dma_start3A_428 = arith.constant 0 : i32
    %dma_start3A_429 = tpu.memref_slice %arg13[%dma_start3A_427, %dma_start3A_428] : memref<256x128xf32, #tpu.memory_space<vmem>> -> memref<256x64xf32, #tpu.memory_space<vmem>>
    tpu.enqueue_dma source(%dma_start3A_429 : memref<256x64xf32, #tpu.memory_space<vmem>>) target(%dma_start3A_426 : memref<256x64xf32, #tpu.memory_space<hbm>>) target_semaphore(%arg20 : memref<!tpu.dma_semaphore, #tpu.memory_space<semaphore_mem>>)
    %dma_wait3A_430 = arith.constant 3 : i32
    %dma_wait3A_431 = arith.constant 0 : i32
    %dma_wait3A_432 = arith.constant 0 : i32
    %dma_wait3A_433 = tpu.memref_slice %arg12[%dma_wait3A_431, %dma_wait3A_432] : memref<256x128xf32, #tpu.memory_space<vmem>> -> memref<256x64xf32, #tpu.memory_space<vmem>>
    %dma_wait3A_434 = arith.constant 0 : i32
    %dma_wait3A_435 = tpu.memref_slice %arg7[%dma_wait3A_430, %mul3A_360, %dma_wait3A_434] : memref<9x8192x128xf32, #tpu.memory_space<hbm>> -> memref<1x256x128xf32, #tpu.memory_space<hbm>>
    %dma_wait3A_436 = tpu.memref_squeeze %dma_wait3A_435 : memref<1x256x128xf32, #tpu.memory_space<hbm>> -> memref<256x128xf32, #tpu.memory_space<hbm>>
    %dma_wait3A_437 = arith.constant 0 : i32
    %dma_wait3A_438 = arith.constant 64 : i32
    %dma_wait3A_439 = tpu.memref_slice %dma_wait3A_436[%dma_wait3A_437, %dma_wait3A_438] : memref<256x128xf32, #tpu.memory_space<hbm>> -> memref<256x64xf32, #tpu.memory_space<hbm>>
    %dma_wait3A_440 = arith.constant 0 : i32
    %dma_wait3A_441 = tpu.memref_slice %arg7[%dma_wait3A_430, %mul3A_360, %dma_wait3A_440] : memref<9x8192x128xf32, #tpu.memory_space<hbm>> -> memref<1x256x128xf32, #tpu.memory_space<hbm>>
    %dma_wait3A_442 = tpu.memref_squeeze %dma_wait3A_441 : memref<1x256x128xf32, #tpu.memory_space<hbm>> -> memref<256x128xf32, #tpu.memory_space<hbm>>
    %dma_wait3A_443 = arith.constant 0 : i32
    %dma_wait3A_444 = arith.constant 64 : i32
    %dma_wait3A_445 = tpu.memref_slice %dma_wait3A_442[%dma_wait3A_443, %dma_wait3A_444] : memref<256x128xf32, #tpu.memory_space<hbm>> -> memref<256x64xf32, #tpu.memory_space<hbm>>
    %dma_wait3A_446 = arith.constant 0 : i32
    %dma_wait3A_447 = arith.constant 0 : i32
    %dma_wait3A_448 = tpu.memref_slice %arg12[%dma_wait3A_446, %dma_wait3A_447] : memref<256x128xf32, #tpu.memory_space<vmem>> -> memref<256x64xf32, #tpu.memory_space<vmem>>
    tpu.wait_dma2 semaphore(%arg19 : memref<!tpu.dma_semaphore, #tpu.memory_space<semaphore_mem>>) src(%dma_wait3A_448 : memref<256x64xf32, #tpu.memory_space<vmem>>) dst(%dma_wait3A_445 : memref<256x64xf32, #tpu.memory_space<hbm>>)
    %dma_start3A_449 = arith.constant 2560 : i32
    %dma_start3A_450 = tpu.memref_slice %arg10[%dma_start3A_449] : memref<5632xi32, #tpu.memory_space<vmem>> -> memref<256xi32, #tpu.memory_space<vmem>>
    %dma_start3A_451 = arith.constant 0 : i32
    %dma_start3A_452 = arith.constant 0 : i32
    %dma_start3A_453 = tpu.memref_slice %arg4[%dma_start3A_451, %dma_start3A_452] : memref<1000000x128xf32, #tpu.memory_space<hbm>> -> memref<1000000x128xf32, #tpu.memory_space<hbm>>
    tpu.enqueue_indirect_dma source(%dma_start3A_453 : memref<1000000x128xf32, #tpu.memory_space<hbm>>) target(%arg12 : memref<256x128xf32, #tpu.memory_space<vmem>>) offsets(%dma_start3A_450 : memref<256xi32, #tpu.memory_space<vmem>>) semaphore(%arg16 : memref<!tpu.dma_semaphore, #tpu.memory_space<semaphore_mem>>)
    %dma_wait3A_454 = arith.constant 2304 : i32
    %dma_wait3A_455 = tpu.memref_slice %arg10[%dma_wait3A_454] : memref<5632xi32, #tpu.memory_space<vmem>> -> memref<256xi32, #tpu.memory_space<vmem>>
    %dma_wait3A_456 = arith.constant 0 : i32
    %dma_wait3A_457 = arith.constant 0 : i32
    %dma_wait3A_458 = tpu.memref_slice %arg4[%dma_wait3A_456, %dma_wait3A_457] : memref<1000000x128xf32, #tpu.memory_space<hbm>> -> memref<1000000x128xf32, #tpu.memory_space<hbm>>
    tpu.wait_indirect_dma semaphore(%arg15 : memref<!tpu.dma_semaphore, #tpu.memory_space<semaphore_mem>>) src(%dma_wait3A_458 : memref<1000000x128xf32, #tpu.memory_space<hbm>>) dst(%arg11 : memref<256x128xf32, #tpu.memory_space<vmem>>)
    %mul3A_459 = arith.constant 256 : i32
    %mul3A_460 = arith.muli %add3A, %mul3A_459 : i32
    %dma_start3A_461 = arith.constant 4 : i32
    %dma_start3A_462 = arith.constant 0 : i32
    %dma_start3A_463 = arith.constant 0 : i32
    %dma_start3A_464 = tpu.memref_slice %arg11[%dma_start3A_462, %dma_start3A_463] : memref<256x128xf32, #tpu.memory_space<vmem>> -> memref<256x64xf32, #tpu.memory_space<vmem>>
    %dma_start3A_465 = arith.constant 0 : i32
    %dma_start3A_466 = tpu.memref_slice %arg7[%dma_start3A_461, %mul3A_460, %dma_start3A_465] : memref<9x8192x128xf32, #tpu.memory_space<hbm>> -> memref<1x256x128xf32, #tpu.memory_space<hbm>>
    %dma_start3A_467 = tpu.memref_squeeze %dma_start3A_466 : memref<1x256x128xf32, #tpu.memory_space<hbm>> -> memref<256x128xf32, #tpu.memory_space<hbm>>
    %dma_start3A_468 = arith.constant 0 : i32
    %dma_start3A_469 = arith.constant 64 : i32
    %dma_start3A_470 = tpu.memref_slice %dma_start3A_467[%dma_start3A_468, %dma_start3A_469] : memref<256x128xf32, #tpu.memory_space<hbm>> -> memref<256x64xf32, #tpu.memory_space<hbm>>
    %dma_start3A_471 = arith.constant 0 : i32
    %dma_start3A_472 = tpu.memref_slice %arg7[%dma_start3A_461, %mul3A_460, %dma_start3A_471] : memref<9x8192x128xf32, #tpu.memory_space<hbm>> -> memref<1x256x128xf32, #tpu.memory_space<hbm>>
    %dma_start3A_473 = tpu.memref_squeeze %dma_start3A_472 : memref<1x256x128xf32, #tpu.memory_space<hbm>> -> memref<256x128xf32, #tpu.memory_space<hbm>>
    %dma_start3A_474 = arith.constant 0 : i32
    %dma_start3A_475 = arith.constant 64 : i32
    %dma_start3A_476 = tpu.memref_slice %dma_start3A_473[%dma_start3A_474, %dma_start3A_475] : memref<256x128xf32, #tpu.memory_space<hbm>> -> memref<256x64xf32, #tpu.memory_space<hbm>>
    %dma_start3A_477 = arith.constant 0 : i32
    %dma_start3A_478 = arith.constant 0 : i32
    %dma_start3A_479 = tpu.memref_slice %arg11[%dma_start3A_477, %dma_start3A_478] : memref<256x128xf32, #tpu.memory_space<vmem>> -> memref<256x64xf32, #tpu.memory_space<vmem>>
    tpu.enqueue_dma source(%dma_start3A_479 : memref<256x64xf32, #tpu.memory_space<vmem>>) target(%dma_start3A_476 : memref<256x64xf32, #tpu.memory_space<hbm>>) target_semaphore(%arg18 : memref<!tpu.dma_semaphore, #tpu.memory_space<semaphore_mem>>)
    %dma_wait3A_480 = arith.constant 4 : i32
    %dma_wait3A_481 = arith.constant 0 : i32
    %dma_wait3A_482 = arith.constant 0 : i32
    %dma_wait3A_483 = tpu.memref_slice %arg13[%dma_wait3A_481, %dma_wait3A_482] : memref<256x128xf32, #tpu.memory_space<vmem>> -> memref<256x64xf32, #tpu.memory_space<vmem>>
    %dma_wait3A_484 = arith.constant 0 : i32
    %dma_wait3A_485 = tpu.memref_slice %arg7[%dma_wait3A_480, %mul3A_410, %dma_wait3A_484] : memref<9x8192x128xf32, #tpu.memory_space<hbm>> -> memref<1x256x128xf32, #tpu.memory_space<hbm>>
    %dma_wait3A_486 = tpu.memref_squeeze %dma_wait3A_485 : memref<1x256x128xf32, #tpu.memory_space<hbm>> -> memref<256x128xf32, #tpu.memory_space<hbm>>
    %dma_wait3A_487 = arith.constant 0 : i32
    %dma_wait3A_488 = arith.constant 0 : i32
    %dma_wait3A_489 = tpu.memref_slice %dma_wait3A_486[%dma_wait3A_487, %dma_wait3A_488] : memref<256x128xf32, #tpu.memory_space<hbm>> -> memref<256x64xf32, #tpu.memory_space<hbm>>
    %dma_wait3A_490 = arith.constant 0 : i32
    %dma_wait3A_491 = tpu.memref_slice %arg7[%dma_wait3A_480, %mul3A_410, %dma_wait3A_490] : memref<9x8192x128xf32, #tpu.memory_space<hbm>> -> memref<1x256x128xf32, #tpu.memory_space<hbm>>
    %dma_wait3A_492 = tpu.memref_squeeze %dma_wait3A_491 : memref<1x256x128xf32, #tpu.memory_space<hbm>> -> memref<256x128xf32, #tpu.memory_space<hbm>>
    %dma_wait3A_493 = arith.constant 0 : i32
    %dma_wait3A_494 = arith.constant 0 : i32
    %dma_wait3A_495 = tpu.memref_slice %dma_wait3A_492[%dma_wait3A_493, %dma_wait3A_494] : memref<256x128xf32, #tpu.memory_space<hbm>> -> memref<256x64xf32, #tpu.memory_space<hbm>>
    %dma_wait3A_496 = arith.constant 0 : i32
    %dma_wait3A_497 = arith.constant 0 : i32
    %dma_wait3A_498 = tpu.memref_slice %arg13[%dma_wait3A_496, %dma_wait3A_497] : memref<256x128xf32, #tpu.memory_space<vmem>> -> memref<256x64xf32, #tpu.memory_space<vmem>>
    tpu.wait_dma2 semaphore(%arg20 : memref<!tpu.dma_semaphore, #tpu.memory_space<semaphore_mem>>) src(%dma_wait3A_498 : memref<256x64xf32, #tpu.memory_space<vmem>>) dst(%dma_wait3A_495 : memref<256x64xf32, #tpu.memory_space<hbm>>)
    %dma_start3A_499 = arith.constant 2816 : i32
    %dma_start3A_500 = tpu.memref_slice %arg10[%dma_start3A_499] : memref<5632xi32, #tpu.memory_space<vmem>> -> memref<256xi32, #tpu.memory_space<vmem>>
    %dma_start3A_501 = arith.constant 0 : i32
    %dma_start3A_502 = arith.constant 0 : i32
    %dma_start3A_503 = tpu.memref_slice %arg4[%dma_start3A_501, %dma_start3A_502] : memref<1000000x128xf32, #tpu.memory_space<hbm>> -> memref<1000000x128xf32, #tpu.memory_space<hbm>>
    tpu.enqueue_indirect_dma source(%dma_start3A_503 : memref<1000000x128xf32, #tpu.memory_space<hbm>>) target(%arg13 : memref<256x128xf32, #tpu.memory_space<vmem>>) offsets(%dma_start3A_500 : memref<256xi32, #tpu.memory_space<vmem>>) semaphore(%arg17 : memref<!tpu.dma_semaphore, #tpu.memory_space<semaphore_mem>>)
    %dma_wait3A_504 = arith.constant 2560 : i32
    %dma_wait3A_505 = tpu.memref_slice %arg10[%dma_wait3A_504] : memref<5632xi32, #tpu.memory_space<vmem>> -> memref<256xi32, #tpu.memory_space<vmem>>
    %dma_wait3A_506 = arith.constant 0 : i32
    %dma_wait3A_507 = arith.constant 0 : i32
    %dma_wait3A_508 = tpu.memref_slice %arg4[%dma_wait3A_506, %dma_wait3A_507] : memref<1000000x128xf32, #tpu.memory_space<hbm>> -> memref<1000000x128xf32, #tpu.memory_space<hbm>>
    tpu.wait_indirect_dma semaphore(%arg16 : memref<!tpu.dma_semaphore, #tpu.memory_space<semaphore_mem>>) src(%dma_wait3A_508 : memref<1000000x128xf32, #tpu.memory_space<hbm>>) dst(%arg12 : memref<256x128xf32, #tpu.memory_space<vmem>>)
    %mul3A_509 = arith.constant 256 : i32
    %mul3A_510 = arith.muli %add3A, %mul3A_509 : i32
    %dma_start3A_511 = arith.constant 5 : i32
    %dma_start3A_512 = arith.constant 0 : i32
    %dma_start3A_513 = arith.constant 0 : i32
    %dma_start3A_514 = tpu.memref_slice %arg12[%dma_start3A_512, %dma_start3A_513] : memref<256x128xf32, #tpu.memory_space<vmem>> -> memref<256x64xf32, #tpu.memory_space<vmem>>
    %dma_start3A_515 = arith.constant 0 : i32
    %dma_start3A_516 = tpu.memref_slice %arg7[%dma_start3A_511, %mul3A_510, %dma_start3A_515] : memref<9x8192x128xf32, #tpu.memory_space<hbm>> -> memref<1x256x128xf32, #tpu.memory_space<hbm>>
    %dma_start3A_517 = tpu.memref_squeeze %dma_start3A_516 : memref<1x256x128xf32, #tpu.memory_space<hbm>> -> memref<256x128xf32, #tpu.memory_space<hbm>>
    %dma_start3A_518 = arith.constant 0 : i32
    %dma_start3A_519 = arith.constant 0 : i32
    %dma_start3A_520 = tpu.memref_slice %dma_start3A_517[%dma_start3A_518, %dma_start3A_519] : memref<256x128xf32, #tpu.memory_space<hbm>> -> memref<256x64xf32, #tpu.memory_space<hbm>>
    %dma_start3A_521 = arith.constant 0 : i32
    %dma_start3A_522 = tpu.memref_slice %arg7[%dma_start3A_511, %mul3A_510, %dma_start3A_521] : memref<9x8192x128xf32, #tpu.memory_space<hbm>> -> memref<1x256x128xf32, #tpu.memory_space<hbm>>
    %dma_start3A_523 = tpu.memref_squeeze %dma_start3A_522 : memref<1x256x128xf32, #tpu.memory_space<hbm>> -> memref<256x128xf32, #tpu.memory_space<hbm>>
    %dma_start3A_524 = arith.constant 0 : i32
    %dma_start3A_525 = arith.constant 0 : i32
    %dma_start3A_526 = tpu.memref_slice %dma_start3A_523[%dma_start3A_524, %dma_start3A_525] : memref<256x128xf32, #tpu.memory_space<hbm>> -> memref<256x64xf32, #tpu.memory_space<hbm>>
    %dma_start3A_527 = arith.constant 0 : i32
    %dma_start3A_528 = arith.constant 0 : i32
    %dma_start3A_529 = tpu.memref_slice %arg12[%dma_start3A_527, %dma_start3A_528] : memref<256x128xf32, #tpu.memory_space<vmem>> -> memref<256x64xf32, #tpu.memory_space<vmem>>
    tpu.enqueue_dma source(%dma_start3A_529 : memref<256x64xf32, #tpu.memory_space<vmem>>) target(%dma_start3A_526 : memref<256x64xf32, #tpu.memory_space<hbm>>) target_semaphore(%arg19 : memref<!tpu.dma_semaphore, #tpu.memory_space<semaphore_mem>>)
    %dma_wait3A_530 = arith.constant 4 : i32
    %dma_wait3A_531 = arith.constant 0 : i32
    %dma_wait3A_532 = arith.constant 0 : i32
    %dma_wait3A_533 = tpu.memref_slice %arg11[%dma_wait3A_531, %dma_wait3A_532] : memref<256x128xf32, #tpu.memory_space<vmem>> -> memref<256x64xf32, #tpu.memory_space<vmem>>
    %dma_wait3A_534 = arith.constant 0 : i32
    %dma_wait3A_535 = tpu.memref_slice %arg7[%dma_wait3A_530, %mul3A_460, %dma_wait3A_534] : memref<9x8192x128xf32, #tpu.memory_space<hbm>> -> memref<1x256x128xf32, #tpu.memory_space<hbm>>
    %dma_wait3A_536 = tpu.memref_squeeze %dma_wait3A_535 : memref<1x256x128xf32, #tpu.memory_space<hbm>> -> memref<256x128xf32, #tpu.memory_space<hbm>>
    %dma_wait3A_537 = arith.constant 0 : i32
    %dma_wait3A_538 = arith.constant 64 : i32
    %dma_wait3A_539 = tpu.memref_slice %dma_wait3A_536[%dma_wait3A_537, %dma_wait3A_538] : memref<256x128xf32, #tpu.memory_space<hbm>> -> memref<256x64xf32, #tpu.memory_space<hbm>>
    %dma_wait3A_540 = arith.constant 0 : i32
    %dma_wait3A_541 = tpu.memref_slice %arg7[%dma_wait3A_530, %mul3A_460, %dma_wait3A_540] : memref<9x8192x128xf32, #tpu.memory_space<hbm>> -> memref<1x256x128xf32, #tpu.memory_space<hbm>>
    %dma_wait3A_542 = tpu.memref_squeeze %dma_wait3A_541 : memref<1x256x128xf32, #tpu.memory_space<hbm>> -> memref<256x128xf32, #tpu.memory_space<hbm>>
    %dma_wait3A_543 = arith.constant 0 : i32
    %dma_wait3A_544 = arith.constant 64 : i32
    %dma_wait3A_545 = tpu.memref_slice %dma_wait3A_542[%dma_wait3A_543, %dma_wait3A_544] : memref<256x128xf32, #tpu.memory_space<hbm>> -> memref<256x64xf32, #tpu.memory_space<hbm>>
    %dma_wait3A_546 = arith.constant 0 : i32
    %dma_wait3A_547 = arith.constant 0 : i32
    %dma_wait3A_548 = tpu.memref_slice %arg11[%dma_wait3A_546, %dma_wait3A_547] : memref<256x128xf32, #tpu.memory_space<vmem>> -> memref<256x64xf32, #tpu.memory_space<vmem>>
    tpu.wait_dma2 semaphore(%arg18 : memref<!tpu.dma_semaphore, #tpu.memory_space<semaphore_mem>>) src(%dma_wait3A_548 : memref<256x64xf32, #tpu.memory_space<vmem>>) dst(%dma_wait3A_545 : memref<256x64xf32, #tpu.memory_space<hbm>>)
    %dma_start3A_549 = arith.constant 3072 : i32
    %dma_start3A_550 = tpu.memref_slice %arg10[%dma_start3A_549] : memref<5632xi32, #tpu.memory_space<vmem>> -> memref<256xi32, #tpu.memory_space<vmem>>
    %dma_start3A_551 = arith.constant 0 : i32
    %dma_start3A_552 = arith.constant 0 : i32
    %dma_start3A_553 = tpu.memref_slice %arg4[%dma_start3A_551, %dma_start3A_552] : memref<1000000x128xf32, #tpu.memory_space<hbm>> -> memref<1000000x128xf32, #tpu.memory_space<hbm>>
    tpu.enqueue_indirect_dma source(%dma_start3A_553 : memref<1000000x128xf32, #tpu.memory_space<hbm>>) target(%arg11 : memref<256x128xf32, #tpu.memory_space<vmem>>) offsets(%dma_start3A_550 : memref<256xi32, #tpu.memory_space<vmem>>) semaphore(%arg15 : memref<!tpu.dma_semaphore, #tpu.memory_space<semaphore_mem>>)
    %dma_wait3A_554 = arith.constant 2816 : i32
    %dma_wait3A_555 = tpu.memref_slice %arg10[%dma_wait3A_554] : memref<5632xi32, #tpu.memory_space<vmem>> -> memref<256xi32, #tpu.memory_space<vmem>>
    %dma_wait3A_556 = arith.constant 0 : i32
    %dma_wait3A_557 = arith.constant 0 : i32
    %dma_wait3A_558 = tpu.memref_slice %arg4[%dma_wait3A_556, %dma_wait3A_557] : memref<1000000x128xf32, #tpu.memory_space<hbm>> -> memref<1000000x128xf32, #tpu.memory_space<hbm>>
    tpu.wait_indirect_dma semaphore(%arg17 : memref<!tpu.dma_semaphore, #tpu.memory_space<semaphore_mem>>) src(%dma_wait3A_558 : memref<1000000x128xf32, #tpu.memory_space<hbm>>) dst(%arg13 : memref<256x128xf32, #tpu.memory_space<vmem>>)
    %mul3A_559 = arith.constant 256 : i32
    %mul3A_560 = arith.muli %add3A, %mul3A_559 : i32
    %dma_start3A_561 = arith.constant 5 : i32
    %dma_start3A_562 = arith.constant 0 : i32
    %dma_start3A_563 = arith.constant 0 : i32
    %dma_start3A_564 = tpu.memref_slice %arg13[%dma_start3A_562, %dma_start3A_563] : memref<256x128xf32, #tpu.memory_space<vmem>> -> memref<256x64xf32, #tpu.memory_space<vmem>>
    %dma_start3A_565 = arith.constant 0 : i32
    %dma_start3A_566 = tpu.memref_slice %arg7[%dma_start3A_561, %mul3A_560, %dma_start3A_565] : memref<9x8192x128xf32, #tpu.memory_space<hbm>> -> memref<1x256x128xf32, #tpu.memory_space<hbm>>
    %dma_start3A_567 = tpu.memref_squeeze %dma_start3A_566 : memref<1x256x128xf32, #tpu.memory_space<hbm>> -> memref<256x128xf32, #tpu.memory_space<hbm>>
    %dma_start3A_568 = arith.constant 0 : i32
    %dma_start3A_569 = arith.constant 64 : i32
    %dma_start3A_570 = tpu.memref_slice %dma_start3A_567[%dma_start3A_568, %dma_start3A_569] : memref<256x128xf32, #tpu.memory_space<hbm>> -> memref<256x64xf32, #tpu.memory_space<hbm>>
    %dma_start3A_571 = arith.constant 0 : i32
    %dma_start3A_572 = tpu.memref_slice %arg7[%dma_start3A_561, %mul3A_560, %dma_start3A_571] : memref<9x8192x128xf32, #tpu.memory_space<hbm>> -> memref<1x256x128xf32, #tpu.memory_space<hbm>>
    %dma_start3A_573 = tpu.memref_squeeze %dma_start3A_572 : memref<1x256x128xf32, #tpu.memory_space<hbm>> -> memref<256x128xf32, #tpu.memory_space<hbm>>
    %dma_start3A_574 = arith.constant 0 : i32
    %dma_start3A_575 = arith.constant 64 : i32
    %dma_start3A_576 = tpu.memref_slice %dma_start3A_573[%dma_start3A_574, %dma_start3A_575] : memref<256x128xf32, #tpu.memory_space<hbm>> -> memref<256x64xf32, #tpu.memory_space<hbm>>
    %dma_start3A_577 = arith.constant 0 : i32
    %dma_start3A_578 = arith.constant 0 : i32
    %dma_start3A_579 = tpu.memref_slice %arg13[%dma_start3A_577, %dma_start3A_578] : memref<256x128xf32, #tpu.memory_space<vmem>> -> memref<256x64xf32, #tpu.memory_space<vmem>>
    tpu.enqueue_dma source(%dma_start3A_579 : memref<256x64xf32, #tpu.memory_space<vmem>>) target(%dma_start3A_576 : memref<256x64xf32, #tpu.memory_space<hbm>>) target_semaphore(%arg20 : memref<!tpu.dma_semaphore, #tpu.memory_space<semaphore_mem>>)
    %dma_wait3A_580 = arith.constant 5 : i32
    %dma_wait3A_581 = arith.constant 0 : i32
    %dma_wait3A_582 = arith.constant 0 : i32
    %dma_wait3A_583 = tpu.memref_slice %arg12[%dma_wait3A_581, %dma_wait3A_582] : memref<256x128xf32, #tpu.memory_space<vmem>> -> memref<256x64xf32, #tpu.memory_space<vmem>>
    %dma_wait3A_584 = arith.constant 0 : i32
    %dma_wait3A_585 = tpu.memref_slice %arg7[%dma_wait3A_580, %mul3A_510, %dma_wait3A_584] : memref<9x8192x128xf32, #tpu.memory_space<hbm>> -> memref<1x256x128xf32, #tpu.memory_space<hbm>>
    %dma_wait3A_586 = tpu.memref_squeeze %dma_wait3A_585 : memref<1x256x128xf32, #tpu.memory_space<hbm>> -> memref<256x128xf32, #tpu.memory_space<hbm>>
    %dma_wait3A_587 = arith.constant 0 : i32
    %dma_wait3A_588 = arith.constant 0 : i32
    %dma_wait3A_589 = tpu.memref_slice %dma_wait3A_586[%dma_wait3A_587, %dma_wait3A_588] : memref<256x128xf32, #tpu.memory_space<hbm>> -> memref<256x64xf32, #tpu.memory_space<hbm>>
    %dma_wait3A_590 = arith.constant 0 : i32
    %dma_wait3A_591 = tpu.memref_slice %arg7[%dma_wait3A_580, %mul3A_510, %dma_wait3A_590] : memref<9x8192x128xf32, #tpu.memory_space<hbm>> -> memref<1x256x128xf32, #tpu.memory_space<hbm>>
    %dma_wait3A_592 = tpu.memref_squeeze %dma_wait3A_591 : memref<1x256x128xf32, #tpu.memory_space<hbm>> -> memref<256x128xf32, #tpu.memory_space<hbm>>
    %dma_wait3A_593 = arith.constant 0 : i32
    %dma_wait3A_594 = arith.constant 0 : i32
    %dma_wait3A_595 = tpu.memref_slice %dma_wait3A_592[%dma_wait3A_593, %dma_wait3A_594] : memref<256x128xf32, #tpu.memory_space<hbm>> -> memref<256x64xf32, #tpu.memory_space<hbm>>
    %dma_wait3A_596 = arith.constant 0 : i32
    %dma_wait3A_597 = arith.constant 0 : i32
    %dma_wait3A_598 = tpu.memref_slice %arg12[%dma_wait3A_596, %dma_wait3A_597] : memref<256x128xf32, #tpu.memory_space<vmem>> -> memref<256x64xf32, #tpu.memory_space<vmem>>
    tpu.wait_dma2 semaphore(%arg19 : memref<!tpu.dma_semaphore, #tpu.memory_space<semaphore_mem>>) src(%dma_wait3A_598 : memref<256x64xf32, #tpu.memory_space<vmem>>) dst(%dma_wait3A_595 : memref<256x64xf32, #tpu.memory_space<hbm>>)
    %dma_start3A_599 = arith.constant 3328 : i32
    %dma_start3A_600 = tpu.memref_slice %arg10[%dma_start3A_599] : memref<5632xi32, #tpu.memory_space<vmem>> -> memref<256xi32, #tpu.memory_space<vmem>>
    %dma_start3A_601 = arith.constant 0 : i32
    %dma_start3A_602 = arith.constant 0 : i32
    %dma_start3A_603 = tpu.memref_slice %arg4[%dma_start3A_601, %dma_start3A_602] : memref<1000000x128xf32, #tpu.memory_space<hbm>> -> memref<1000000x128xf32, #tpu.memory_space<hbm>>
    tpu.enqueue_indirect_dma source(%dma_start3A_603 : memref<1000000x128xf32, #tpu.memory_space<hbm>>) target(%arg12 : memref<256x128xf32, #tpu.memory_space<vmem>>) offsets(%dma_start3A_600 : memref<256xi32, #tpu.memory_space<vmem>>) semaphore(%arg16 : memref<!tpu.dma_semaphore, #tpu.memory_space<semaphore_mem>>)
    %dma_wait3A_604 = arith.constant 3072 : i32
    %dma_wait3A_605 = tpu.memref_slice %arg10[%dma_wait3A_604] : memref<5632xi32, #tpu.memory_space<vmem>> -> memref<256xi32, #tpu.memory_space<vmem>>
    %dma_wait3A_606 = arith.constant 0 : i32
    %dma_wait3A_607 = arith.constant 0 : i32
    %dma_wait3A_608 = tpu.memref_slice %arg4[%dma_wait3A_606, %dma_wait3A_607] : memref<1000000x128xf32, #tpu.memory_space<hbm>> -> memref<1000000x128xf32, #tpu.memory_space<hbm>>
    tpu.wait_indirect_dma semaphore(%arg15 : memref<!tpu.dma_semaphore, #tpu.memory_space<semaphore_mem>>) src(%dma_wait3A_608 : memref<1000000x128xf32, #tpu.memory_space<hbm>>) dst(%arg11 : memref<256x128xf32, #tpu.memory_space<vmem>>)
    %mul3A_609 = arith.constant 256 : i32
    %mul3A_610 = arith.muli %add3A, %mul3A_609 : i32
    %dma_start3A_611 = arith.constant 6 : i32
    %dma_start3A_612 = arith.constant 0 : i32
    %dma_start3A_613 = arith.constant 0 : i32
    %dma_start3A_614 = tpu.memref_slice %arg11[%dma_start3A_612, %dma_start3A_613] : memref<256x128xf32, #tpu.memory_space<vmem>> -> memref<256x64xf32, #tpu.memory_space<vmem>>
    %dma_start3A_615 = arith.constant 0 : i32
    %dma_start3A_616 = tpu.memref_slice %arg7[%dma_start3A_611, %mul3A_610, %dma_start3A_615] : memref<9x8192x128xf32, #tpu.memory_space<hbm>> -> memref<1x256x128xf32, #tpu.memory_space<hbm>>
    %dma_start3A_617 = tpu.memref_squeeze %dma_start3A_616 : memref<1x256x128xf32, #tpu.memory_space<hbm>> -> memref<256x128xf32, #tpu.memory_space<hbm>>
    %dma_start3A_618 = arith.constant 0 : i32
    %dma_start3A_619 = arith.constant 0 : i32
    %dma_start3A_620 = tpu.memref_slice %dma_start3A_617[%dma_start3A_618, %dma_start3A_619] : memref<256x128xf32, #tpu.memory_space<hbm>> -> memref<256x64xf32, #tpu.memory_space<hbm>>
    %dma_start3A_621 = arith.constant 0 : i32
    %dma_start3A_622 = tpu.memref_slice %arg7[%dma_start3A_611, %mul3A_610, %dma_start3A_621] : memref<9x8192x128xf32, #tpu.memory_space<hbm>> -> memref<1x256x128xf32, #tpu.memory_space<hbm>>
    %dma_start3A_623 = tpu.memref_squeeze %dma_start3A_622 : memref<1x256x128xf32, #tpu.memory_space<hbm>> -> memref<256x128xf32, #tpu.memory_space<hbm>>
    %dma_start3A_624 = arith.constant 0 : i32
    %dma_start3A_625 = arith.constant 0 : i32
    %dma_start3A_626 = tpu.memref_slice %dma_start3A_623[%dma_start3A_624, %dma_start3A_625] : memref<256x128xf32, #tpu.memory_space<hbm>> -> memref<256x64xf32, #tpu.memory_space<hbm>>
    %dma_start3A_627 = arith.constant 0 : i32
    %dma_start3A_628 = arith.constant 0 : i32
    %dma_start3A_629 = tpu.memref_slice %arg11[%dma_start3A_627, %dma_start3A_628] : memref<256x128xf32, #tpu.memory_space<vmem>> -> memref<256x64xf32, #tpu.memory_space<vmem>>
    tpu.enqueue_dma source(%dma_start3A_629 : memref<256x64xf32, #tpu.memory_space<vmem>>) target(%dma_start3A_626 : memref<256x64xf32, #tpu.memory_space<hbm>>) target_semaphore(%arg18 : memref<!tpu.dma_semaphore, #tpu.memory_space<semaphore_mem>>)
    %dma_wait3A_630 = arith.constant 5 : i32
    %dma_wait3A_631 = arith.constant 0 : i32
    %dma_wait3A_632 = arith.constant 0 : i32
    %dma_wait3A_633 = tpu.memref_slice %arg13[%dma_wait3A_631, %dma_wait3A_632] : memref<256x128xf32, #tpu.memory_space<vmem>> -> memref<256x64xf32, #tpu.memory_space<vmem>>
    %dma_wait3A_634 = arith.constant 0 : i32
    %dma_wait3A_635 = tpu.memref_slice %arg7[%dma_wait3A_630, %mul3A_560, %dma_wait3A_634] : memref<9x8192x128xf32, #tpu.memory_space<hbm>> -> memref<1x256x128xf32, #tpu.memory_space<hbm>>
    %dma_wait3A_636 = tpu.memref_squeeze %dma_wait3A_635 : memref<1x256x128xf32, #tpu.memory_space<hbm>> -> memref<256x128xf32, #tpu.memory_space<hbm>>
    %dma_wait3A_637 = arith.constant 0 : i32
    %dma_wait3A_638 = arith.constant 64 : i32
    %dma_wait3A_639 = tpu.memref_slice %dma_wait3A_636[%dma_wait3A_637, %dma_wait3A_638] : memref<256x128xf32, #tpu.memory_space<hbm>> -> memref<256x64xf32, #tpu.memory_space<hbm>>
    %dma_wait3A_640 = arith.constant 0 : i32
    %dma_wait3A_641 = tpu.memref_slice %arg7[%dma_wait3A_630, %mul3A_560, %dma_wait3A_640] : memref<9x8192x128xf32, #tpu.memory_space<hbm>> -> memref<1x256x128xf32, #tpu.memory_space<hbm>>
    %dma_wait3A_642 = tpu.memref_squeeze %dma_wait3A_641 : memref<1x256x128xf32, #tpu.memory_space<hbm>> -> memref<256x128xf32, #tpu.memory_space<hbm>>
    %dma_wait3A_643 = arith.constant 0 : i32
    %dma_wait3A_644 = arith.constant 64 : i32
    %dma_wait3A_645 = tpu.memref_slice %dma_wait3A_642[%dma_wait3A_643, %dma_wait3A_644] : memref<256x128xf32, #tpu.memory_space<hbm>> -> memref<256x64xf32, #tpu.memory_space<hbm>>
    %dma_wait3A_646 = arith.constant 0 : i32
    %dma_wait3A_647 = arith.constant 0 : i32
    %dma_wait3A_648 = tpu.memref_slice %arg13[%dma_wait3A_646, %dma_wait3A_647] : memref<256x128xf32, #tpu.memory_space<vmem>> -> memref<256x64xf32, #tpu.memory_space<vmem>>
    tpu.wait_dma2 semaphore(%arg20 : memref<!tpu.dma_semaphore, #tpu.memory_space<semaphore_mem>>) src(%dma_wait3A_648 : memref<256x64xf32, #tpu.memory_space<vmem>>) dst(%dma_wait3A_645 : memref<256x64xf32, #tpu.memory_space<hbm>>)
    %dma_start3A_649 = arith.constant 3584 : i32
    %dma_start3A_650 = tpu.memref_slice %arg10[%dma_start3A_649] : memref<5632xi32, #tpu.memory_space<vmem>> -> memref<256xi32, #tpu.memory_space<vmem>>
    %dma_start3A_651 = arith.constant 0 : i32
    %dma_start3A_652 = arith.constant 0 : i32
    %dma_start3A_653 = tpu.memref_slice %arg4[%dma_start3A_651, %dma_start3A_652] : memref<1000000x128xf32, #tpu.memory_space<hbm>> -> memref<1000000x128xf32, #tpu.memory_space<hbm>>
    tpu.enqueue_indirect_dma source(%dma_start3A_653 : memref<1000000x128xf32, #tpu.memory_space<hbm>>) target(%arg13 : memref<256x128xf32, #tpu.memory_space<vmem>>) offsets(%dma_start3A_650 : memref<256xi32, #tpu.memory_space<vmem>>) semaphore(%arg17 : memref<!tpu.dma_semaphore, #tpu.memory_space<semaphore_mem>>)
    %dma_wait3A_654 = arith.constant 3328 : i32
    %dma_wait3A_655 = tpu.memref_slice %arg10[%dma_wait3A_654] : memref<5632xi32, #tpu.memory_space<vmem>> -> memref<256xi32, #tpu.memory_space<vmem>>
    %dma_wait3A_656 = arith.constant 0 : i32
    %dma_wait3A_657 = arith.constant 0 : i32
    %dma_wait3A_658 = tpu.memref_slice %arg4[%dma_wait3A_656, %dma_wait3A_657] : memref<1000000x128xf32, #tpu.memory_space<hbm>> -> memref<1000000x128xf32, #tpu.memory_space<hbm>>
    tpu.wait_indirect_dma semaphore(%arg16 : memref<!tpu.dma_semaphore, #tpu.memory_space<semaphore_mem>>) src(%dma_wait3A_658 : memref<1000000x128xf32, #tpu.memory_space<hbm>>) dst(%arg12 : memref<256x128xf32, #tpu.memory_space<vmem>>)
    %mul3A_659 = arith.constant 256 : i32
    %mul3A_660 = arith.muli %add3A, %mul3A_659 : i32
    %dma_start3A_661 = arith.constant 6 : i32
    %dma_start3A_662 = arith.constant 0 : i32
    %dma_start3A_663 = arith.constant 0 : i32
    %dma_start3A_664 = tpu.memref_slice %arg12[%dma_start3A_662, %dma_start3A_663] : memref<256x128xf32, #tpu.memory_space<vmem>> -> memref<256x64xf32, #tpu.memory_space<vmem>>
    %dma_start3A_665 = arith.constant 0 : i32
    %dma_start3A_666 = tpu.memref_slice %arg7[%dma_start3A_661, %mul3A_660, %dma_start3A_665] : memref<9x8192x128xf32, #tpu.memory_space<hbm>> -> memref<1x256x128xf32, #tpu.memory_space<hbm>>
    %dma_start3A_667 = tpu.memref_squeeze %dma_start3A_666 : memref<1x256x128xf32, #tpu.memory_space<hbm>> -> memref<256x128xf32, #tpu.memory_space<hbm>>
    %dma_start3A_668 = arith.constant 0 : i32
    %dma_start3A_669 = arith.constant 64 : i32
    %dma_start3A_670 = tpu.memref_slice %dma_start3A_667[%dma_start3A_668, %dma_start3A_669] : memref<256x128xf32, #tpu.memory_space<hbm>> -> memref<256x64xf32, #tpu.memory_space<hbm>>
    %dma_start3A_671 = arith.constant 0 : i32
    %dma_start3A_672 = tpu.memref_slice %arg7[%dma_start3A_661, %mul3A_660, %dma_start3A_671] : memref<9x8192x128xf32, #tpu.memory_space<hbm>> -> memref<1x256x128xf32, #tpu.memory_space<hbm>>
    %dma_start3A_673 = tpu.memref_squeeze %dma_start3A_672 : memref<1x256x128xf32, #tpu.memory_space<hbm>> -> memref<256x128xf32, #tpu.memory_space<hbm>>
    %dma_start3A_674 = arith.constant 0 : i32
    %dma_start3A_675 = arith.constant 64 : i32
    %dma_start3A_676 = tpu.memref_slice %dma_start3A_673[%dma_start3A_674, %dma_start3A_675] : memref<256x128xf32, #tpu.memory_space<hbm>> -> memref<256x64xf32, #tpu.memory_space<hbm>>
    %dma_start3A_677 = arith.constant 0 : i32
    %dma_start3A_678 = arith.constant 0 : i32
    %dma_start3A_679 = tpu.memref_slice %arg12[%dma_start3A_677, %dma_start3A_678] : memref<256x128xf32, #tpu.memory_space<vmem>> -> memref<256x64xf32, #tpu.memory_space<vmem>>
    tpu.enqueue_dma source(%dma_start3A_679 : memref<256x64xf32, #tpu.memory_space<vmem>>) target(%dma_start3A_676 : memref<256x64xf32, #tpu.memory_space<hbm>>) target_semaphore(%arg19 : memref<!tpu.dma_semaphore, #tpu.memory_space<semaphore_mem>>)
    %dma_wait3A_680 = arith.constant 6 : i32
    %dma_wait3A_681 = arith.constant 0 : i32
    %dma_wait3A_682 = arith.constant 0 : i32
    %dma_wait3A_683 = tpu.memref_slice %arg11[%dma_wait3A_681, %dma_wait3A_682] : memref<256x128xf32, #tpu.memory_space<vmem>> -> memref<256x64xf32, #tpu.memory_space<vmem>>
    %dma_wait3A_684 = arith.constant 0 : i32
    %dma_wait3A_685 = tpu.memref_slice %arg7[%dma_wait3A_680, %mul3A_610, %dma_wait3A_684] : memref<9x8192x128xf32, #tpu.memory_space<hbm>> -> memref<1x256x128xf32, #tpu.memory_space<hbm>>
    %dma_wait3A_686 = tpu.memref_squeeze %dma_wait3A_685 : memref<1x256x128xf32, #tpu.memory_space<hbm>> -> memref<256x128xf32, #tpu.memory_space<hbm>>
    %dma_wait3A_687 = arith.constant 0 : i32
    %dma_wait3A_688 = arith.constant 0 : i32
    %dma_wait3A_689 = tpu.memref_slice %dma_wait3A_686[%dma_wait3A_687, %dma_wait3A_688] : memref<256x128xf32, #tpu.memory_space<hbm>> -> memref<256x64xf32, #tpu.memory_space<hbm>>
    %dma_wait3A_690 = arith.constant 0 : i32
    %dma_wait3A_691 = tpu.memref_slice %arg7[%dma_wait3A_680, %mul3A_610, %dma_wait3A_690] : memref<9x8192x128xf32, #tpu.memory_space<hbm>> -> memref<1x256x128xf32, #tpu.memory_space<hbm>>
    %dma_wait3A_692 = tpu.memref_squeeze %dma_wait3A_691 : memref<1x256x128xf32, #tpu.memory_space<hbm>> -> memref<256x128xf32, #tpu.memory_space<hbm>>
    %dma_wait3A_693 = arith.constant 0 : i32
    %dma_wait3A_694 = arith.constant 0 : i32
    %dma_wait3A_695 = tpu.memref_slice %dma_wait3A_692[%dma_wait3A_693, %dma_wait3A_694] : memref<256x128xf32, #tpu.memory_space<hbm>> -> memref<256x64xf32, #tpu.memory_space<hbm>>
    %dma_wait3A_696 = arith.constant 0 : i32
    %dma_wait3A_697 = arith.constant 0 : i32
    %dma_wait3A_698 = tpu.memref_slice %arg11[%dma_wait3A_696, %dma_wait3A_697] : memref<256x128xf32, #tpu.memory_space<vmem>> -> memref<256x64xf32, #tpu.memory_space<vmem>>
    tpu.wait_dma2 semaphore(%arg18 : memref<!tpu.dma_semaphore, #tpu.memory_space<semaphore_mem>>) src(%dma_wait3A_698 : memref<256x64xf32, #tpu.memory_space<vmem>>) dst(%dma_wait3A_695 : memref<256x64xf32, #tpu.memory_space<hbm>>)
    %dma_start3A_699 = arith.constant 3840 : i32
    %dma_start3A_700 = tpu.memref_slice %arg10[%dma_start3A_699] : memref<5632xi32, #tpu.memory_space<vmem>> -> memref<256xi32, #tpu.memory_space<vmem>>
    %dma_start3A_701 = arith.constant 0 : i32
    %dma_start3A_702 = arith.constant 0 : i32
    %dma_start3A_703 = tpu.memref_slice %arg4[%dma_start3A_701, %dma_start3A_702] : memref<1000000x128xf32, #tpu.memory_space<hbm>> -> memref<1000000x128xf32, #tpu.memory_space<hbm>>
    tpu.enqueue_indirect_dma source(%dma_start3A_703 : memref<1000000x128xf32, #tpu.memory_space<hbm>>) target(%arg11 : memref<256x128xf32, #tpu.memory_space<vmem>>) offsets(%dma_start3A_700 : memref<256xi32, #tpu.memory_space<vmem>>) semaphore(%arg15 : memref<!tpu.dma_semaphore, #tpu.memory_space<semaphore_mem>>)
    %dma_wait3A_704 = arith.constant 3584 : i32
    %dma_wait3A_705 = tpu.memref_slice %arg10[%dma_wait3A_704] : memref<5632xi32, #tpu.memory_space<vmem>> -> memref<256xi32, #tpu.memory_space<vmem>>
    %dma_wait3A_706 = arith.constant 0 : i32
    %dma_wait3A_707 = arith.constant 0 : i32
    %dma_wait3A_708 = tpu.memref_slice %arg4[%dma_wait3A_706, %dma_wait3A_707] : memref<1000000x128xf32, #tpu.memory_space<hbm>> -> memref<1000000x128xf32, #tpu.memory_space<hbm>>
    tpu.wait_indirect_dma semaphore(%arg17 : memref<!tpu.dma_semaphore, #tpu.memory_space<semaphore_mem>>) src(%dma_wait3A_708 : memref<1000000x128xf32, #tpu.memory_space<hbm>>) dst(%arg13 : memref<256x128xf32, #tpu.memory_space<vmem>>)
    %mul3A_709 = arith.constant 256 : i32
    %mul3A_710 = arith.muli %add3A, %mul3A_709 : i32
    %dma_start3A_711 = arith.constant 7 : i32
    %dma_start3A_712 = arith.constant 0 : i32
    %dma_start3A_713 = arith.constant 0 : i32
    %dma_start3A_714 = tpu.memref_slice %arg13[%dma_start3A_712, %dma_start3A_713] : memref<256x128xf32, #tpu.memory_space<vmem>> -> memref<256x64xf32, #tpu.memory_space<vmem>>
    %dma_start3A_715 = arith.constant 0 : i32
    %dma_start3A_716 = tpu.memref_slice %arg7[%dma_start3A_711, %mul3A_710, %dma_start3A_715] : memref<9x8192x128xf32, #tpu.memory_space<hbm>> -> memref<1x256x128xf32, #tpu.memory_space<hbm>>
    %dma_start3A_717 = tpu.memref_squeeze %dma_start3A_716 : memref<1x256x128xf32, #tpu.memory_space<hbm>> -> memref<256x128xf32, #tpu.memory_space<hbm>>
    %dma_start3A_718 = arith.constant 0 : i32
    %dma_start3A_719 = arith.constant 0 : i32
    %dma_start3A_720 = tpu.memref_slice %dma_start3A_717[%dma_start3A_718, %dma_start3A_719] : memref<256x128xf32, #tpu.memory_space<hbm>> -> memref<256x64xf32, #tpu.memory_space<hbm>>
    %dma_start3A_721 = arith.constant 0 : i32
    %dma_start3A_722 = tpu.memref_slice %arg7[%dma_start3A_711, %mul3A_710, %dma_start3A_721] : memref<9x8192x128xf32, #tpu.memory_space<hbm>> -> memref<1x256x128xf32, #tpu.memory_space<hbm>>
    %dma_start3A_723 = tpu.memref_squeeze %dma_start3A_722 : memref<1x256x128xf32, #tpu.memory_space<hbm>> -> memref<256x128xf32, #tpu.memory_space<hbm>>
    %dma_start3A_724 = arith.constant 0 : i32
    %dma_start3A_725 = arith.constant 0 : i32
    %dma_start3A_726 = tpu.memref_slice %dma_start3A_723[%dma_start3A_724, %dma_start3A_725] : memref<256x128xf32, #tpu.memory_space<hbm>> -> memref<256x64xf32, #tpu.memory_space<hbm>>
    %dma_start3A_727 = arith.constant 0 : i32
    %dma_start3A_728 = arith.constant 0 : i32
    %dma_start3A_729 = tpu.memref_slice %arg13[%dma_start3A_727, %dma_start3A_728] : memref<256x128xf32, #tpu.memory_space<vmem>> -> memref<256x64xf32, #tpu.memory_space<vmem>>
    tpu.enqueue_dma source(%dma_start3A_729 : memref<256x64xf32, #tpu.memory_space<vmem>>) target(%dma_start3A_726 : memref<256x64xf32, #tpu.memory_space<hbm>>) target_semaphore(%arg20 : memref<!tpu.dma_semaphore, #tpu.memory_space<semaphore_mem>>)
    %dma_wait3A_730 = arith.constant 6 : i32
    %dma_wait3A_731 = arith.constant 0 : i32
    %dma_wait3A_732 = arith.constant 0 : i32
    %dma_wait3A_733 = tpu.memref_slice %arg12[%dma_wait3A_731, %dma_wait3A_732] : memref<256x128xf32, #tpu.memory_space<vmem>> -> memref<256x64xf32, #tpu.memory_space<vmem>>
    %dma_wait3A_734 = arith.constant 0 : i32
    %dma_wait3A_735 = tpu.memref_slice %arg7[%dma_wait3A_730, %mul3A_660, %dma_wait3A_734] : memref<9x8192x128xf32, #tpu.memory_space<hbm>> -> memref<1x256x128xf32, #tpu.memory_space<hbm>>
    %dma_wait3A_736 = tpu.memref_squeeze %dma_wait3A_735 : memref<1x256x128xf32, #tpu.memory_space<hbm>> -> memref<256x128xf32, #tpu.memory_space<hbm>>
    %dma_wait3A_737 = arith.constant 0 : i32
    %dma_wait3A_738 = arith.constant 64 : i32
    %dma_wait3A_739 = tpu.memref_slice %dma_wait3A_736[%dma_wait3A_737, %dma_wait3A_738] : memref<256x128xf32, #tpu.memory_space<hbm>> -> memref<256x64xf32, #tpu.memory_space<hbm>>
    %dma_wait3A_740 = arith.constant 0 : i32
    %dma_wait3A_741 = tpu.memref_slice %arg7[%dma_wait3A_730, %mul3A_660, %dma_wait3A_740] : memref<9x8192x128xf32, #tpu.memory_space<hbm>> -> memref<1x256x128xf32, #tpu.memory_space<hbm>>
    %dma_wait3A_742 = tpu.memref_squeeze %dma_wait3A_741 : memref<1x256x128xf32, #tpu.memory_space<hbm>> -> memref<256x128xf32, #tpu.memory_space<hbm>>
    %dma_wait3A_743 = arith.constant 0 : i32
    %dma_wait3A_744 = arith.constant 64 : i32
    %dma_wait3A_745 = tpu.memref_slice %dma_wait3A_742[%dma_wait3A_743, %dma_wait3A_744] : memref<256x128xf32, #tpu.memory_space<hbm>> -> memref<256x64xf32, #tpu.memory_space<hbm>>
    %dma_wait3A_746 = arith.constant 0 : i32
    %dma_wait3A_747 = arith.constant 0 : i32
    %dma_wait3A_748 = tpu.memref_slice %arg12[%dma_wait3A_746, %dma_wait3A_747] : memref<256x128xf32, #tpu.memory_space<vmem>> -> memref<256x64xf32, #tpu.memory_space<vmem>>
    tpu.wait_dma2 semaphore(%arg19 : memref<!tpu.dma_semaphore, #tpu.memory_space<semaphore_mem>>) src(%dma_wait3A_748 : memref<256x64xf32, #tpu.memory_space<vmem>>) dst(%dma_wait3A_745 : memref<256x64xf32, #tpu.memory_space<hbm>>)
    %dma_start3A_749 = arith.constant 4096 : i32
    %dma_start3A_750 = tpu.memref_slice %arg10[%dma_start3A_749] : memref<5632xi32, #tpu.memory_space<vmem>> -> memref<256xi32, #tpu.memory_space<vmem>>
    %dma_start3A_751 = arith.constant 0 : i32
    %dma_start3A_752 = arith.constant 0 : i32
    %dma_start3A_753 = tpu.memref_slice %arg4[%dma_start3A_751, %dma_start3A_752] : memref<1000000x128xf32, #tpu.memory_space<hbm>> -> memref<1000000x128xf32, #tpu.memory_space<hbm>>
    tpu.enqueue_indirect_dma source(%dma_start3A_753 : memref<1000000x128xf32, #tpu.memory_space<hbm>>) target(%arg12 : memref<256x128xf32, #tpu.memory_space<vmem>>) offsets(%dma_start3A_750 : memref<256xi32, #tpu.memory_space<vmem>>) semaphore(%arg16 : memref<!tpu.dma_semaphore, #tpu.memory_space<semaphore_mem>>)
    %dma_wait3A_754 = arith.constant 3840 : i32
    %dma_wait3A_755 = tpu.memref_slice %arg10[%dma_wait3A_754] : memref<5632xi32, #tpu.memory_space<vmem>> -> memref<256xi32, #tpu.memory_space<vmem>>
    %dma_wait3A_756 = arith.constant 0 : i32
    %dma_wait3A_757 = arith.constant 0 : i32
    %dma_wait3A_758 = tpu.memref_slice %arg4[%dma_wait3A_756, %dma_wait3A_757] : memref<1000000x128xf32, #tpu.memory_space<hbm>> -> memref<1000000x128xf32, #tpu.memory_space<hbm>>
    tpu.wait_indirect_dma semaphore(%arg15 : memref<!tpu.dma_semaphore, #tpu.memory_space<semaphore_mem>>) src(%dma_wait3A_758 : memref<1000000x128xf32, #tpu.memory_space<hbm>>) dst(%arg11 : memref<256x128xf32, #tpu.memory_space<vmem>>)
    %mul3A_759 = arith.constant 256 : i32
    %mul3A_760 = arith.muli %add3A, %mul3A_759 : i32
    %dma_start3A_761 = arith.constant 7 : i32
    %dma_start3A_762 = arith.constant 0 : i32
    %dma_start3A_763 = arith.constant 0 : i32
    %dma_start3A_764 = tpu.memref_slice %arg11[%dma_start3A_762, %dma_start3A_763] : memref<256x128xf32, #tpu.memory_space<vmem>> -> memref<256x64xf32, #tpu.memory_space<vmem>>
    %dma_start3A_765 = arith.constant 0 : i32
    %dma_start3A_766 = tpu.memref_slice %arg7[%dma_start3A_761, %mul3A_760, %dma_start3A_765] : memref<9x8192x128xf32, #tpu.memory_space<hbm>> -> memref<1x256x128xf32, #tpu.memory_space<hbm>>
    %dma_start3A_767 = tpu.memref_squeeze %dma_start3A_766 : memref<1x256x128xf32, #tpu.memory_space<hbm>> -> memref<256x128xf32, #tpu.memory_space<hbm>>
    %dma_start3A_768 = arith.constant 0 : i32
    %dma_start3A_769 = arith.constant 64 : i32
    %dma_start3A_770 = tpu.memref_slice %dma_start3A_767[%dma_start3A_768, %dma_start3A_769] : memref<256x128xf32, #tpu.memory_space<hbm>> -> memref<256x64xf32, #tpu.memory_space<hbm>>
    %dma_start3A_771 = arith.constant 0 : i32
    %dma_start3A_772 = tpu.memref_slice %arg7[%dma_start3A_761, %mul3A_760, %dma_start3A_771] : memref<9x8192x128xf32, #tpu.memory_space<hbm>> -> memref<1x256x128xf32, #tpu.memory_space<hbm>>
    %dma_start3A_773 = tpu.memref_squeeze %dma_start3A_772 : memref<1x256x128xf32, #tpu.memory_space<hbm>> -> memref<256x128xf32, #tpu.memory_space<hbm>>
    %dma_start3A_774 = arith.constant 0 : i32
    %dma_start3A_775 = arith.constant 64 : i32
    %dma_start3A_776 = tpu.memref_slice %dma_start3A_773[%dma_start3A_774, %dma_start3A_775] : memref<256x128xf32, #tpu.memory_space<hbm>> -> memref<256x64xf32, #tpu.memory_space<hbm>>
    %dma_start3A_777 = arith.constant 0 : i32
    %dma_start3A_778 = arith.constant 0 : i32
    %dma_start3A_779 = tpu.memref_slice %arg11[%dma_start3A_777, %dma_start3A_778] : memref<256x128xf32, #tpu.memory_space<vmem>> -> memref<256x64xf32, #tpu.memory_space<vmem>>
    tpu.enqueue_dma source(%dma_start3A_779 : memref<256x64xf32, #tpu.memory_space<vmem>>) target(%dma_start3A_776 : memref<256x64xf32, #tpu.memory_space<hbm>>) target_semaphore(%arg18 : memref<!tpu.dma_semaphore, #tpu.memory_space<semaphore_mem>>)
    %dma_wait3A_780 = arith.constant 7 : i32
    %dma_wait3A_781 = arith.constant 0 : i32
    %dma_wait3A_782 = arith.constant 0 : i32
    %dma_wait3A_783 = tpu.memref_slice %arg13[%dma_wait3A_781, %dma_wait3A_782] : memref<256x128xf32, #tpu.memory_space<vmem>> -> memref<256x64xf32, #tpu.memory_space<vmem>>
    %dma_wait3A_784 = arith.constant 0 : i32
    %dma_wait3A_785 = tpu.memref_slice %arg7[%dma_wait3A_780, %mul3A_710, %dma_wait3A_784] : memref<9x8192x128xf32, #tpu.memory_space<hbm>> -> memref<1x256x128xf32, #tpu.memory_space<hbm>>
    %dma_wait3A_786 = tpu.memref_squeeze %dma_wait3A_785 : memref<1x256x128xf32, #tpu.memory_space<hbm>> -> memref<256x128xf32, #tpu.memory_space<hbm>>
    %dma_wait3A_787 = arith.constant 0 : i32
    %dma_wait3A_788 = arith.constant 0 : i32
    %dma_wait3A_789 = tpu.memref_slice %dma_wait3A_786[%dma_wait3A_787, %dma_wait3A_788] : memref<256x128xf32, #tpu.memory_space<hbm>> -> memref<256x64xf32, #tpu.memory_space<hbm>>
    %dma_wait3A_790 = arith.constant 0 : i32
    %dma_wait3A_791 = tpu.memref_slice %arg7[%dma_wait3A_780, %mul3A_710, %dma_wait3A_790] : memref<9x8192x128xf32, #tpu.memory_space<hbm>> -> memref<1x256x128xf32, #tpu.memory_space<hbm>>
    %dma_wait3A_792 = tpu.memref_squeeze %dma_wait3A_791 : memref<1x256x128xf32, #tpu.memory_space<hbm>> -> memref<256x128xf32, #tpu.memory_space<hbm>>
    %dma_wait3A_793 = arith.constant 0 : i32
    %dma_wait3A_794 = arith.constant 0 : i32
    %dma_wait3A_795 = tpu.memref_slice %dma_wait3A_792[%dma_wait3A_793, %dma_wait3A_794] : memref<256x128xf32, #tpu.memory_space<hbm>> -> memref<256x64xf32, #tpu.memory_space<hbm>>
    %dma_wait3A_796 = arith.constant 0 : i32
    %dma_wait3A_797 = arith.constant 0 : i32
    %dma_wait3A_798 = tpu.memref_slice %arg13[%dma_wait3A_796, %dma_wait3A_797] : memref<256x128xf32, #tpu.memory_space<vmem>> -> memref<256x64xf32, #tpu.memory_space<vmem>>
    tpu.wait_dma2 semaphore(%arg20 : memref<!tpu.dma_semaphore, #tpu.memory_space<semaphore_mem>>) src(%dma_wait3A_798 : memref<256x64xf32, #tpu.memory_space<vmem>>) dst(%dma_wait3A_795 : memref<256x64xf32, #tpu.memory_space<hbm>>)
    %dma_start3A_799 = arith.constant 4352 : i32
    %dma_start3A_800 = tpu.memref_slice %arg10[%dma_start3A_799] : memref<5632xi32, #tpu.memory_space<vmem>> -> memref<256xi32, #tpu.memory_space<vmem>>
    %dma_start3A_801 = arith.constant 0 : i32
    %dma_start3A_802 = arith.constant 0 : i32
    %dma_start3A_803 = tpu.memref_slice %arg4[%dma_start3A_801, %dma_start3A_802] : memref<1000000x128xf32, #tpu.memory_space<hbm>> -> memref<1000000x128xf32, #tpu.memory_space<hbm>>
    tpu.enqueue_indirect_dma source(%dma_start3A_803 : memref<1000000x128xf32, #tpu.memory_space<hbm>>) target(%arg13 : memref<256x128xf32, #tpu.memory_space<vmem>>) offsets(%dma_start3A_800 : memref<256xi32, #tpu.memory_space<vmem>>) semaphore(%arg17 : memref<!tpu.dma_semaphore, #tpu.memory_space<semaphore_mem>>)
    %dma_wait3A_804 = arith.constant 4096 : i32
    %dma_wait3A_805 = tpu.memref_slice %arg10[%dma_wait3A_804] : memref<5632xi32, #tpu.memory_space<vmem>> -> memref<256xi32, #tpu.memory_space<vmem>>
    %dma_wait3A_806 = arith.constant 0 : i32
    %dma_wait3A_807 = arith.constant 0 : i32
    %dma_wait3A_808 = tpu.memref_slice %arg4[%dma_wait3A_806, %dma_wait3A_807] : memref<1000000x128xf32, #tpu.memory_space<hbm>> -> memref<1000000x128xf32, #tpu.memory_space<hbm>>
    tpu.wait_indirect_dma semaphore(%arg16 : memref<!tpu.dma_semaphore, #tpu.memory_space<semaphore_mem>>) src(%dma_wait3A_808 : memref<1000000x128xf32, #tpu.memory_space<hbm>>) dst(%arg12 : memref<256x128xf32, #tpu.memory_space<vmem>>)
    %mul3A_809 = arith.constant 256 : i32
    %mul3A_810 = arith.muli %add3A, %mul3A_809 : i32
    %dma_start3A_811 = arith.constant 8 : i32
    %dma_start3A_812 = arith.constant 0 : i32
    %dma_start3A_813 = arith.constant 0 : i32
    %dma_start3A_814 = tpu.memref_slice %arg12[%dma_start3A_812, %dma_start3A_813] : memref<256x128xf32, #tpu.memory_space<vmem>> -> memref<256x64xf32, #tpu.memory_space<vmem>>
    %dma_start3A_815 = arith.constant 0 : i32
    %dma_start3A_816 = tpu.memref_slice %arg7[%dma_start3A_811, %mul3A_810, %dma_start3A_815] : memref<9x8192x128xf32, #tpu.memory_space<hbm>> -> memref<1x256x128xf32, #tpu.memory_space<hbm>>
    %dma_start3A_817 = tpu.memref_squeeze %dma_start3A_816 : memref<1x256x128xf32, #tpu.memory_space<hbm>> -> memref<256x128xf32, #tpu.memory_space<hbm>>
    %dma_start3A_818 = arith.constant 0 : i32
    %dma_start3A_819 = arith.constant 0 : i32
    %dma_start3A_820 = tpu.memref_slice %dma_start3A_817[%dma_start3A_818, %dma_start3A_819] : memref<256x128xf32, #tpu.memory_space<hbm>> -> memref<256x64xf32, #tpu.memory_space<hbm>>
    %dma_start3A_821 = arith.constant 0 : i32
    %dma_start3A_822 = tpu.memref_slice %arg7[%dma_start3A_811, %mul3A_810, %dma_start3A_821] : memref<9x8192x128xf32, #tpu.memory_space<hbm>> -> memref<1x256x128xf32, #tpu.memory_space<hbm>>
    %dma_start3A_823 = tpu.memref_squeeze %dma_start3A_822 : memref<1x256x128xf32, #tpu.memory_space<hbm>> -> memref<256x128xf32, #tpu.memory_space<hbm>>
    %dma_start3A_824 = arith.constant 0 : i32
    %dma_start3A_825 = arith.constant 0 : i32
    %dma_start3A_826 = tpu.memref_slice %dma_start3A_823[%dma_start3A_824, %dma_start3A_825] : memref<256x128xf32, #tpu.memory_space<hbm>> -> memref<256x64xf32, #tpu.memory_space<hbm>>
    %dma_start3A_827 = arith.constant 0 : i32
    %dma_start3A_828 = arith.constant 0 : i32
    %dma_start3A_829 = tpu.memref_slice %arg12[%dma_start3A_827, %dma_start3A_828] : memref<256x128xf32, #tpu.memory_space<vmem>> -> memref<256x64xf32, #tpu.memory_space<vmem>>
    tpu.enqueue_dma source(%dma_start3A_829 : memref<256x64xf32, #tpu.memory_space<vmem>>) target(%dma_start3A_826 : memref<256x64xf32, #tpu.memory_space<hbm>>) target_semaphore(%arg19 : memref<!tpu.dma_semaphore, #tpu.memory_space<semaphore_mem>>)
    %dma_wait3A_830 = arith.constant 7 : i32
    %dma_wait3A_831 = arith.constant 0 : i32
    %dma_wait3A_832 = arith.constant 0 : i32
    %dma_wait3A_833 = tpu.memref_slice %arg11[%dma_wait3A_831, %dma_wait3A_832] : memref<256x128xf32, #tpu.memory_space<vmem>> -> memref<256x64xf32, #tpu.memory_space<vmem>>
    %dma_wait3A_834 = arith.constant 0 : i32
    %dma_wait3A_835 = tpu.memref_slice %arg7[%dma_wait3A_830, %mul3A_760, %dma_wait3A_834] : memref<9x8192x128xf32, #tpu.memory_space<hbm>> -> memref<1x256x128xf32, #tpu.memory_space<hbm>>
    %dma_wait3A_836 = tpu.memref_squeeze %dma_wait3A_835 : memref<1x256x128xf32, #tpu.memory_space<hbm>> -> memref<256x128xf32, #tpu.memory_space<hbm>>
    %dma_wait3A_837 = arith.constant 0 : i32
    %dma_wait3A_838 = arith.constant 64 : i32
    %dma_wait3A_839 = tpu.memref_slice %dma_wait3A_836[%dma_wait3A_837, %dma_wait3A_838] : memref<256x128xf32, #tpu.memory_space<hbm>> -> memref<256x64xf32, #tpu.memory_space<hbm>>
    %dma_wait3A_840 = arith.constant 0 : i32
    %dma_wait3A_841 = tpu.memref_slice %arg7[%dma_wait3A_830, %mul3A_760, %dma_wait3A_840] : memref<9x8192x128xf32, #tpu.memory_space<hbm>> -> memref<1x256x128xf32, #tpu.memory_space<hbm>>
    %dma_wait3A_842 = tpu.memref_squeeze %dma_wait3A_841 : memref<1x256x128xf32, #tpu.memory_space<hbm>> -> memref<256x128xf32, #tpu.memory_space<hbm>>
    %dma_wait3A_843 = arith.constant 0 : i32
    %dma_wait3A_844 = arith.constant 64 : i32
    %dma_wait3A_845 = tpu.memref_slice %dma_wait3A_842[%dma_wait3A_843, %dma_wait3A_844] : memref<256x128xf32, #tpu.memory_space<hbm>> -> memref<256x64xf32, #tpu.memory_space<hbm>>
    %dma_wait3A_846 = arith.constant 0 : i32
    %dma_wait3A_847 = arith.constant 0 : i32
    %dma_wait3A_848 = tpu.memref_slice %arg11[%dma_wait3A_846, %dma_wait3A_847] : memref<256x128xf32, #tpu.memory_space<vmem>> -> memref<256x64xf32, #tpu.memory_space<vmem>>
    tpu.wait_dma2 semaphore(%arg18 : memref<!tpu.dma_semaphore, #tpu.memory_space<semaphore_mem>>) src(%dma_wait3A_848 : memref<256x64xf32, #tpu.memory_space<vmem>>) dst(%dma_wait3A_845 : memref<256x64xf32, #tpu.memory_space<hbm>>)
    %dma_start3A_849 = arith.constant 4608 : i32
    %dma_start3A_850 = tpu.memref_slice %arg10[%dma_start3A_849] : memref<5632xi32, #tpu.memory_space<vmem>> -> memref<256xi32, #tpu.memory_space<vmem>>
    %dma_start3A_851 = arith.constant 0 : i32
    %dma_start3A_852 = arith.constant 0 : i32
    %dma_start3A_853 = tpu.memref_slice %arg6[%dma_start3A_851, %dma_start3A_852] : memref<1000x128xf32, #tpu.memory_space<hbm>> -> memref<1000x128xf32, #tpu.memory_space<hbm>>
    tpu.enqueue_indirect_dma source(%dma_start3A_853 : memref<1000x128xf32, #tpu.memory_space<hbm>>) target(%arg11 : memref<256x128xf32, #tpu.memory_space<vmem>>) offsets(%dma_start3A_850 : memref<256xi32, #tpu.memory_space<vmem>>) semaphore(%arg15 : memref<!tpu.dma_semaphore, #tpu.memory_space<semaphore_mem>>)
    %dma_wait3A_854 = arith.constant 4352 : i32
    %dma_wait3A_855 = tpu.memref_slice %arg10[%dma_wait3A_854] : memref<5632xi32, #tpu.memory_space<vmem>> -> memref<256xi32, #tpu.memory_space<vmem>>
    %dma_wait3A_856 = arith.constant 0 : i32
    %dma_wait3A_857 = arith.constant 0 : i32
    %dma_wait3A_858 = tpu.memref_slice %arg4[%dma_wait3A_856, %dma_wait3A_857] : memref<1000000x128xf32, #tpu.memory_space<hbm>> -> memref<1000000x128xf32, #tpu.memory_space<hbm>>
    tpu.wait_indirect_dma semaphore(%arg17 : memref<!tpu.dma_semaphore, #tpu.memory_space<semaphore_mem>>) src(%dma_wait3A_858 : memref<1000000x128xf32, #tpu.memory_space<hbm>>) dst(%arg13 : memref<256x128xf32, #tpu.memory_space<vmem>>)
    %mul3A_859 = arith.constant 256 : i32
    %mul3A_860 = arith.muli %add3A, %mul3A_859 : i32
    %dma_start3A_861 = arith.constant 8 : i32
    %dma_start3A_862 = arith.constant 0 : i32
    %dma_start3A_863 = arith.constant 0 : i32
    %dma_start3A_864 = tpu.memref_slice %arg13[%dma_start3A_862, %dma_start3A_863] : memref<256x128xf32, #tpu.memory_space<vmem>> -> memref<256x64xf32, #tpu.memory_space<vmem>>
    %dma_start3A_865 = arith.constant 0 : i32
    %dma_start3A_866 = tpu.memref_slice %arg7[%dma_start3A_861, %mul3A_860, %dma_start3A_865] : memref<9x8192x128xf32, #tpu.memory_space<hbm>> -> memref<1x256x128xf32, #tpu.memory_space<hbm>>
    %dma_start3A_867 = tpu.memref_squeeze %dma_start3A_866 : memref<1x256x128xf32, #tpu.memory_space<hbm>> -> memref<256x128xf32, #tpu.memory_space<hbm>>
    %dma_start3A_868 = arith.constant 0 : i32
    %dma_start3A_869 = arith.constant 64 : i32
    %dma_start3A_870 = tpu.memref_slice %dma_start3A_867[%dma_start3A_868, %dma_start3A_869] : memref<256x128xf32, #tpu.memory_space<hbm>> -> memref<256x64xf32, #tpu.memory_space<hbm>>
    %dma_start3A_871 = arith.constant 0 : i32
    %dma_start3A_872 = tpu.memref_slice %arg7[%dma_start3A_861, %mul3A_860, %dma_start3A_871] : memref<9x8192x128xf32, #tpu.memory_space<hbm>> -> memref<1x256x128xf32, #tpu.memory_space<hbm>>
    %dma_start3A_873 = tpu.memref_squeeze %dma_start3A_872 : memref<1x256x128xf32, #tpu.memory_space<hbm>> -> memref<256x128xf32, #tpu.memory_space<hbm>>
    %dma_start3A_874 = arith.constant 0 : i32
    %dma_start3A_875 = arith.constant 64 : i32
    %dma_start3A_876 = tpu.memref_slice %dma_start3A_873[%dma_start3A_874, %dma_start3A_875] : memref<256x128xf32, #tpu.memory_space<hbm>> -> memref<256x64xf32, #tpu.memory_space<hbm>>
    %dma_start3A_877 = arith.constant 0 : i32
    %dma_start3A_878 = arith.constant 0 : i32
    %dma_start3A_879 = tpu.memref_slice %arg13[%dma_start3A_877, %dma_start3A_878] : memref<256x128xf32, #tpu.memory_space<vmem>> -> memref<256x64xf32, #tpu.memory_space<vmem>>
    tpu.enqueue_dma source(%dma_start3A_879 : memref<256x64xf32, #tpu.memory_space<vmem>>) target(%dma_start3A_876 : memref<256x64xf32, #tpu.memory_space<hbm>>) target_semaphore(%arg20 : memref<!tpu.dma_semaphore, #tpu.memory_space<semaphore_mem>>)
    %dma_wait3A_880 = arith.constant 8 : i32
    %dma_wait3A_881 = arith.constant 0 : i32
    %dma_wait3A_882 = arith.constant 0 : i32
    %dma_wait3A_883 = tpu.memref_slice %arg12[%dma_wait3A_881, %dma_wait3A_882] : memref<256x128xf32, #tpu.memory_space<vmem>> -> memref<256x64xf32, #tpu.memory_space<vmem>>
    %dma_wait3A_884 = arith.constant 0 : i32
    %dma_wait3A_885 = tpu.memref_slice %arg7[%dma_wait3A_880, %mul3A_810, %dma_wait3A_884] : memref<9x8192x128xf32, #tpu.memory_space<hbm>> -> memref<1x256x128xf32, #tpu.memory_space<hbm>>
    %dma_wait3A_886 = tpu.memref_squeeze %dma_wait3A_885 : memref<1x256x128xf32, #tpu.memory_space<hbm>> -> memref<256x128xf32, #tpu.memory_space<hbm>>
    %dma_wait3A_887 = arith.constant 0 : i32
    %dma_wait3A_888 = arith.constant 0 : i32
    %dma_wait3A_889 = tpu.memref_slice %dma_wait3A_886[%dma_wait3A_887, %dma_wait3A_888] : memref<256x128xf32, #tpu.memory_space<hbm>> -> memref<256x64xf32, #tpu.memory_space<hbm>>
    %dma_wait3A_890 = arith.constant 0 : i32
    %dma_wait3A_891 = tpu.memref_slice %arg7[%dma_wait3A_880, %mul3A_810, %dma_wait3A_890] : memref<9x8192x128xf32, #tpu.memory_space<hbm>> -> memref<1x256x128xf32, #tpu.memory_space<hbm>>
    %dma_wait3A_892 = tpu.memref_squeeze %dma_wait3A_891 : memref<1x256x128xf32, #tpu.memory_space<hbm>> -> memref<256x128xf32, #tpu.memory_space<hbm>>
    %dma_wait3A_893 = arith.constant 0 : i32
    %dma_wait3A_894 = arith.constant 0 : i32
    %dma_wait3A_895 = tpu.memref_slice %dma_wait3A_892[%dma_wait3A_893, %dma_wait3A_894] : memref<256x128xf32, #tpu.memory_space<hbm>> -> memref<256x64xf32, #tpu.memory_space<hbm>>
    %dma_wait3A_896 = arith.constant 0 : i32
    %dma_wait3A_897 = arith.constant 0 : i32
    %dma_wait3A_898 = tpu.memref_slice %arg12[%dma_wait3A_896, %dma_wait3A_897] : memref<256x128xf32, #tpu.memory_space<vmem>> -> memref<256x64xf32, #tpu.memory_space<vmem>>
    tpu.wait_dma2 semaphore(%arg19 : memref<!tpu.dma_semaphore, #tpu.memory_space<semaphore_mem>>) src(%dma_wait3A_898 : memref<256x64xf32, #tpu.memory_space<vmem>>) dst(%dma_wait3A_895 : memref<256x64xf32, #tpu.memory_space<hbm>>)
    %dma_start3A_899 = arith.constant 4864 : i32
    %dma_start3A_900 = tpu.memref_slice %arg10[%dma_start3A_899] : memref<5632xi32, #tpu.memory_space<vmem>> -> memref<256xi32, #tpu.memory_space<vmem>>
    %dma_start3A_901 = arith.constant 0 : i32
    %dma_start3A_902 = arith.constant 0 : i32
    %dma_start3A_903 = tpu.memref_slice %arg6[%dma_start3A_901, %dma_start3A_902] : memref<1000x128xf32, #tpu.memory_space<hbm>> -> memref<1000x128xf32, #tpu.memory_space<hbm>>
    tpu.enqueue_indirect_dma source(%dma_start3A_903 : memref<1000x128xf32, #tpu.memory_space<hbm>>) target(%arg12 : memref<256x128xf32, #tpu.memory_space<vmem>>) offsets(%dma_start3A_900 : memref<256xi32, #tpu.memory_space<vmem>>) semaphore(%arg16 : memref<!tpu.dma_semaphore, #tpu.memory_space<semaphore_mem>>)
    %dma_wait3A_904 = arith.constant 4608 : i32
    %dma_wait3A_905 = tpu.memref_slice %arg10[%dma_wait3A_904] : memref<5632xi32, #tpu.memory_space<vmem>> -> memref<256xi32, #tpu.memory_space<vmem>>
    %dma_wait3A_906 = arith.constant 0 : i32
    %dma_wait3A_907 = arith.constant 0 : i32
    %dma_wait3A_908 = tpu.memref_slice %arg6[%dma_wait3A_906, %dma_wait3A_907] : memref<1000x128xf32, #tpu.memory_space<hbm>> -> memref<1000x128xf32, #tpu.memory_space<hbm>>
    tpu.wait_indirect_dma semaphore(%arg15 : memref<!tpu.dma_semaphore, #tpu.memory_space<semaphore_mem>>) src(%dma_wait3A_908 : memref<1000x128xf32, #tpu.memory_space<hbm>>) dst(%arg11 : memref<256x128xf32, #tpu.memory_space<vmem>>)
    %mul3A_909 = arith.constant 256 : i32
    %mul3A_910 = arith.muli %add3A, %mul3A_909 : i32
    %dma_start3A_911 = arith.constant 0 : i32
    %dma_start3A_912 = arith.constant 0 : i32
    %dma_start3A_913 = arith.constant 0 : i32
    %dma_start3A_914 = tpu.memref_slice %arg11[%dma_start3A_912, %dma_start3A_913] : memref<256x128xf32, #tpu.memory_space<vmem>> -> memref<256x64xf32, #tpu.memory_space<vmem>>
    %dma_start3A_915 = arith.constant 0 : i32
    %dma_start3A_916 = tpu.memref_slice %arg9[%dma_start3A_911, %mul3A_910, %dma_start3A_915] : memref<2x8192x128xf32, #tpu.memory_space<hbm>> -> memref<1x256x128xf32, #tpu.memory_space<hbm>>
    %dma_start3A_917 = tpu.memref_squeeze %dma_start3A_916 : memref<1x256x128xf32, #tpu.memory_space<hbm>> -> memref<256x128xf32, #tpu.memory_space<hbm>>
    %dma_start3A_918 = arith.constant 0 : i32
    %dma_start3A_919 = arith.constant 0 : i32
    %dma_start3A_920 = tpu.memref_slice %dma_start3A_917[%dma_start3A_918, %dma_start3A_919] : memref<256x128xf32, #tpu.memory_space<hbm>> -> memref<256x64xf32, #tpu.memory_space<hbm>>
    %dma_start3A_921 = arith.constant 0 : i32
    %dma_start3A_922 = tpu.memref_slice %arg9[%dma_start3A_911, %mul3A_910, %dma_start3A_921] : memref<2x8192x128xf32, #tpu.memory_space<hbm>> -> memref<1x256x128xf32, #tpu.memory_space<hbm>>
    %dma_start3A_923 = tpu.memref_squeeze %dma_start3A_922 : memref<1x256x128xf32, #tpu.memory_space<hbm>> -> memref<256x128xf32, #tpu.memory_space<hbm>>
    %dma_start3A_924 = arith.constant 0 : i32
    %dma_start3A_925 = arith.constant 0 : i32
    %dma_start3A_926 = tpu.memref_slice %dma_start3A_923[%dma_start3A_924, %dma_start3A_925] : memref<256x128xf32, #tpu.memory_space<hbm>> -> memref<256x64xf32, #tpu.memory_space<hbm>>
    %dma_start3A_927 = arith.constant 0 : i32
    %dma_start3A_928 = arith.constant 0 : i32
    %dma_start3A_929 = tpu.memref_slice %arg11[%dma_start3A_927, %dma_start3A_928] : memref<256x128xf32, #tpu.memory_space<vmem>> -> memref<256x64xf32, #tpu.memory_space<vmem>>
    tpu.enqueue_dma source(%dma_start3A_929 : memref<256x64xf32, #tpu.memory_space<vmem>>) target(%dma_start3A_926 : memref<256x64xf32, #tpu.memory_space<hbm>>) target_semaphore(%arg18 : memref<!tpu.dma_semaphore, #tpu.memory_space<semaphore_mem>>)
    %dma_wait3A_930 = arith.constant 8 : i32
    %dma_wait3A_931 = arith.constant 0 : i32
    %dma_wait3A_932 = arith.constant 0 : i32
    %dma_wait3A_933 = tpu.memref_slice %arg13[%dma_wait3A_931, %dma_wait3A_932] : memref<256x128xf32, #tpu.memory_space<vmem>> -> memref<256x64xf32, #tpu.memory_space<vmem>>
    %dma_wait3A_934 = arith.constant 0 : i32
    %dma_wait3A_935 = tpu.memref_slice %arg7[%dma_wait3A_930, %mul3A_860, %dma_wait3A_934] : memref<9x8192x128xf32, #tpu.memory_space<hbm>> -> memref<1x256x128xf32, #tpu.memory_space<hbm>>
    %dma_wait3A_936 = tpu.memref_squeeze %dma_wait3A_935 : memref<1x256x128xf32, #tpu.memory_space<hbm>> -> memref<256x128xf32, #tpu.memory_space<hbm>>
    %dma_wait3A_937 = arith.constant 0 : i32
    %dma_wait3A_938 = arith.constant 64 : i32
    %dma_wait3A_939 = tpu.memref_slice %dma_wait3A_936[%dma_wait3A_937, %dma_wait3A_938] : memref<256x128xf32, #tpu.memory_space<hbm>> -> memref<256x64xf32, #tpu.memory_space<hbm>>
    %dma_wait3A_940 = arith.constant 0 : i32
    %dma_wait3A_941 = tpu.memref_slice %arg7[%dma_wait3A_930, %mul3A_860, %dma_wait3A_940] : memref<9x8192x128xf32, #tpu.memory_space<hbm>> -> memref<1x256x128xf32, #tpu.memory_space<hbm>>
    %dma_wait3A_942 = tpu.memref_squeeze %dma_wait3A_941 : memref<1x256x128xf32, #tpu.memory_space<hbm>> -> memref<256x128xf32, #tpu.memory_space<hbm>>
    %dma_wait3A_943 = arith.constant 0 : i32
    %dma_wait3A_944 = arith.constant 64 : i32
    %dma_wait3A_945 = tpu.memref_slice %dma_wait3A_942[%dma_wait3A_943, %dma_wait3A_944] : memref<256x128xf32, #tpu.memory_space<hbm>> -> memref<256x64xf32, #tpu.memory_space<hbm>>
    %dma_wait3A_946 = arith.constant 0 : i32
    %dma_wait3A_947 = arith.constant 0 : i32
    %dma_wait3A_948 = tpu.memref_slice %arg13[%dma_wait3A_946, %dma_wait3A_947] : memref<256x128xf32, #tpu.memory_space<vmem>> -> memref<256x64xf32, #tpu.memory_space<vmem>>
    tpu.wait_dma2 semaphore(%arg20 : memref<!tpu.dma_semaphore, #tpu.memory_space<semaphore_mem>>) src(%dma_wait3A_948 : memref<256x64xf32, #tpu.memory_space<vmem>>) dst(%dma_wait3A_945 : memref<256x64xf32, #tpu.memory_space<hbm>>)
    %dma_start3A_949 = arith.constant 5120 : i32
    %dma_start3A_950 = tpu.memref_slice %arg10[%dma_start3A_949] : memref<5632xi32, #tpu.memory_space<vmem>> -> memref<256xi32, #tpu.memory_space<vmem>>
    %dma_start3A_951 = arith.constant 0 : i32
    %dma_start3A_952 = arith.constant 0 : i32
    %dma_start3A_953 = tpu.memref_slice %arg6[%dma_start3A_951, %dma_start3A_952] : memref<1000x128xf32, #tpu.memory_space<hbm>> -> memref<1000x128xf32, #tpu.memory_space<hbm>>
    tpu.enqueue_indirect_dma source(%dma_start3A_953 : memref<1000x128xf32, #tpu.memory_space<hbm>>) target(%arg13 : memref<256x128xf32, #tpu.memory_space<vmem>>) offsets(%dma_start3A_950 : memref<256xi32, #tpu.memory_space<vmem>>) semaphore(%arg17 : memref<!tpu.dma_semaphore, #tpu.memory_space<semaphore_mem>>)
    %dma_wait3A_954 = arith.constant 4864 : i32
    %dma_wait3A_955 = tpu.memref_slice %arg10[%dma_wait3A_954] : memref<5632xi32, #tpu.memory_space<vmem>> -> memref<256xi32, #tpu.memory_space<vmem>>
    %dma_wait3A_956 = arith.constant 0 : i32
    %dma_wait3A_957 = arith.constant 0 : i32
    %dma_wait3A_958 = tpu.memref_slice %arg6[%dma_wait3A_956, %dma_wait3A_957] : memref<1000x128xf32, #tpu.memory_space<hbm>> -> memref<1000x128xf32, #tpu.memory_space<hbm>>
    tpu.wait_indirect_dma semaphore(%arg16 : memref<!tpu.dma_semaphore, #tpu.memory_space<semaphore_mem>>) src(%dma_wait3A_958 : memref<1000x128xf32, #tpu.memory_space<hbm>>) dst(%arg12 : memref<256x128xf32, #tpu.memory_space<vmem>>)
    %mul3A_959 = arith.constant 256 : i32
    %mul3A_960 = arith.muli %add3A, %mul3A_959 : i32
    %dma_start3A_961 = arith.constant 0 : i32
    %dma_start3A_962 = arith.constant 0 : i32
    %dma_start3A_963 = arith.constant 0 : i32
    %dma_start3A_964 = tpu.memref_slice %arg12[%dma_start3A_962, %dma_start3A_963] : memref<256x128xf32, #tpu.memory_space<vmem>> -> memref<256x64xf32, #tpu.memory_space<vmem>>
    %dma_start3A_965 = arith.constant 0 : i32
    %dma_start3A_966 = tpu.memref_slice %arg9[%dma_start3A_961, %mul3A_960, %dma_start3A_965] : memref<2x8192x128xf32, #tpu.memory_space<hbm>> -> memref<1x256x128xf32, #tpu.memory_space<hbm>>
    %dma_start3A_967 = tpu.memref_squeeze %dma_start3A_966 : memref<1x256x128xf32, #tpu.memory_space<hbm>> -> memref<256x128xf32, #tpu.memory_space<hbm>>
    %dma_start3A_968 = arith.constant 0 : i32
    %dma_start3A_969 = arith.constant 64 : i32
    %dma_start3A_970 = tpu.memref_slice %dma_start3A_967[%dma_start3A_968, %dma_start3A_969] : memref<256x128xf32, #tpu.memory_space<hbm>> -> memref<256x64xf32, #tpu.memory_space<hbm>>
    %dma_start3A_971 = arith.constant 0 : i32
    %dma_start3A_972 = tpu.memref_slice %arg9[%dma_start3A_961, %mul3A_960, %dma_start3A_971] : memref<2x8192x128xf32, #tpu.memory_space<hbm>> -> memref<1x256x128xf32, #tpu.memory_space<hbm>>
    %dma_start3A_973 = tpu.memref_squeeze %dma_start3A_972 : memref<1x256x128xf32, #tpu.memory_space<hbm>> -> memref<256x128xf32, #tpu.memory_space<hbm>>
    %dma_start3A_974 = arith.constant 0 : i32
    %dma_start3A_975 = arith.constant 64 : i32
    %dma_start3A_976 = tpu.memref_slice %dma_start3A_973[%dma_start3A_974, %dma_start3A_975] : memref<256x128xf32, #tpu.memory_space<hbm>> -> memref<256x64xf32, #tpu.memory_space<hbm>>
    %dma_start3A_977 = arith.constant 0 : i32
    %dma_start3A_978 = arith.constant 0 : i32
    %dma_start3A_979 = tpu.memref_slice %arg12[%dma_start3A_977, %dma_start3A_978] : memref<256x128xf32, #tpu.memory_space<vmem>> -> memref<256x64xf32, #tpu.memory_space<vmem>>
    tpu.enqueue_dma source(%dma_start3A_979 : memref<256x64xf32, #tpu.memory_space<vmem>>) target(%dma_start3A_976 : memref<256x64xf32, #tpu.memory_space<hbm>>) target_semaphore(%arg19 : memref<!tpu.dma_semaphore, #tpu.memory_space<semaphore_mem>>)
    %dma_wait3A_980 = arith.constant 0 : i32
    %dma_wait3A_981 = arith.constant 0 : i32
    %dma_wait3A_982 = arith.constant 0 : i32
    %dma_wait3A_983 = tpu.memref_slice %arg11[%dma_wait3A_981, %dma_wait3A_982] : memref<256x128xf32, #tpu.memory_space<vmem>> -> memref<256x64xf32, #tpu.memory_space<vmem>>
    %dma_wait3A_984 = arith.constant 0 : i32
    %dma_wait3A_985 = tpu.memref_slice %arg9[%dma_wait3A_980, %mul3A_910, %dma_wait3A_984] : memref<2x8192x128xf32, #tpu.memory_space<hbm>> -> memref<1x256x128xf32, #tpu.memory_space<hbm>>
    %dma_wait3A_986 = tpu.memref_squeeze %dma_wait3A_985 : memref<1x256x128xf32, #tpu.memory_space<hbm>> -> memref<256x128xf32, #tpu.memory_space<hbm>>
    %dma_wait3A_987 = arith.constant 0 : i32
    %dma_wait3A_988 = arith.constant 0 : i32
    %dma_wait3A_989 = tpu.memref_slice %dma_wait3A_986[%dma_wait3A_987, %dma_wait3A_988] : memref<256x128xf32, #tpu.memory_space<hbm>> -> memref<256x64xf32, #tpu.memory_space<hbm>>
    %dma_wait3A_990 = arith.constant 0 : i32
    %dma_wait3A_991 = tpu.memref_slice %arg9[%dma_wait3A_980, %mul3A_910, %dma_wait3A_990] : memref<2x8192x128xf32, #tpu.memory_space<hbm>> -> memref<1x256x128xf32, #tpu.memory_space<hbm>>
    %dma_wait3A_992 = tpu.memref_squeeze %dma_wait3A_991 : memref<1x256x128xf32, #tpu.memory_space<hbm>> -> memref<256x128xf32, #tpu.memory_space<hbm>>
    %dma_wait3A_993 = arith.constant 0 : i32
    %dma_wait3A_994 = arith.constant 0 : i32
    %dma_wait3A_995 = tpu.memref_slice %dma_wait3A_992[%dma_wait3A_993, %dma_wait3A_994] : memref<256x128xf32, #tpu.memory_space<hbm>> -> memref<256x64xf32, #tpu.memory_space<hbm>>
    %dma_wait3A_996 = arith.constant 0 : i32
    %dma_wait3A_997 = arith.constant 0 : i32
    %dma_wait3A_998 = tpu.memref_slice %arg11[%dma_wait3A_996, %dma_wait3A_997] : memref<256x128xf32, #tpu.memory_space<vmem>> -> memref<256x64xf32, #tpu.memory_space<vmem>>
    tpu.wait_dma2 semaphore(%arg18 : memref<!tpu.dma_semaphore, #tpu.memory_space<semaphore_mem>>) src(%dma_wait3A_998 : memref<256x64xf32, #tpu.memory_space<vmem>>) dst(%dma_wait3A_995 : memref<256x64xf32, #tpu.memory_space<hbm>>)
    %dma_start3A_999 = arith.constant 5376 : i32
    %dma_start3A_1000 = tpu.memref_slice %arg10[%dma_start3A_999] : memref<5632xi32, #tpu.memory_space<vmem>> -> memref<256xi32, #tpu.memory_space<vmem>>
    %dma_start3A_1001 = arith.constant 0 : i32
    %dma_start3A_1002 = arith.constant 0 : i32
    %dma_start3A_1003 = tpu.memref_slice %arg6[%dma_start3A_1001, %dma_start3A_1002] : memref<1000x128xf32, #tpu.memory_space<hbm>> -> memref<1000x128xf32, #tpu.memory_space<hbm>>
    tpu.enqueue_indirect_dma source(%dma_start3A_1003 : memref<1000x128xf32, #tpu.memory_space<hbm>>) target(%arg11 : memref<256x128xf32, #tpu.memory_space<vmem>>) offsets(%dma_start3A_1000 : memref<256xi32, #tpu.memory_space<vmem>>) semaphore(%arg15 : memref<!tpu.dma_semaphore, #tpu.memory_space<semaphore_mem>>)
    %dma_wait3A_1004 = arith.constant 5120 : i32
    %dma_wait3A_1005 = tpu.memref_slice %arg10[%dma_wait3A_1004] : memref<5632xi32, #tpu.memory_space<vmem>> -> memref<256xi32, #tpu.memory_space<vmem>>
    %dma_wait3A_1006 = arith.constant 0 : i32
    %dma_wait3A_1007 = arith.constant 0 : i32
    %dma_wait3A_1008 = tpu.memref_slice %arg6[%dma_wait3A_1006, %dma_wait3A_1007] : memref<1000x128xf32, #tpu.memory_space<hbm>> -> memref<1000x128xf32, #tpu.memory_space<hbm>>
    tpu.wait_indirect_dma semaphore(%arg17 : memref<!tpu.dma_semaphore, #tpu.memory_space<semaphore_mem>>) src(%dma_wait3A_1008 : memref<1000x128xf32, #tpu.memory_space<hbm>>) dst(%arg13 : memref<256x128xf32, #tpu.memory_space<vmem>>)
    %mul3A_1009 = arith.constant 256 : i32
    %mul3A_1010 = arith.muli %add3A, %mul3A_1009 : i32
    %dma_start3A_1011 = arith.constant 1 : i32
    %dma_start3A_1012 = arith.constant 0 : i32
    %dma_start3A_1013 = arith.constant 0 : i32
    %dma_start3A_1014 = tpu.memref_slice %arg13[%dma_start3A_1012, %dma_start3A_1013] : memref<256x128xf32, #tpu.memory_space<vmem>> -> memref<256x64xf32, #tpu.memory_space<vmem>>
    %dma_start3A_1015 = arith.constant 0 : i32
    %dma_start3A_1016 = tpu.memref_slice %arg9[%dma_start3A_1011, %mul3A_1010, %dma_start3A_1015] : memref<2x8192x128xf32, #tpu.memory_space<hbm>> -> memref<1x256x128xf32, #tpu.memory_space<hbm>>
    %dma_start3A_1017 = tpu.memref_squeeze %dma_start3A_1016 : memref<1x256x128xf32, #tpu.memory_space<hbm>> -> memref<256x128xf32, #tpu.memory_space<hbm>>
    %dma_start3A_1018 = arith.constant 0 : i32
    %dma_start3A_1019 = arith.constant 0 : i32
    %dma_start3A_1020 = tpu.memref_slice %dma_start3A_1017[%dma_start3A_1018, %dma_start3A_1019] : memref<256x128xf32, #tpu.memory_space<hbm>> -> memref<256x64xf32, #tpu.memory_space<hbm>>
    %dma_start3A_1021 = arith.constant 0 : i32
    %dma_start3A_1022 = tpu.memref_slice %arg9[%dma_start3A_1011, %mul3A_1010, %dma_start3A_1021] : memref<2x8192x128xf32, #tpu.memory_space<hbm>> -> memref<1x256x128xf32, #tpu.memory_space<hbm>>
    %dma_start3A_1023 = tpu.memref_squeeze %dma_start3A_1022 : memref<1x256x128xf32, #tpu.memory_space<hbm>> -> memref<256x128xf32, #tpu.memory_space<hbm>>
    %dma_start3A_1024 = arith.constant 0 : i32
    %dma_start3A_1025 = arith.constant 0 : i32
    %dma_start3A_1026 = tpu.memref_slice %dma_start3A_1023[%dma_start3A_1024, %dma_start3A_1025] : memref<256x128xf32, #tpu.memory_space<hbm>> -> memref<256x64xf32, #tpu.memory_space<hbm>>
    %dma_start3A_1027 = arith.constant 0 : i32
    %dma_start3A_1028 = arith.constant 0 : i32
    %dma_start3A_1029 = tpu.memref_slice %arg13[%dma_start3A_1027, %dma_start3A_1028] : memref<256x128xf32, #tpu.memory_space<vmem>> -> memref<256x64xf32, #tpu.memory_space<vmem>>
    tpu.enqueue_dma source(%dma_start3A_1029 : memref<256x64xf32, #tpu.memory_space<vmem>>) target(%dma_start3A_1026 : memref<256x64xf32, #tpu.memory_space<hbm>>) target_semaphore(%arg20 : memref<!tpu.dma_semaphore, #tpu.memory_space<semaphore_mem>>)
    %dma_wait3A_1030 = arith.constant 5376 : i32
    %dma_wait3A_1031 = tpu.memref_slice %arg10[%dma_wait3A_1030] : memref<5632xi32, #tpu.memory_space<vmem>> -> memref<256xi32, #tpu.memory_space<vmem>>
    %dma_wait3A_1032 = arith.constant 0 : i32
    %dma_wait3A_1033 = arith.constant 0 : i32
    %dma_wait3A_1034 = tpu.memref_slice %arg6[%dma_wait3A_1032, %dma_wait3A_1033] : memref<1000x128xf32, #tpu.memory_space<hbm>> -> memref<1000x128xf32, #tpu.memory_space<hbm>>
    tpu.wait_indirect_dma semaphore(%arg15 : memref<!tpu.dma_semaphore, #tpu.memory_space<semaphore_mem>>) src(%dma_wait3A_1034 : memref<1000x128xf32, #tpu.memory_space<hbm>>) dst(%arg11 : memref<256x128xf32, #tpu.memory_space<vmem>>)
    %mul3A_1035 = arith.constant 256 : i32
    %mul3A_1036 = arith.muli %add3A, %mul3A_1035 : i32
    %dma_start3A_1037 = arith.constant 1 : i32
    %dma_start3A_1038 = arith.constant 0 : i32
    %dma_start3A_1039 = arith.constant 0 : i32
    %dma_start3A_1040 = tpu.memref_slice %arg11[%dma_start3A_1038, %dma_start3A_1039] : memref<256x128xf32, #tpu.memory_space<vmem>> -> memref<256x64xf32, #tpu.memory_space<vmem>>
    %dma_start3A_1041 = arith.constant 0 : i32
    %dma_start3A_1042 = tpu.memref_slice %arg9[%dma_start3A_1037, %mul3A_1036, %dma_start3A_1041] : memref<2x8192x128xf32, #tpu.memory_space<hbm>> -> memref<1x256x128xf32, #tpu.memory_space<hbm>>
    %dma_start3A_1043 = tpu.memref_squeeze %dma_start3A_1042 : memref<1x256x128xf32, #tpu.memory_space<hbm>> -> memref<256x128xf32, #tpu.memory_space<hbm>>
    %dma_start3A_1044 = arith.constant 0 : i32
    %dma_start3A_1045 = arith.constant 64 : i32
    %dma_start3A_1046 = tpu.memref_slice %dma_start3A_1043[%dma_start3A_1044, %dma_start3A_1045] : memref<256x128xf32, #tpu.memory_space<hbm>> -> memref<256x64xf32, #tpu.memory_space<hbm>>
    %dma_start3A_1047 = arith.constant 0 : i32
    %dma_start3A_1048 = tpu.memref_slice %arg9[%dma_start3A_1037, %mul3A_1036, %dma_start3A_1047] : memref<2x8192x128xf32, #tpu.memory_space<hbm>> -> memref<1x256x128xf32, #tpu.memory_space<hbm>>
    %dma_start3A_1049 = tpu.memref_squeeze %dma_start3A_1048 : memref<1x256x128xf32, #tpu.memory_space<hbm>> -> memref<256x128xf32, #tpu.memory_space<hbm>>
    %dma_start3A_1050 = arith.constant 0 : i32
    %dma_start3A_1051 = arith.constant 64 : i32
    %dma_start3A_1052 = tpu.memref_slice %dma_start3A_1049[%dma_start3A_1050, %dma_start3A_1051] : memref<256x128xf32, #tpu.memory_space<hbm>> -> memref<256x64xf32, #tpu.memory_space<hbm>>
    %dma_start3A_1053 = arith.constant 0 : i32
    %dma_start3A_1054 = arith.constant 0 : i32
    %dma_start3A_1055 = tpu.memref_slice %arg11[%dma_start3A_1053, %dma_start3A_1054] : memref<256x128xf32, #tpu.memory_space<vmem>> -> memref<256x64xf32, #tpu.memory_space<vmem>>
    tpu.enqueue_dma source(%dma_start3A_1055 : memref<256x64xf32, #tpu.memory_space<vmem>>) target(%dma_start3A_1052 : memref<256x64xf32, #tpu.memory_space<hbm>>) target_semaphore(%arg18 : memref<!tpu.dma_semaphore, #tpu.memory_space<semaphore_mem>>)
    %dma_wait3A_1056 = arith.constant 1 : i32
    %dma_wait3A_1057 = arith.constant 0 : i32
    %dma_wait3A_1058 = arith.constant 0 : i32
    %dma_wait3A_1059 = tpu.memref_slice %arg13[%dma_wait3A_1057, %dma_wait3A_1058] : memref<256x128xf32, #tpu.memory_space<vmem>> -> memref<256x64xf32, #tpu.memory_space<vmem>>
    %dma_wait3A_1060 = arith.constant 0 : i32
    %dma_wait3A_1061 = tpu.memref_slice %arg9[%dma_wait3A_1056, %mul3A_1010, %dma_wait3A_1060] : memref<2x8192x128xf32, #tpu.memory_space<hbm>> -> memref<1x256x128xf32, #tpu.memory_space<hbm>>
    %dma_wait3A_1062 = tpu.memref_squeeze %dma_wait3A_1061 : memref<1x256x128xf32, #tpu.memory_space<hbm>> -> memref<256x128xf32, #tpu.memory_space<hbm>>
    %dma_wait3A_1063 = arith.constant 0 : i32
    %dma_wait3A_1064 = arith.constant 0 : i32
    %dma_wait3A_1065 = tpu.memref_slice %dma_wait3A_1062[%dma_wait3A_1063, %dma_wait3A_1064] : memref<256x128xf32, #tpu.memory_space<hbm>> -> memref<256x64xf32, #tpu.memory_space<hbm>>
    %dma_wait3A_1066 = arith.constant 0 : i32
    %dma_wait3A_1067 = tpu.memref_slice %arg9[%dma_wait3A_1056, %mul3A_1010, %dma_wait3A_1066] : memref<2x8192x128xf32, #tpu.memory_space<hbm>> -> memref<1x256x128xf32, #tpu.memory_space<hbm>>
    %dma_wait3A_1068 = tpu.memref_squeeze %dma_wait3A_1067 : memref<1x256x128xf32, #tpu.memory_space<hbm>> -> memref<256x128xf32, #tpu.memory_space<hbm>>
    %dma_wait3A_1069 = arith.constant 0 : i32
    %dma_wait3A_1070 = arith.constant 0 : i32
    %dma_wait3A_1071 = tpu.memref_slice %dma_wait3A_1068[%dma_wait3A_1069, %dma_wait3A_1070] : memref<256x128xf32, #tpu.memory_space<hbm>> -> memref<256x64xf32, #tpu.memory_space<hbm>>
    %dma_wait3A_1072 = arith.constant 0 : i32
    %dma_wait3A_1073 = arith.constant 0 : i32
    %dma_wait3A_1074 = tpu.memref_slice %arg13[%dma_wait3A_1072, %dma_wait3A_1073] : memref<256x128xf32, #tpu.memory_space<vmem>> -> memref<256x64xf32, #tpu.memory_space<vmem>>
    tpu.wait_dma2 semaphore(%arg20 : memref<!tpu.dma_semaphore, #tpu.memory_space<semaphore_mem>>) src(%dma_wait3A_1074 : memref<256x64xf32, #tpu.memory_space<vmem>>) dst(%dma_wait3A_1071 : memref<256x64xf32, #tpu.memory_space<hbm>>)
    %dma_wait3A_1075 = arith.constant 1 : i32
    %dma_wait3A_1076 = arith.constant 0 : i32
    %dma_wait3A_1077 = arith.constant 0 : i32
    %dma_wait3A_1078 = tpu.memref_slice %arg11[%dma_wait3A_1076, %dma_wait3A_1077] : memref<256x128xf32, #tpu.memory_space<vmem>> -> memref<256x64xf32, #tpu.memory_space<vmem>>
    %dma_wait3A_1079 = arith.constant 0 : i32
    %dma_wait3A_1080 = tpu.memref_slice %arg9[%dma_wait3A_1075, %mul3A_1036, %dma_wait3A_1079] : memref<2x8192x128xf32, #tpu.memory_space<hbm>> -> memref<1x256x128xf32, #tpu.memory_space<hbm>>
    %dma_wait3A_1081 = tpu.memref_squeeze %dma_wait3A_1080 : memref<1x256x128xf32, #tpu.memory_space<hbm>> -> memref<256x128xf32, #tpu.memory_space<hbm>>
    %dma_wait3A_1082 = arith.constant 0 : i32
    %dma_wait3A_1083 = arith.constant 64 : i32
    %dma_wait3A_1084 = tpu.memref_slice %dma_wait3A_1081[%dma_wait3A_1082, %dma_wait3A_1083] : memref<256x128xf32, #tpu.memory_space<hbm>> -> memref<256x64xf32, #tpu.memory_space<hbm>>
    %dma_wait3A_1085 = arith.constant 0 : i32
    %dma_wait3A_1086 = tpu.memref_slice %arg9[%dma_wait3A_1075, %mul3A_1036, %dma_wait3A_1085] : memref<2x8192x128xf32, #tpu.memory_space<hbm>> -> memref<1x256x128xf32, #tpu.memory_space<hbm>>
    %dma_wait3A_1087 = tpu.memref_squeeze %dma_wait3A_1086 : memref<1x256x128xf32, #tpu.memory_space<hbm>> -> memref<256x128xf32, #tpu.memory_space<hbm>>
    %dma_wait3A_1088 = arith.constant 0 : i32
    %dma_wait3A_1089 = arith.constant 64 : i32
    %dma_wait3A_1090 = tpu.memref_slice %dma_wait3A_1087[%dma_wait3A_1088, %dma_wait3A_1089] : memref<256x128xf32, #tpu.memory_space<hbm>> -> memref<256x64xf32, #tpu.memory_space<hbm>>
    %dma_wait3A_1091 = arith.constant 0 : i32
    %dma_wait3A_1092 = arith.constant 0 : i32
    %dma_wait3A_1093 = tpu.memref_slice %arg11[%dma_wait3A_1091, %dma_wait3A_1092] : memref<256x128xf32, #tpu.memory_space<vmem>> -> memref<256x64xf32, #tpu.memory_space<vmem>>
    tpu.wait_dma2 semaphore(%arg18 : memref<!tpu.dma_semaphore, #tpu.memory_space<semaphore_mem>>) src(%dma_wait3A_1093 : memref<256x64xf32, #tpu.memory_space<vmem>>) dst(%dma_wait3A_1090 : memref<256x64xf32, #tpu.memory_space<hbm>>)
    %dma_wait3A_1094 = arith.constant 0 : i32
    %dma_wait3A_1095 = tpu.memref_slice %arg10[%dma_wait3A_1094] : memref<5632xi32, #tpu.memory_space<vmem>> -> memref<4608xi32, #tpu.memory_space<vmem>>
    %dma_wait3A_1096 = arith.constant 0 : i32
    %dma_wait3A_1097 = tpu.memref_slice %arg5[%dma_wait3A_1096] : memref<1000000xf32, #tpu.memory_space<hbm>> -> memref<1000000xf32, #tpu.memory_space<hbm>>
    tpu.wait_indirect_dma semaphore(%arg21 : memref<!tpu.dma_semaphore, #tpu.memory_space<semaphore_mem>>) src(%dma_wait3A_1097 : memref<1000000xf32, #tpu.memory_space<hbm>>) dst(%arg14 : memref<4608xf32, #tpu.memory_space<vmem>>)
    %mul3A_1098 = arith.constant 512 : i32
    %mul3A_1099 = arith.muli %add3A, %mul3A_1098 : i32
    %add3A_1100 = arith.constant 0 : i32
    %add3A_1101 = arith.addi %add3A_1100, %mul3A_1099 : i32
    "tpu.region"() ({
      %run_scoped3A_1134 = tpu.sem_alloc : memref<!tpu.dma_semaphore, #tpu.memory_space<semaphore_mem>>
      %dma_start3A_1135 = arith.constant 0 : i32
      %dma_start3A_1136 = tpu.memref_slice %arg14[%dma_start3A_1135] : memref<4608xf32, #tpu.memory_space<vmem>> -> memref<512xf32, #tpu.memory_space<vmem>>
      %dma_start3A_1137 = tpu.memref_slice %arg8[%add3A_1101] : memref<147456xf32, #tpu.memory_space<hbm>> -> memref<512xf32, #tpu.memory_space<hbm>>
      %dma_start3A_1138 = tpu.memref_slice %arg8[%add3A_1101] : memref<147456xf32, #tpu.memory_space<hbm>> -> memref<512xf32, #tpu.memory_space<hbm>>
      %dma_start3A_1139 = arith.constant 0 : i32
      %dma_start3A_1140 = tpu.memref_slice %arg14[%dma_start3A_1139] : memref<4608xf32, #tpu.memory_space<vmem>> -> memref<512xf32, #tpu.memory_space<vmem>>
      tpu.enqueue_dma source(%dma_start3A_1140 : memref<512xf32, #tpu.memory_space<vmem>>) target(%dma_start3A_1138 : memref<512xf32, #tpu.memory_space<hbm>>) target_semaphore(%run_scoped3A_1134 : memref<!tpu.dma_semaphore, #tpu.memory_space<semaphore_mem>>)
      %dma_wait3A_1141 = arith.constant 0 : i32
      %dma_wait3A_1142 = tpu.memref_slice %arg14[%dma_wait3A_1141] : memref<4608xf32, #tpu.memory_space<vmem>> -> memref<512xf32, #tpu.memory_space<vmem>>
      %dma_wait3A_1143 = tpu.memref_slice %arg8[%add3A_1101] : memref<147456xf32, #tpu.memory_space<hbm>> -> memref<512xf32, #tpu.memory_space<hbm>>
      %dma_wait3A_1144 = tpu.memref_slice %arg8[%add3A_1101] : memref<147456xf32, #tpu.memory_space<hbm>> -> memref<512xf32, #tpu.memory_space<hbm>>
      %dma_wait3A_1145 = arith.constant 0 : i32
      %dma_wait3A_1146 = tpu.memref_slice %arg14[%dma_wait3A_1145] : memref<4608xf32, #tpu.memory_space<vmem>> -> memref<512xf32, #tpu.memory_space<vmem>>
      tpu.wait_dma2 semaphore(%run_scoped3A_1134 : memref<!tpu.dma_semaphore, #tpu.memory_space<semaphore_mem>>) src(%dma_wait3A_1146 : memref<512xf32, #tpu.memory_space<vmem>>) dst(%dma_wait3A_1144 : memref<512xf32, #tpu.memory_space<hbm>>)
      tpu.yield
    }) : () -> ()
    %mul3A_1102 = arith.constant 512 : i32
    %mul3A_1103 = arith.muli %add3A, %mul3A_1102 : i32
    %add3A_1104 = arith.constant 16384 : i32
    %add3A_1105 = arith.addi %add3A_1104, %mul3A_1103 : i32
    "tpu.region"() ({
      %run_scoped3A_1134 = tpu.sem_alloc : memref<!tpu.dma_semaphore, #tpu.memory_space<semaphore_mem>>
      %dma_start3A_1135 = arith.constant 512 : i32
      %dma_start3A_1136 = tpu.memref_slice %arg14[%dma_start3A_1135] : memref<4608xf32, #tpu.memory_space<vmem>> -> memref<512xf32, #tpu.memory_space<vmem>>
      %dma_start3A_1137 = tpu.memref_slice %arg8[%add3A_1105] : memref<147456xf32, #tpu.memory_space<hbm>> -> memref<512xf32, #tpu.memory_space<hbm>>
      %dma_start3A_1138 = tpu.memref_slice %arg8[%add3A_1105] : memref<147456xf32, #tpu.memory_space<hbm>> -> memref<512xf32, #tpu.memory_space<hbm>>
      %dma_start3A_1139 = arith.constant 512 : i32
      %dma_start3A_1140 = tpu.memref_slice %arg14[%dma_start3A_1139] : memref<4608xf32, #tpu.memory_space<vmem>> -> memref<512xf32, #tpu.memory_space<vmem>>
      tpu.enqueue_dma source(%dma_start3A_1140 : memref<512xf32, #tpu.memory_space<vmem>>) target(%dma_start3A_1138 : memref<512xf32, #tpu.memory_space<hbm>>) target_semaphore(%run_scoped3A_1134 : memref<!tpu.dma_semaphore, #tpu.memory_space<semaphore_mem>>)
      %dma_wait3A_1141 = arith.constant 512 : i32
      %dma_wait3A_1142 = tpu.memref_slice %arg14[%dma_wait3A_1141] : memref<4608xf32, #tpu.memory_space<vmem>> -> memref<512xf32, #tpu.memory_space<vmem>>
      %dma_wait3A_1143 = tpu.memref_slice %arg8[%add3A_1105] : memref<147456xf32, #tpu.memory_space<hbm>> -> memref<512xf32, #tpu.memory_space<hbm>>
      %dma_wait3A_1144 = tpu.memref_slice %arg8[%add3A_1105] : memref<147456xf32, #tpu.memory_space<hbm>> -> memref<512xf32, #tpu.memory_space<hbm>>
      %dma_wait3A_1145 = arith.constant 512 : i32
      %dma_wait3A_1146 = tpu.memref_slice %arg14[%dma_wait3A_1145] : memref<4608xf32, #tpu.memory_space<vmem>> -> memref<512xf32, #tpu.memory_space<vmem>>
      tpu.wait_dma2 semaphore(%run_scoped3A_1134 : memref<!tpu.dma_semaphore, #tpu.memory_space<semaphore_mem>>) src(%dma_wait3A_1146 : memref<512xf32, #tpu.memory_space<vmem>>) dst(%dma_wait3A_1144 : memref<512xf32, #tpu.memory_space<hbm>>)
      tpu.yield
    }) : () -> ()
    %mul3A_1106 = arith.constant 512 : i32
    %mul3A_1107 = arith.muli %add3A, %mul3A_1106 : i32
    %add3A_1108 = arith.constant 32768 : i32
    %add3A_1109 = arith.addi %add3A_1108, %mul3A_1107 : i32
    "tpu.region"() ({
      %run_scoped3A_1134 = tpu.sem_alloc : memref<!tpu.dma_semaphore, #tpu.memory_space<semaphore_mem>>
      %dma_start3A_1135 = arith.constant 1024 : i32
      %dma_start3A_1136 = tpu.memref_slice %arg14[%dma_start3A_1135] : memref<4608xf32, #tpu.memory_space<vmem>> -> memref<512xf32, #tpu.memory_space<vmem>>
      %dma_start3A_1137 = tpu.memref_slice %arg8[%add3A_1109] : memref<147456xf32, #tpu.memory_space<hbm>> -> memref<512xf32, #tpu.memory_space<hbm>>
      %dma_start3A_1138 = tpu.memref_slice %arg8[%add3A_1109] : memref<147456xf32, #tpu.memory_space<hbm>> -> memref<512xf32, #tpu.memory_space<hbm>>
      %dma_start3A_1139 = arith.constant 1024 : i32
      %dma_start3A_1140 = tpu.memref_slice %arg14[%dma_start3A_1139] : memref<4608xf32, #tpu.memory_space<vmem>> -> memref<512xf32, #tpu.memory_space<vmem>>
      tpu.enqueue_dma source(%dma_start3A_1140 : memref<512xf32, #tpu.memory_space<vmem>>) target(%dma_start3A_1138 : memref<512xf32, #tpu.memory_space<hbm>>) target_semaphore(%run_scoped3A_1134 : memref<!tpu.dma_semaphore, #tpu.memory_space<semaphore_mem>>)
      %dma_wait3A_1141 = arith.constant 1024 : i32
      %dma_wait3A_1142 = tpu.memref_slice %arg14[%dma_wait3A_1141] : memref<4608xf32, #tpu.memory_space<vmem>> -> memref<512xf32, #tpu.memory_space<vmem>>
      %dma_wait3A_1143 = tpu.memref_slice %arg8[%add3A_1109] : memref<147456xf32, #tpu.memory_space<hbm>> -> memref<512xf32, #tpu.memory_space<hbm>>
      %dma_wait3A_1144 = tpu.memref_slice %arg8[%add3A_1109] : memref<147456xf32, #tpu.memory_space<hbm>> -> memref<512xf32, #tpu.memory_space<hbm>>
      %dma_wait3A_1145 = arith.constant 1024 : i32
      %dma_wait3A_1146 = tpu.memref_slice %arg14[%dma_wait3A_1145] : memref<4608xf32, #tpu.memory_space<vmem>> -> memref<512xf32, #tpu.memory_space<vmem>>
      tpu.wait_dma2 semaphore(%run_scoped3A_1134 : memref<!tpu.dma_semaphore, #tpu.memory_space<semaphore_mem>>) src(%dma_wait3A_1146 : memref<512xf32, #tpu.memory_space<vmem>>) dst(%dma_wait3A_1144 : memref<512xf32, #tpu.memory_space<hbm>>)
      tpu.yield
    }) : () -> ()
    %mul3A_1110 = arith.constant 512 : i32
    %mul3A_1111 = arith.muli %add3A, %mul3A_1110 : i32
    %add3A_1112 = arith.constant 49152 : i32
    %add3A_1113 = arith.addi %add3A_1112, %mul3A_1111 : i32
    "tpu.region"() ({
      %run_scoped3A_1134 = tpu.sem_alloc : memref<!tpu.dma_semaphore, #tpu.memory_space<semaphore_mem>>
      %dma_start3A_1135 = arith.constant 1536 : i32
      %dma_start3A_1136 = tpu.memref_slice %arg14[%dma_start3A_1135] : memref<4608xf32, #tpu.memory_space<vmem>> -> memref<512xf32, #tpu.memory_space<vmem>>
      %dma_start3A_1137 = tpu.memref_slice %arg8[%add3A_1113] : memref<147456xf32, #tpu.memory_space<hbm>> -> memref<512xf32, #tpu.memory_space<hbm>>
      %dma_start3A_1138 = tpu.memref_slice %arg8[%add3A_1113] : memref<147456xf32, #tpu.memory_space<hbm>> -> memref<512xf32, #tpu.memory_space<hbm>>
      %dma_start3A_1139 = arith.constant 1536 : i32
      %dma_start3A_1140 = tpu.memref_slice %arg14[%dma_start3A_1139] : memref<4608xf32, #tpu.memory_space<vmem>> -> memref<512xf32, #tpu.memory_space<vmem>>
      tpu.enqueue_dma source(%dma_start3A_1140 : memref<512xf32, #tpu.memory_space<vmem>>) target(%dma_start3A_1138 : memref<512xf32, #tpu.memory_space<hbm>>) target_semaphore(%run_scoped3A_1134 : memref<!tpu.dma_semaphore, #tpu.memory_space<semaphore_mem>>)
      %dma_wait3A_1141 = arith.constant 1536 : i32
      %dma_wait3A_1142 = tpu.memref_slice %arg14[%dma_wait3A_1141] : memref<4608xf32, #tpu.memory_space<vmem>> -> memref<512xf32, #tpu.memory_space<vmem>>
      %dma_wait3A_1143 = tpu.memref_slice %arg8[%add3A_1113] : memref<147456xf32, #tpu.memory_space<hbm>> -> memref<512xf32, #tpu.memory_space<hbm>>
      %dma_wait3A_1144 = tpu.memref_slice %arg8[%add3A_1113] : memref<147456xf32, #tpu.memory_space<hbm>> -> memref<512xf32, #tpu.memory_space<hbm>>
      %dma_wait3A_1145 = arith.constant 1536 : i32
      %dma_wait3A_1146 = tpu.memref_slice %arg14[%dma_wait3A_1145] : memref<4608xf32, #tpu.memory_space<vmem>> -> memref<512xf32, #tpu.memory_space<vmem>>
      tpu.wait_dma2 semaphore(%run_scoped3A_1134 : memref<!tpu.dma_semaphore, #tpu.memory_space<semaphore_mem>>) src(%dma_wait3A_1146 : memref<512xf32, #tpu.memory_space<vmem>>) dst(%dma_wait3A_1144 : memref<512xf32, #tpu.memory_space<hbm>>)
      tpu.yield
    }) : () -> ()
    %mul3A_1114 = arith.constant 512 : i32
    %mul3A_1115 = arith.muli %add3A, %mul3A_1114 : i32
    %add3A_1116 = arith.constant 65536 : i32
    %add3A_1117 = arith.addi %add3A_1116, %mul3A_1115 : i32
    "tpu.region"() ({
      %run_scoped3A_1134 = tpu.sem_alloc : memref<!tpu.dma_semaphore, #tpu.memory_space<semaphore_mem>>
      %dma_start3A_1135 = arith.constant 2048 : i32
      %dma_start3A_1136 = tpu.memref_slice %arg14[%dma_start3A_1135] : memref<4608xf32, #tpu.memory_space<vmem>> -> memref<512xf32, #tpu.memory_space<vmem>>
      %dma_start3A_1137 = tpu.memref_slice %arg8[%add3A_1117] : memref<147456xf32, #tpu.memory_space<hbm>> -> memref<512xf32, #tpu.memory_space<hbm>>
      %dma_start3A_1138 = tpu.memref_slice %arg8[%add3A_1117] : memref<147456xf32, #tpu.memory_space<hbm>> -> memref<512xf32, #tpu.memory_space<hbm>>
      %dma_start3A_1139 = arith.constant 2048 : i32
      %dma_start3A_1140 = tpu.memref_slice %arg14[%dma_start3A_1139] : memref<4608xf32, #tpu.memory_space<vmem>> -> memref<512xf32, #tpu.memory_space<vmem>>
      tpu.enqueue_dma source(%dma_start3A_1140 : memref<512xf32, #tpu.memory_space<vmem>>) target(%dma_start3A_1138 : memref<512xf32, #tpu.memory_space<hbm>>) target_semaphore(%run_scoped3A_1134 : memref<!tpu.dma_semaphore, #tpu.memory_space<semaphore_mem>>)
      %dma_wait3A_1141 = arith.constant 2048 : i32
      %dma_wait3A_1142 = tpu.memref_slice %arg14[%dma_wait3A_1141] : memref<4608xf32, #tpu.memory_space<vmem>> -> memref<512xf32, #tpu.memory_space<vmem>>
      %dma_wait3A_1143 = tpu.memref_slice %arg8[%add3A_1117] : memref<147456xf32, #tpu.memory_space<hbm>> -> memref<512xf32, #tpu.memory_space<hbm>>
      %dma_wait3A_1144 = tpu.memref_slice %arg8[%add3A_1117] : memref<147456xf32, #tpu.memory_space<hbm>> -> memref<512xf32, #tpu.memory_space<hbm>>
      %dma_wait3A_1145 = arith.constant 2048 : i32
      %dma_wait3A_1146 = tpu.memref_slice %arg14[%dma_wait3A_1145] : memref<4608xf32, #tpu.memory_space<vmem>> -> memref<512xf32, #tpu.memory_space<vmem>>
      tpu.wait_dma2 semaphore(%run_scoped3A_1134 : memref<!tpu.dma_semaphore, #tpu.memory_space<semaphore_mem>>) src(%dma_wait3A_1146 : memref<512xf32, #tpu.memory_space<vmem>>) dst(%dma_wait3A_1144 : memref<512xf32, #tpu.memory_space<hbm>>)
      tpu.yield
    }) : () -> ()
    %mul3A_1118 = arith.constant 512 : i32
    %mul3A_1119 = arith.muli %add3A, %mul3A_1118 : i32
    %add3A_1120 = arith.constant 81920 : i32
    %add3A_1121 = arith.addi %add3A_1120, %mul3A_1119 : i32
    "tpu.region"() ({
      %run_scoped3A_1134 = tpu.sem_alloc : memref<!tpu.dma_semaphore, #tpu.memory_space<semaphore_mem>>
      %dma_start3A_1135 = arith.constant 2560 : i32
      %dma_start3A_1136 = tpu.memref_slice %arg14[%dma_start3A_1135] : memref<4608xf32, #tpu.memory_space<vmem>> -> memref<512xf32, #tpu.memory_space<vmem>>
      %dma_start3A_1137 = tpu.memref_slice %arg8[%add3A_1121] : memref<147456xf32, #tpu.memory_space<hbm>> -> memref<512xf32, #tpu.memory_space<hbm>>
      %dma_start3A_1138 = tpu.memref_slice %arg8[%add3A_1121] : memref<147456xf32, #tpu.memory_space<hbm>> -> memref<512xf32, #tpu.memory_space<hbm>>
      %dma_start3A_1139 = arith.constant 2560 : i32
      %dma_start3A_1140 = tpu.memref_slice %arg14[%dma_start3A_1139] : memref<4608xf32, #tpu.memory_space<vmem>> -> memref<512xf32, #tpu.memory_space<vmem>>
      tpu.enqueue_dma source(%dma_start3A_1140 : memref<512xf32, #tpu.memory_space<vmem>>) target(%dma_start3A_1138 : memref<512xf32, #tpu.memory_space<hbm>>) target_semaphore(%run_scoped3A_1134 : memref<!tpu.dma_semaphore, #tpu.memory_space<semaphore_mem>>)
      %dma_wait3A_1141 = arith.constant 2560 : i32
      %dma_wait3A_1142 = tpu.memref_slice %arg14[%dma_wait3A_1141] : memref<4608xf32, #tpu.memory_space<vmem>> -> memref<512xf32, #tpu.memory_space<vmem>>
      %dma_wait3A_1143 = tpu.memref_slice %arg8[%add3A_1121] : memref<147456xf32, #tpu.memory_space<hbm>> -> memref<512xf32, #tpu.memory_space<hbm>>
      %dma_wait3A_1144 = tpu.memref_slice %arg8[%add3A_1121] : memref<147456xf32, #tpu.memory_space<hbm>> -> memref<512xf32, #tpu.memory_space<hbm>>
      %dma_wait3A_1145 = arith.constant 2560 : i32
      %dma_wait3A_1146 = tpu.memref_slice %arg14[%dma_wait3A_1145] : memref<4608xf32, #tpu.memory_space<vmem>> -> memref<512xf32, #tpu.memory_space<vmem>>
      tpu.wait_dma2 semaphore(%run_scoped3A_1134 : memref<!tpu.dma_semaphore, #tpu.memory_space<semaphore_mem>>) src(%dma_wait3A_1146 : memref<512xf32, #tpu.memory_space<vmem>>) dst(%dma_wait3A_1144 : memref<512xf32, #tpu.memory_space<hbm>>)
      tpu.yield
    }) : () -> ()
    %mul3A_1122 = arith.constant 512 : i32
    %mul3A_1123 = arith.muli %add3A, %mul3A_1122 : i32
    %add3A_1124 = arith.constant 98304 : i32
    %add3A_1125 = arith.addi %add3A_1124, %mul3A_1123 : i32
    "tpu.region"() ({
      %run_scoped3A_1134 = tpu.sem_alloc : memref<!tpu.dma_semaphore, #tpu.memory_space<semaphore_mem>>
      %dma_start3A_1135 = arith.constant 3072 : i32
      %dma_start3A_1136 = tpu.memref_slice %arg14[%dma_start3A_1135] : memref<4608xf32, #tpu.memory_space<vmem>> -> memref<512xf32, #tpu.memory_space<vmem>>
      %dma_start3A_1137 = tpu.memref_slice %arg8[%add3A_1125] : memref<147456xf32, #tpu.memory_space<hbm>> -> memref<512xf32, #tpu.memory_space<hbm>>
      %dma_start3A_1138 = tpu.memref_slice %arg8[%add3A_1125] : memref<147456xf32, #tpu.memory_space<hbm>> -> memref<512xf32, #tpu.memory_space<hbm>>
      %dma_start3A_1139 = arith.constant 3072 : i32
      %dma_start3A_1140 = tpu.memref_slice %arg14[%dma_start3A_1139] : memref<4608xf32, #tpu.memory_space<vmem>> -> memref<512xf32, #tpu.memory_space<vmem>>
      tpu.enqueue_dma source(%dma_start3A_1140 : memref<512xf32, #tpu.memory_space<vmem>>) target(%dma_start3A_1138 : memref<512xf32, #tpu.memory_space<hbm>>) target_semaphore(%run_scoped3A_1134 : memref<!tpu.dma_semaphore, #tpu.memory_space<semaphore_mem>>)
      %dma_wait3A_1141 = arith.constant 3072 : i32
      %dma_wait3A_1142 = tpu.memref_slice %arg14[%dma_wait3A_1141] : memref<4608xf32, #tpu.memory_space<vmem>> -> memref<512xf32, #tpu.memory_space<vmem>>
      %dma_wait3A_1143 = tpu.memref_slice %arg8[%add3A_1125] : memref<147456xf32, #tpu.memory_space<hbm>> -> memref<512xf32, #tpu.memory_space<hbm>>
      %dma_wait3A_1144 = tpu.memref_slice %arg8[%add3A_1125] : memref<147456xf32, #tpu.memory_space<hbm>> -> memref<512xf32, #tpu.memory_space<hbm>>
      %dma_wait3A_1145 = arith.constant 3072 : i32
      %dma_wait3A_1146 = tpu.memref_slice %arg14[%dma_wait3A_1145] : memref<4608xf32, #tpu.memory_space<vmem>> -> memref<512xf32, #tpu.memory_space<vmem>>
      tpu.wait_dma2 semaphore(%run_scoped3A_1134 : memref<!tpu.dma_semaphore, #tpu.memory_space<semaphore_mem>>) src(%dma_wait3A_1146 : memref<512xf32, #tpu.memory_space<vmem>>) dst(%dma_wait3A_1144 : memref<512xf32, #tpu.memory_space<hbm>>)
      tpu.yield
    }) : () -> ()
    %mul3A_1126 = arith.constant 512 : i32
    %mul3A_1127 = arith.muli %add3A, %mul3A_1126 : i32
    %add3A_1128 = arith.constant 114688 : i32
    %add3A_1129 = arith.addi %add3A_1128, %mul3A_1127 : i32
    "tpu.region"() ({
      %run_scoped3A_1134 = tpu.sem_alloc : memref<!tpu.dma_semaphore, #tpu.memory_space<semaphore_mem>>
      %dma_start3A_1135 = arith.constant 3584 : i32
      %dma_start3A_1136 = tpu.memref_slice %arg14[%dma_start3A_1135] : memref<4608xf32, #tpu.memory_space<vmem>> -> memref<512xf32, #tpu.memory_space<vmem>>
      %dma_start3A_1137 = tpu.memref_slice %arg8[%add3A_1129] : memref<147456xf32, #tpu.memory_space<hbm>> -> memref<512xf32, #tpu.memory_space<hbm>>
      %dma_start3A_1138 = tpu.memref_slice %arg8[%add3A_1129] : memref<147456xf32, #tpu.memory_space<hbm>> -> memref<512xf32, #tpu.memory_space<hbm>>
      %dma_start3A_1139 = arith.constant 3584 : i32
      %dma_start3A_1140 = tpu.memref_slice %arg14[%dma_start3A_1139] : memref<4608xf32, #tpu.memory_space<vmem>> -> memref<512xf32, #tpu.memory_space<vmem>>
      tpu.enqueue_dma source(%dma_start3A_1140 : memref<512xf32, #tpu.memory_space<vmem>>) target(%dma_start3A_1138 : memref<512xf32, #tpu.memory_space<hbm>>) target_semaphore(%run_scoped3A_1134 : memref<!tpu.dma_semaphore, #tpu.memory_space<semaphore_mem>>)
      %dma_wait3A_1141 = arith.constant 3584 : i32
      %dma_wait3A_1142 = tpu.memref_slice %arg14[%dma_wait3A_1141] : memref<4608xf32, #tpu.memory_space<vmem>> -> memref<512xf32, #tpu.memory_space<vmem>>
      %dma_wait3A_1143 = tpu.memref_slice %arg8[%add3A_1129] : memref<147456xf32, #tpu.memory_space<hbm>> -> memref<512xf32, #tpu.memory_space<hbm>>
      %dma_wait3A_1144 = tpu.memref_slice %arg8[%add3A_1129] : memref<147456xf32, #tpu.memory_space<hbm>> -> memref<512xf32, #tpu.memory_space<hbm>>
      %dma_wait3A_1145 = arith.constant 3584 : i32
      %dma_wait3A_1146 = tpu.memref_slice %arg14[%dma_wait3A_1145] : memref<4608xf32, #tpu.memory_space<vmem>> -> memref<512xf32, #tpu.memory_space<vmem>>
      tpu.wait_dma2 semaphore(%run_scoped3A_1134 : memref<!tpu.dma_semaphore, #tpu.memory_space<semaphore_mem>>) src(%dma_wait3A_1146 : memref<512xf32, #tpu.memory_space<vmem>>) dst(%dma_wait3A_1144 : memref<512xf32, #tpu.memory_space<hbm>>)
      tpu.yield
    }) : () -> ()
    %mul3A_1130 = arith.constant 512 : i32
    %mul3A_1131 = arith.muli %add3A, %mul3A_1130 : i32
    %add3A_1132 = arith.constant 131072 : i32
    %add3A_1133 = arith.addi %add3A_1132, %mul3A_1131 : i32
    "tpu.region"() ({
      %run_scoped3A_1134 = tpu.sem_alloc : memref<!tpu.dma_semaphore, #tpu.memory_space<semaphore_mem>>
      %dma_start3A_1135 = arith.constant 4096 : i32
      %dma_start3A_1136 = tpu.memref_slice %arg14[%dma_start3A_1135] : memref<4608xf32, #tpu.memory_space<vmem>> -> memref<512xf32, #tpu.memory_space<vmem>>
      %dma_start3A_1137 = tpu.memref_slice %arg8[%add3A_1133] : memref<147456xf32, #tpu.memory_space<hbm>> -> memref<512xf32, #tpu.memory_space<hbm>>
      %dma_start3A_1138 = tpu.memref_slice %arg8[%add3A_1133] : memref<147456xf32, #tpu.memory_space<hbm>> -> memref<512xf32, #tpu.memory_space<hbm>>
      %dma_start3A_1139 = arith.constant 4096 : i32
      %dma_start3A_1140 = tpu.memref_slice %arg14[%dma_start3A_1139] : memref<4608xf32, #tpu.memory_space<vmem>> -> memref<512xf32, #tpu.memory_space<vmem>>
      tpu.enqueue_dma source(%dma_start3A_1140 : memref<512xf32, #tpu.memory_space<vmem>>) target(%dma_start3A_1138 : memref<512xf32, #tpu.memory_space<hbm>>) target_semaphore(%run_scoped3A_1134 : memref<!tpu.dma_semaphore, #tpu.memory_space<semaphore_mem>>)
      %dma_wait3A_1141 = arith.constant 4096 : i32
      %dma_wait3A_1142 = tpu.memref_slice %arg14[%dma_wait3A_1141] : memref<4608xf32, #tpu.memory_space<vmem>> -> memref<512xf32, #tpu.memory_space<vmem>>
      %dma_wait3A_1143 = tpu.memref_slice %arg8[%add3A_1133] : memref<147456xf32, #tpu.memory_space<hbm>> -> memref<512xf32, #tpu.memory_space<hbm>>
      %dma_wait3A_1144 = tpu.memref_slice %arg8[%add3A_1133] : memref<147456xf32, #tpu.memory_space<hbm>> -> memref<512xf32, #tpu.memory_space<hbm>>
      %dma_wait3A_1145 = arith.constant 4096 : i32
      %dma_wait3A_1146 = tpu.memref_slice %arg14[%dma_wait3A_1145] : memref<4608xf32, #tpu.memory_space<vmem>> -> memref<512xf32, #tpu.memory_space<vmem>>
      tpu.wait_dma2 semaphore(%run_scoped3A_1134 : memref<!tpu.dma_semaphore, #tpu.memory_space<semaphore_mem>>) src(%dma_wait3A_1146 : memref<512xf32, #tpu.memory_space<vmem>>) dst(%dma_wait3A_1144 : memref<512xf32, #tpu.memory_space<hbm>>)
      tpu.yield
    }) : () -> ()
    return
  }
}

module attributes {stable_mosaic.version = 14 : i64} {
  func.func @_stats_body(%arg0: i32, %arg1: memref<9x256x128xf32, #tpu.memory_space<vmem>>, %arg2: memref<9x128xf32, #tpu.memory_space<vmem>>, %arg3: memref<9x128xf32, #tpu.memory_space<vmem>>) attributes {dimension_semantics = [#tpu.dimension_semantics<arbitrary>], iteration_bounds = array<i64: 32>, scalar_prefetch = 0 : i64, scratch_operands = 0 : i64, tpu.core_type = #tpu.core_type<tc>, window_params = [{transform_indices = @transform_0, window_bounds = array<i64: 9, 256, 128>}, {pipeline_mode = #tpu.pipeline_mode<synchronous>, transform_indices = @transform_1, window_bounds = array<i64: 9, 128>}, {pipeline_mode = #tpu.pipeline_mode<synchronous>, transform_indices = @transform_2, window_bounds = array<i64: 9, 128>}]} {
    %get3A = arith.constant 0 : index
    %get3A_0 = arith.constant 0 : index
    %get3A_1 = arith.constant 0 : index
    %get3A_2 = vector.load %arg1[%get3A, %get3A_0, %get3A_1] : memref<9x256x128xf32, #tpu.memory_space<vmem>>, vector<9x256x128xf32>
    %reduce_sum3A = arith.constant dense<0.000000e+00> : vector<9x128xf32>
    %reduce_sum3A_3 = vector.multi_reduction <add>, %get3A_2, %reduce_sum3A [1] : vector<9x256x128xf32> to vector<9x128xf32>
    %mul3A = arith.mulf %get3A_2, %get3A_2 : vector<9x256x128xf32>
    %reduce_sum3A_4 = arith.constant dense<0.000000e+00> : vector<9x128xf32>
    %reduce_sum3A_5 = vector.multi_reduction <add>, %mul3A, %reduce_sum3A_4 [1] : vector<9x256x128xf32> to vector<9x128xf32>
    %eq3A = arith.constant 0 : i32
    %eq3A_6 = arith.cmpi eq, %arg0, %eq3A : i32
    %convert_element_type3A = arith.extui %eq3A_6 : i1 to i32
    %cond3A = arith.constant 0 : i32
    %cond3A_7 = arith.cmpi ne, %convert_element_type3A, %cond3A : i32
    scf.if %cond3A_7 {
      %swap3A = arith.constant 0 : index
      %swap3A_12 = arith.constant 0 : index
      %swap3A_13 = vector.load %arg2[%swap3A, %swap3A_12] : memref<9x128xf32, #tpu.memory_space<vmem>>, vector<9x128xf32>
      tpu.vector_store %arg2[%swap3A, %swap3A_12], %reduce_sum3A_3 {strides = array<i32>} : memref<9x128xf32, #tpu.memory_space<vmem>>, vector<9x128xf32>,
      %swap3A_14 = arith.constant 0 : index
      %swap3A_15 = arith.constant 0 : index
      %swap3A_16 = vector.load %arg3[%swap3A_14, %swap3A_15] : memref<9x128xf32, #tpu.memory_space<vmem>>, vector<9x128xf32>
      tpu.vector_store %arg3[%swap3A_14, %swap3A_15], %reduce_sum3A_5 {strides = array<i32>} : memref<9x128xf32, #tpu.memory_space<vmem>>, vector<9x128xf32>,
    } else {
    }
    %gt3A = arith.constant 0 : i32
    %gt3A_8 = arith.cmpi sgt, %arg0, %gt3A : i32
    %convert_element_type3A_9 = arith.extui %gt3A_8 : i1 to i32
    %cond3A_10 = arith.constant 0 : i32
    %cond3A_11 = arith.cmpi ne, %convert_element_type3A_9, %cond3A_10 : i32
    scf.if %cond3A_11 {
      %get3A_12 = arith.constant 0 : index
      %get3A_13 = arith.constant 0 : index
      %get3A_14 = vector.load %arg2[%get3A_12, %get3A_13] : memref<9x128xf32, #tpu.memory_space<vmem>>, vector<9x128xf32>
      %add3A = arith.addf %get3A_14, %reduce_sum3A_3 : vector<9x128xf32>
      %swap3A = arith.constant 0 : index
      %swap3A_15 = arith.constant 0 : index
      %swap3A_16 = vector.load %arg2[%swap3A, %swap3A_15] : memref<9x128xf32, #tpu.memory_space<vmem>>, vector<9x128xf32>
      tpu.vector_store %arg2[%swap3A, %swap3A_15], %add3A {strides = array<i32>} : memref<9x128xf32, #tpu.memory_space<vmem>>, vector<9x128xf32>,
      %get3A_17 = arith.constant 0 : index
      %get3A_18 = arith.constant 0 : index
      %get3A_19 = vector.load %arg3[%get3A_17, %get3A_18] : memref<9x128xf32, #tpu.memory_space<vmem>>, vector<9x128xf32>
      %add3A_20 = arith.addf %get3A_19, %reduce_sum3A_5 : vector<9x128xf32>
      %swap3A_21 = arith.constant 0 : index
      %swap3A_22 = arith.constant 0 : index
      %swap3A_23 = vector.load %arg3[%swap3A_21, %swap3A_22] : memref<9x128xf32, #tpu.memory_space<vmem>>, vector<9x128xf32>
      tpu.vector_store %arg3[%swap3A_21, %swap3A_22], %add3A_20 {strides = array<i32>} : memref<9x128xf32, #tpu.memory_space<vmem>>, vector<9x128xf32>,
    } else {
    }
    return
  }
  func.func @transform_0(%arg0: i32) -> (i32, i32, i32) {
    %c0_i32 = arith.constant 0 : i32
    %c0_i32_0 = arith.constant 0 : i32
    %c0_i32_1 = arith.constant 0 : i32
    return %c0_i32, %arg0, %c0_i32_0 : i32, i32, i32
  }
  func.func @transform_1(%arg0: i32) -> (i32, i32) {
    %c0_i32 = arith.constant 0 : i32
    %c0_i32_0 = arith.constant 0 : i32
    %c0_i32_1 = arith.constant 0 : i32
    return %c0_i32, %c0_i32_0 : i32, i32
  }
  func.func @transform_2(%arg0: i32) -> (i32, i32) {
    %c0_i32 = arith.constant 0 : i32
    %c0_i32_0 = arith.constant 0 : i32
    %c0_i32_1 = arith.constant 0 : i32
    return %c0_i32, %c0_i32_0 : i32, i32
  }
}

module attributes {stable_mosaic.version = 14 : i64} {
  func.func @_loss_body(%arg0: i32, %arg1: memref<9x256x128xf32, #tpu.memory_space<vmem>>, %arg2: memref<9x1x4x128xf32, #tpu.memory_space<vmem>>, %arg3: memref<2x256x128xf32, #tpu.memory_space<vmem>>, %arg4: memref<9x128xf32, #tpu.memory_space<vmem>>, %arg5: memref<9x128xf32, #tpu.memory_space<vmem>>, %arg6: memref<1x128xf32, #tpu.memory_space<vmem>>, %arg7: memref<1x128xf32, #tpu.memory_space<vmem>>, %arg8: memref<1x1xf32, #tpu.memory_space<vmem>>) attributes {dimension_semantics = [#tpu.dimension_semantics<arbitrary>], iteration_bounds = array<i64: 32>, scalar_prefetch = 0 : i64, scratch_operands = 0 : i64, tpu.core_type = #tpu.core_type<tc>, window_params = [{transform_indices = @transform_0, window_bounds = array<i64: 9, 256, 128>}, {transform_indices = @transform_1, window_bounds = array<i64: 9, 1, 4, 128>}, {transform_indices = @transform_2, window_bounds = array<i64: 2, 256, 128>}, {pipeline_mode = #tpu.pipeline_mode<synchronous>, transform_indices = @transform_3, window_bounds = array<i64: 9, 128>}, {pipeline_mode = #tpu.pipeline_mode<synchronous>, transform_indices = @transform_4, window_bounds = array<i64: 9, 128>}, {pipeline_mode = #tpu.pipeline_mode<synchronous>, transform_indices = @transform_5, window_bounds = array<i64: 1, 128>}, {pipeline_mode = #tpu.pipeline_mode<synchronous>, transform_indices = @transform_6, window_bounds = array<i64: 1, 128>}, {pipeline_mode = #tpu.pipeline_mode<synchronous>, transform_indices = @transform_7, window_bounds = array<i64: 1, 1>}]} {
    %get3A = arith.constant 0 : index
    %get3A_0 = arith.constant 0 : index
    %get3A_1 = vector.load %arg4[%get3A, %get3A_0] : memref<9x128xf32, #tpu.memory_space<vmem>>, vector<9x64xf32>
    %get3A_2 = arith.constant 0 : index
    %get3A_3 = arith.constant 64 : index
    %get3A_4 = vector.load %arg4[%get3A_2, %get3A_3] : memref<9x128xf32, #tpu.memory_space<vmem>>, vector<9x64xf32>
    %add3A = arith.addf %get3A_1, %get3A_4 : vector<9x64xf32>
    %get3A_5 = arith.constant 0 : index
    %get3A_6 = arith.constant 0 : index
    %get3A_7 = vector.load %arg5[%get3A_5, %get3A_6] : memref<9x128xf32, #tpu.memory_space<vmem>>, vector<9x64xf32>
    %get3A_8 = arith.constant 0 : index
    %get3A_9 = arith.constant 64 : index
    %get3A_10 = vector.load %arg5[%get3A_8, %get3A_9] : memref<9x128xf32, #tpu.memory_space<vmem>>, vector<9x64xf32>
    %add3A_11 = arith.addf %get3A_7, %get3A_10 : vector<9x64xf32>
    %mul3A = arith.constant 6.10351563E-5 : f32
    %mul3A_12 = vector.broadcast %mul3A : f32 to vector<9x64xf32>
    %mul3A_13 = arith.mulf %add3A, %mul3A_12 : vector<9x64xf32>
    %mul3A_14 = arith.constant 6.10351563E-5 : f32
    %mul3A_15 = vector.broadcast %mul3A_14 : f32 to vector<9x64xf32>
    %mul3A_16 = arith.mulf %add3A_11, %mul3A_15 : vector<9x64xf32>
    %mul3A_17 = arith.mulf %mul3A_13, %mul3A_13 : vector<9x64xf32>
    %sub3A = arith.subf %mul3A_16, %mul3A_17 : vector<9x64xf32>
    %get3A_18 = arith.constant 0 : index
    %get3A_19 = arith.constant 0 : index
    %get3A_20 = vector.load %arg6[%get3A_18, %get3A_19] : memref<1x128xf32, #tpu.memory_space<vmem>>, vector<1x64xf32>
    %add3A_21 = arith.constant 9.99999974E-6 : f32
    %add3A_22 = vector.broadcast %add3A_21 : f32 to vector<9x64xf32>
    %add3A_23 = arith.addf %sub3A, %add3A_22 : vector<9x64xf32>
    %rsqrt3A = math.rsqrt %add3A_23 : vector<9x64xf32>
    %mul3A_24 = vector.broadcast %get3A_20 : vector<1x64xf32> to vector<9x64xf32>
    %mul3A_25 = arith.mulf %mul3A_24, %rsqrt3A : vector<9x64xf32>
    %get3A_26 = arith.constant 0 : index
    %get3A_27 = arith.constant 0 : index
    %get3A_28 = vector.load %arg7[%get3A_26, %get3A_27] : memref<1x128xf32, #tpu.memory_space<vmem>>, vector<1x64xf32>
    %mul3A_29 = arith.mulf %mul3A_13, %mul3A_25 : vector<9x64xf32>
    %sub3A_30 = vector.broadcast %get3A_28 : vector<1x64xf32> to vector<9x64xf32>
    %sub3A_31 = arith.subf %sub3A_30, %mul3A_29 : vector<9x64xf32>
    %concatenate3A = tpu.concatenate %mul3A_25, %mul3A_25 in 1 : vector<9x64xf32>, vector<9x64xf32> -> vector<9x128xf32>
    %concatenate3A_32 = tpu.concatenate %sub3A_31, %sub3A_31 in 1 : vector<9x64xf32>, vector<9x64xf32> -> vector<9x128xf32>
    %get3A_33 = arith.constant 0 : index
    %get3A_34 = arith.constant 0 : index
    %get3A_35 = arith.constant 0 : index
    %get3A_36 = vector.load %arg1[%get3A_33, %get3A_34, %get3A_35] : memref<9x256x128xf32, #tpu.memory_space<vmem>>, vector<9x256x128xf32>
    %broadcast_in_dim3A = vector.shape_cast %concatenate3A : vector<9x128xf32> to vector<9x1x128xf32>
    %mul3A_37 = vector.broadcast %broadcast_in_dim3A : vector<9x1x128xf32> to vector<9x256x128xf32>
    %mul3A_38 = arith.mulf %get3A_36, %mul3A_37 : vector<9x256x128xf32>
    %broadcast_in_dim3A_39 = vector.shape_cast %concatenate3A_32 : vector<9x128xf32> to vector<9x1x128xf32>
    %add3A_40 = vector.broadcast %broadcast_in_dim3A_39 : vector<9x1x128xf32> to vector<9x256x128xf32>
    %add3A_41 = arith.addf %mul3A_38, %add3A_40 : vector<9x256x128xf32>
    %get3A_42 = arith.constant 0 : index
    %get3A_43 = arith.constant 0 : index
    %get3A_44 = arith.constant 0 : index
    %get3A_45 = arith.constant 0 : index
    %get3A_46 = vector.load %arg2[%get3A_42, %get3A_43, %get3A_44, %get3A_45] : memref<9x1x4x128xf32, #tpu.memory_space<vmem>>, vector<9x1x4x128xf32>
    %abs3A = math.absf %get3A_46 : vector<9x1x4x128xf32>
    %squeeze3A = vector.shape_cast %abs3A : vector<9x1x4x128xf32> to vector<9x4x128xf32>
    %get3A_47 = arith.constant 0 : index
    %get3A_48 = arith.constant 0 : index
    %get3A_49 = arith.constant 0 : index
    %get3A_50 = vector.load %arg3[%get3A_47, %get3A_48, %get3A_49] : memref<2x256x128xf32, #tpu.memory_space<vmem>>, vector<2x256x128xf32>
    %iota3A = tpu.iota {dimensions = array<i32: 1>} : vector<256x128xi32>
    %lt3A = arith.constant 64 : i32
    %lt3A_51 = vector.broadcast %lt3A : i32 to vector<256x128xi32>
    %lt3A_52 = arith.cmpi slt, %iota3A, %lt3A_51 : vector<256x128xi32>
    %slice3A = vector.extract_strided_slice %add3A_41 {offsets = [0, 0, 0], sizes = [1, 256, 128], strides = [1, 1, 1]} : vector<9x256x128xf32> to vector<1x256x128xf32>
    %squeeze3A_53 = vector.shape_cast %slice3A : vector<1x256x128xf32> to vector<256x128xf32>
    %slice3A_54 = vector.extract_strided_slice %add3A_41 {offsets = [1, 0, 0], sizes = [1, 256, 128], strides = [1, 1, 1]} : vector<9x256x128xf32> to vector<1x256x128xf32>
    %squeeze3A_55 = vector.shape_cast %slice3A_54 : vector<1x256x128xf32> to vector<256x128xf32>
    %sub3A_56 = arith.subf %squeeze3A_53, %squeeze3A_55 : vector<256x128xf32>
    %mul3A_57 = arith.mulf %sub3A_56, %sub3A_56 : vector<256x128xf32>
    %jit3A = arith.constant 0.000000e+00 : f32
    %broadcast_in_dim3A_58 = vector.broadcast %jit3A : f32 to vector<256x128xf32>
    %select_n3A = arith.select %lt3A_52, %mul3A_57, %broadcast_in_dim3A_58 : vector<256x128xi1>, vector<256x128xf32>
    %reduce_sum3A = arith.constant dense<0.000000e+00> : vector<256xf32>
    %reduce_sum3A_59 = vector.multi_reduction <add>, %select_n3A, %reduce_sum3A [1] : vector<256x128xf32> to vector<256xf32>
    %jit3A_60 = arith.constant 0.000000e+00 : f32
    %broadcast_in_dim3A_61 = vector.broadcast %jit3A_60 : f32 to vector<256x128xf32>
    %select_n3A_62 = arith.select %lt3A_52, %broadcast_in_dim3A_61, %mul3A_57 : vector<256x128xi1>, vector<256x128xf32>
    %reduce_sum3A_63 = arith.constant dense<0.000000e+00> : vector<256xf32>
    %reduce_sum3A_64 = vector.multi_reduction <add>, %select_n3A_62, %reduce_sum3A_63 [1] : vector<256x128xf32> to vector<256xf32>
    %add3A_65 = arith.constant 9.99999996E-13 : f32
    %add3A_66 = vector.broadcast %add3A_65 : f32 to vector<256xf32>
    %add3A_67 = arith.addf %reduce_sum3A_59, %add3A_66 : vector<256xf32>
    %sqrt3A = math.sqrt %add3A_67 : vector<256xf32>
    %reshape3A = vector.shape_cast %sqrt3A : vector<256xf32> to vector<2x128xf32>
    %add3A_68 = arith.constant 9.99999996E-13 : f32
    %add3A_69 = vector.broadcast %add3A_68 : f32 to vector<256xf32>
    %add3A_70 = arith.addf %reduce_sum3A_64, %add3A_69 : vector<256xf32>
    %sqrt3A_71 = math.sqrt %add3A_70 : vector<256xf32>
    %reshape3A_72 = vector.shape_cast %sqrt3A_71 : vector<256xf32> to vector<2x128xf32>
    %slice3A_73 = vector.extract_strided_slice %squeeze3A {offsets = [0, 0, 0], sizes = [1, 2, 128], strides = [1, 1, 1]} : vector<9x4x128xf32> to vector<1x2x128xf32>
    %squeeze3A_74 = vector.shape_cast %slice3A_73 : vector<1x2x128xf32> to vector<2x128xf32>
    %add3A_75 = arith.addf %reshape3A, %squeeze3A_74 : vector<2x128xf32>
    %slice3A_76 = vector.extract_strided_slice %squeeze3A {offsets = [1, 0, 0], sizes = [1, 2, 128], strides = [1, 1, 1]} : vector<9x4x128xf32> to vector<1x2x128xf32>
    %squeeze3A_77 = vector.shape_cast %slice3A_76 : vector<1x2x128xf32> to vector<2x128xf32>
    %sub3A_78 = arith.subf %add3A_75, %squeeze3A_77 : vector<2x128xf32>
    %sub3A_79 = arith.constant 1.000000e-01 : f32
    %sub3A_80 = vector.broadcast %sub3A_79 : f32 to vector<2x128xf32>
    %sub3A_81 = arith.subf %sub3A_78, %sub3A_80 : vector<2x128xf32>
    %max3A = arith.constant 0.000000e+00 : f32
    %max3A_82 = vector.broadcast %max3A : f32 to vector<2x128xf32>
    %max3A_83 = arith.maximumf %sub3A_81, %max3A_82 : vector<2x128xf32>
    %reduce_sum3A_84 = vector.shape_cast %max3A_83 : vector<2x128xf32> to vector<1x2x128xf32>
    %reduce_sum3A_85 = arith.constant dense<0.000000e+00> : vector<1xf32>
    %reduce_sum3A_86 = vector.multi_reduction <add>, %reduce_sum3A_84, %reduce_sum3A_85 [1, 2] : vector<1x2x128xf32> to vector<1xf32>
    %reduce_sum3A_87 = vector.shape_cast %reduce_sum3A_86 : vector<1xf32> to vector<1x1x1xf32>
    %reduce_sum3A_88 = vector.extract %reduce_sum3A_87[0, 0, 0] : f32 from vector<1x1x1xf32>
    %add3A_89 = arith.constant 0.000000e+00 : f32
    %add3A_90 = arith.addf %add3A_89, %reduce_sum3A_88 : f32
    %slice3A_91 = vector.extract_strided_slice %squeeze3A {offsets = [0, 2, 0], sizes = [1, 2, 128], strides = [1, 1, 1]} : vector<9x4x128xf32> to vector<1x2x128xf32>
    %squeeze3A_92 = vector.shape_cast %slice3A_91 : vector<1x2x128xf32> to vector<2x128xf32>
    %add3A_93 = arith.addf %reshape3A_72, %squeeze3A_92 : vector<2x128xf32>
    %slice3A_94 = vector.extract_strided_slice %squeeze3A {offsets = [1, 2, 0], sizes = [1, 2, 128], strides = [1, 1, 1]} : vector<9x4x128xf32> to vector<1x2x128xf32>
    %squeeze3A_95 = vector.shape_cast %slice3A_94 : vector<1x2x128xf32> to vector<2x128xf32>
    %sub3A_96 = arith.subf %add3A_93, %squeeze3A_95 : vector<2x128xf32>
    %sub3A_97 = arith.constant 1.000000e-01 : f32
    %sub3A_98 = vector.broadcast %sub3A_97 : f32 to vector<2x128xf32>
    %sub3A_99 = arith.subf %sub3A_96, %sub3A_98 : vector<2x128xf32>
    %max3A_100 = arith.constant 0.000000e+00 : f32
    %max3A_101 = vector.broadcast %max3A_100 : f32 to vector<2x128xf32>
    %max3A_102 = arith.maximumf %sub3A_99, %max3A_101 : vector<2x128xf32>
    %reduce_sum3A_103 = vector.shape_cast %max3A_102 : vector<2x128xf32> to vector<1x2x128xf32>
    %reduce_sum3A_104 = arith.constant dense<0.000000e+00> : vector<1xf32>
    %reduce_sum3A_105 = vector.multi_reduction <add>, %reduce_sum3A_103, %reduce_sum3A_104 [1, 2] : vector<1x2x128xf32> to vector<1xf32>
    %reduce_sum3A_106 = vector.shape_cast %reduce_sum3A_105 : vector<1xf32> to vector<1x1x1xf32>
    %reduce_sum3A_107 = vector.extract %reduce_sum3A_106[0, 0, 0] : f32 from vector<1x1x1xf32>
    %add3A_108 = arith.addf %add3A_90, %reduce_sum3A_107 : f32
    %slice3A_109 = vector.extract_strided_slice %add3A_41 {offsets = [3, 0, 0], sizes = [1, 256, 128], strides = [1, 1, 1]} : vector<9x256x128xf32> to vector<1x256x128xf32>
    %squeeze3A_110 = vector.shape_cast %slice3A_109 : vector<1x256x128xf32> to vector<256x128xf32>
    %slice3A_111 = vector.extract_strided_slice %add3A_41 {offsets = [2, 0, 0], sizes = [1, 256, 128], strides = [1, 1, 1]} : vector<9x256x128xf32> to vector<1x256x128xf32>
    %squeeze3A_112 = vector.shape_cast %slice3A_111 : vector<1x256x128xf32> to vector<256x128xf32>
    %sub3A_113 = arith.subf %squeeze3A_110, %squeeze3A_112 : vector<256x128xf32>
    %mul3A_114 = arith.mulf %sub3A_113, %sub3A_113 : vector<256x128xf32>
    %jit3A_115 = arith.constant 0.000000e+00 : f32
    %broadcast_in_dim3A_116 = vector.broadcast %jit3A_115 : f32 to vector<256x128xf32>
    %select_n3A_117 = arith.select %lt3A_52, %mul3A_114, %broadcast_in_dim3A_116 : vector<256x128xi1>, vector<256x128xf32>
    %reduce_sum3A_118 = arith.constant dense<0.000000e+00> : vector<256xf32>
    %reduce_sum3A_119 = vector.multi_reduction <add>, %select_n3A_117, %reduce_sum3A_118 [1] : vector<256x128xf32> to vector<256xf32>
    %jit3A_120 = arith.constant 0.000000e+00 : f32
    %broadcast_in_dim3A_121 = vector.broadcast %jit3A_120 : f32 to vector<256x128xf32>
    %select_n3A_122 = arith.select %lt3A_52, %broadcast_in_dim3A_121, %mul3A_114 : vector<256x128xi1>, vector<256x128xf32>
    %reduce_sum3A_123 = arith.constant dense<0.000000e+00> : vector<256xf32>
    %reduce_sum3A_124 = vector.multi_reduction <add>, %select_n3A_122, %reduce_sum3A_123 [1] : vector<256x128xf32> to vector<256xf32>
    %add3A_125 = arith.constant 9.99999996E-13 : f32
    %add3A_126 = vector.broadcast %add3A_125 : f32 to vector<256xf32>
    %add3A_127 = arith.addf %reduce_sum3A_119, %add3A_126 : vector<256xf32>
    %sqrt3A_128 = math.sqrt %add3A_127 : vector<256xf32>
    %reshape3A_129 = vector.shape_cast %sqrt3A_128 : vector<256xf32> to vector<2x128xf32>
    %add3A_130 = arith.constant 9.99999996E-13 : f32
    %add3A_131 = vector.broadcast %add3A_130 : f32 to vector<256xf32>
    %add3A_132 = arith.addf %reduce_sum3A_124, %add3A_131 : vector<256xf32>
    %sqrt3A_133 = math.sqrt %add3A_132 : vector<256xf32>
    %reshape3A_134 = vector.shape_cast %sqrt3A_133 : vector<256xf32> to vector<2x128xf32>
    %slice3A_135 = vector.extract_strided_slice %squeeze3A {offsets = [2, 0, 0], sizes = [1, 2, 128], strides = [1, 1, 1]} : vector<9x4x128xf32> to vector<1x2x128xf32>
    %squeeze3A_136 = vector.shape_cast %slice3A_135 : vector<1x2x128xf32> to vector<2x128xf32>
    %slice3A_137 = vector.extract_strided_slice %squeeze3A {offsets = [3, 0, 0], sizes = [1, 2, 128], strides = [1, 1, 1]} : vector<9x4x128xf32> to vector<1x2x128xf32>
    %squeeze3A_138 = vector.shape_cast %slice3A_137 : vector<1x2x128xf32> to vector<2x128xf32>
    %add3A_139 = arith.addf %squeeze3A_136, %squeeze3A_138 : vector<2x128xf32>
    %sub3A_140 = arith.subf %reshape3A_129, %add3A_139 : vector<2x128xf32>
    %sub3A_141 = arith.constant 1.000000e-01 : f32
    %sub3A_142 = vector.broadcast %sub3A_141 : f32 to vector<2x128xf32>
    %sub3A_143 = arith.subf %sub3A_140, %sub3A_142 : vector<2x128xf32>
    %max3A_144 = arith.constant 0.000000e+00 : f32
    %max3A_145 = vector.broadcast %max3A_144 : f32 to vector<2x128xf32>
    %max3A_146 = arith.maximumf %sub3A_143, %max3A_145 : vector<2x128xf32>
    %reduce_sum3A_147 = vector.shape_cast %max3A_146 : vector<2x128xf32> to vector<1x2x128xf32>
    %reduce_sum3A_148 = arith.constant dense<0.000000e+00> : vector<1xf32>
    %reduce_sum3A_149 = vector.multi_reduction <add>, %reduce_sum3A_147, %reduce_sum3A_148 [1, 2] : vector<1x2x128xf32> to vector<1xf32>
    %reduce_sum3A_150 = vector.shape_cast %reduce_sum3A_149 : vector<1xf32> to vector<1x1x1xf32>
    %reduce_sum3A_151 = vector.extract %reduce_sum3A_150[0, 0, 0] : f32 from vector<1x1x1xf32>
    %add3A_152 = arith.addf %add3A_108, %reduce_sum3A_151 : f32
    %slice3A_153 = vector.extract_strided_slice %squeeze3A {offsets = [2, 2, 0], sizes = [1, 2, 128], strides = [1, 1, 1]} : vector<9x4x128xf32> to vector<1x2x128xf32>
    %squeeze3A_154 = vector.shape_cast %slice3A_153 : vector<1x2x128xf32> to vector<2x128xf32>
    %slice3A_155 = vector.extract_strided_slice %squeeze3A {offsets = [3, 2, 0], sizes = [1, 2, 128], strides = [1, 1, 1]} : vector<9x4x128xf32> to vector<1x2x128xf32>
    %squeeze3A_156 = vector.shape_cast %slice3A_155 : vector<1x2x128xf32> to vector<2x128xf32>
    %add3A_157 = arith.addf %squeeze3A_154, %squeeze3A_156 : vector<2x128xf32>
    %sub3A_158 = arith.subf %reshape3A_134, %add3A_157 : vector<2x128xf32>
    %sub3A_159 = arith.constant 1.000000e-01 : f32
    %sub3A_160 = vector.broadcast %sub3A_159 : f32 to vector<2x128xf32>
    %sub3A_161 = arith.subf %sub3A_158, %sub3A_160 : vector<2x128xf32>
    %max3A_162 = arith.constant 0.000000e+00 : f32
    %max3A_163 = vector.broadcast %max3A_162 : f32 to vector<2x128xf32>
    %max3A_164 = arith.maximumf %sub3A_161, %max3A_163 : vector<2x128xf32>
    %reduce_sum3A_165 = vector.shape_cast %max3A_164 : vector<2x128xf32> to vector<1x2x128xf32>
    %reduce_sum3A_166 = arith.constant dense<0.000000e+00> : vector<1xf32>
    %reduce_sum3A_167 = vector.multi_reduction <add>, %reduce_sum3A_165, %reduce_sum3A_166 [1, 2] : vector<1x2x128xf32> to vector<1xf32>
    %reduce_sum3A_168 = vector.shape_cast %reduce_sum3A_167 : vector<1xf32> to vector<1x1x1xf32>
    %reduce_sum3A_169 = vector.extract %reduce_sum3A_168[0, 0, 0] : f32 from vector<1x1x1xf32>
    %add3A_170 = arith.addf %add3A_152, %reduce_sum3A_169 : f32
    %slice3A_171 = vector.extract_strided_slice %add3A_41 {offsets = [4, 0, 0], sizes = [1, 256, 128], strides = [1, 1, 1]} : vector<9x256x128xf32> to vector<1x256x128xf32>
    %squeeze3A_172 = vector.shape_cast %slice3A_171 : vector<1x256x128xf32> to vector<256x128xf32>
    %slice3A_173 = vector.extract_strided_slice %add3A_41 {offsets = [2, 0, 0], sizes = [1, 256, 128], strides = [1, 1, 1]} : vector<9x256x128xf32> to vector<1x256x128xf32>
    %squeeze3A_174 = vector.shape_cast %slice3A_173 : vector<1x256x128xf32> to vector<256x128xf32>
    %sub3A_175 = arith.subf %squeeze3A_172, %squeeze3A_174 : vector<256x128xf32>
    %mul3A_176 = arith.mulf %sub3A_175, %sub3A_175 : vector<256x128xf32>
    %jit3A_177 = arith.constant 0.000000e+00 : f32
    %broadcast_in_dim3A_178 = vector.broadcast %jit3A_177 : f32 to vector<256x128xf32>
    %select_n3A_179 = arith.select %lt3A_52, %mul3A_176, %broadcast_in_dim3A_178 : vector<256x128xi1>, vector<256x128xf32>
    %reduce_sum3A_180 = arith.constant dense<0.000000e+00> : vector<256xf32>
    %reduce_sum3A_181 = vector.multi_reduction <add>, %select_n3A_179, %reduce_sum3A_180 [1] : vector<256x128xf32> to vector<256xf32>
    %jit3A_182 = arith.constant 0.000000e+00 : f32
    %broadcast_in_dim3A_183 = vector.broadcast %jit3A_182 : f32 to vector<256x128xf32>
    %select_n3A_184 = arith.select %lt3A_52, %broadcast_in_dim3A_183, %mul3A_176 : vector<256x128xi1>, vector<256x128xf32>
    %reduce_sum3A_185 = arith.constant dense<0.000000e+00> : vector<256xf32>
    %reduce_sum3A_186 = vector.multi_reduction <add>, %select_n3A_184, %reduce_sum3A_185 [1] : vector<256x128xf32> to vector<256xf32>
    %add3A_187 = arith.constant 9.99999996E-13 : f32
    %add3A_188 = vector.broadcast %add3A_187 : f32 to vector<256xf32>
    %add3A_189 = arith.addf %reduce_sum3A_181, %add3A_188 : vector<256xf32>
    %sqrt3A_190 = math.sqrt %add3A_189 : vector<256xf32>
    %reshape3A_191 = vector.shape_cast %sqrt3A_190 : vector<256xf32> to vector<2x128xf32>
    %add3A_192 = arith.constant 9.99999996E-13 : f32
    %add3A_193 = vector.broadcast %add3A_192 : f32 to vector<256xf32>
    %add3A_194 = arith.addf %reduce_sum3A_186, %add3A_193 : vector<256xf32>
    %sqrt3A_195 = math.sqrt %add3A_194 : vector<256xf32>
    %reshape3A_196 = vector.shape_cast %sqrt3A_195 : vector<256xf32> to vector<2x128xf32>
    %slice3A_197 = vector.extract_strided_slice %squeeze3A {offsets = [2, 0, 0], sizes = [1, 2, 128], strides = [1, 1, 1]} : vector<9x4x128xf32> to vector<1x2x128xf32>
    %squeeze3A_198 = vector.shape_cast %slice3A_197 : vector<1x2x128xf32> to vector<2x128xf32>
    %sub3A_199 = arith.subf %reshape3A_191, %squeeze3A_198 : vector<2x128xf32>
    %sub3A_200 = arith.constant 1.000000e-01 : f32
    %sub3A_201 = vector.broadcast %sub3A_200 : f32 to vector<2x128xf32>
    %sub3A_202 = arith.subf %sub3A_199, %sub3A_201 : vector<2x128xf32>
    %max3A_203 = arith.constant 0.000000e+00 : f32
    %max3A_204 = vector.broadcast %max3A_203 : f32 to vector<2x128xf32>
    %max3A_205 = arith.maximumf %sub3A_202, %max3A_204 : vector<2x128xf32>
    %reduce_sum3A_206 = vector.shape_cast %max3A_205 : vector<2x128xf32> to vector<1x2x128xf32>
    %reduce_sum3A_207 = arith.constant dense<0.000000e+00> : vector<1xf32>
    %reduce_sum3A_208 = vector.multi_reduction <add>, %reduce_sum3A_206, %reduce_sum3A_207 [1, 2] : vector<1x2x128xf32> to vector<1xf32>
    %reduce_sum3A_209 = vector.shape_cast %reduce_sum3A_208 : vector<1xf32> to vector<1x1x1xf32>
    %reduce_sum3A_210 = vector.extract %reduce_sum3A_209[0, 0, 0] : f32 from vector<1x1x1xf32>
    %add3A_211 = arith.addf %add3A_170, %reduce_sum3A_210 : f32
    %slice3A_212 = vector.extract_strided_slice %squeeze3A {offsets = [2, 2, 0], sizes = [1, 2, 128], strides = [1, 1, 1]} : vector<9x4x128xf32> to vector<1x2x128xf32>
    %squeeze3A_213 = vector.shape_cast %slice3A_212 : vector<1x2x128xf32> to vector<2x128xf32>
    %sub3A_214 = arith.subf %reshape3A_196, %squeeze3A_213 : vector<2x128xf32>
    %sub3A_215 = arith.constant 1.000000e-01 : f32
    %sub3A_216 = vector.broadcast %sub3A_215 : f32 to vector<2x128xf32>
    %sub3A_217 = arith.subf %sub3A_214, %sub3A_216 : vector<2x128xf32>
    %max3A_218 = arith.constant 0.000000e+00 : f32
    %max3A_219 = vector.broadcast %max3A_218 : f32 to vector<2x128xf32>
    %max3A_220 = arith.maximumf %sub3A_217, %max3A_219 : vector<2x128xf32>
    %reduce_sum3A_221 = vector.shape_cast %max3A_220 : vector<2x128xf32> to vector<1x2x128xf32>
    %reduce_sum3A_222 = arith.constant dense<0.000000e+00> : vector<1xf32>
    %reduce_sum3A_223 = vector.multi_reduction <add>, %reduce_sum3A_221, %reduce_sum3A_222 [1, 2] : vector<1x2x128xf32> to vector<1xf32>
    %reduce_sum3A_224 = vector.shape_cast %reduce_sum3A_223 : vector<1xf32> to vector<1x1x1xf32>
    %reduce_sum3A_225 = vector.extract %reduce_sum3A_224[0, 0, 0] : f32 from vector<1x1x1xf32>
    %add3A_226 = arith.addf %add3A_211, %reduce_sum3A_225 : f32
    %slice3A_227 = vector.extract_strided_slice %add3A_41 {offsets = [4, 0, 0], sizes = [1, 256, 128], strides = [1, 1, 1]} : vector<9x256x128xf32> to vector<1x256x128xf32>
    %squeeze3A_228 = vector.shape_cast %slice3A_227 : vector<1x256x128xf32> to vector<256x128xf32>
    %slice3A_229 = vector.extract_strided_slice %add3A_41 {offsets = [3, 0, 0], sizes = [1, 256, 128], strides = [1, 1, 1]} : vector<9x256x128xf32> to vector<1x256x128xf32>
    %squeeze3A_230 = vector.shape_cast %slice3A_229 : vector<1x256x128xf32> to vector<256x128xf32>
    %sub3A_231 = arith.subf %squeeze3A_228, %squeeze3A_230 : vector<256x128xf32>
    %mul3A_232 = arith.mulf %sub3A_231, %sub3A_231 : vector<256x128xf32>
    %jit3A_233 = arith.constant 0.000000e+00 : f32
    %broadcast_in_dim3A_234 = vector.broadcast %jit3A_233 : f32 to vector<256x128xf32>
    %select_n3A_235 = arith.select %lt3A_52, %mul3A_232, %broadcast_in_dim3A_234 : vector<256x128xi1>, vector<256x128xf32>
    %reduce_sum3A_236 = arith.constant dense<0.000000e+00> : vector<256xf32>
    %reduce_sum3A_237 = vector.multi_reduction <add>, %select_n3A_235, %reduce_sum3A_236 [1] : vector<256x128xf32> to vector<256xf32>
    %jit3A_238 = arith.constant 0.000000e+00 : f32
    %broadcast_in_dim3A_239 = vector.broadcast %jit3A_238 : f32 to vector<256x128xf32>
    %select_n3A_240 = arith.select %lt3A_52, %broadcast_in_dim3A_239, %mul3A_232 : vector<256x128xi1>, vector<256x128xf32>
    %reduce_sum3A_241 = arith.constant dense<0.000000e+00> : vector<256xf32>
    %reduce_sum3A_242 = vector.multi_reduction <add>, %select_n3A_240, %reduce_sum3A_241 [1] : vector<256x128xf32> to vector<256xf32>
    %add3A_243 = arith.constant 9.99999996E-13 : f32
    %add3A_244 = vector.broadcast %add3A_243 : f32 to vector<256xf32>
    %add3A_245 = arith.addf %reduce_sum3A_237, %add3A_244 : vector<256xf32>
    %sqrt3A_246 = math.sqrt %add3A_245 : vector<256xf32>
    %reshape3A_247 = vector.shape_cast %sqrt3A_246 : vector<256xf32> to vector<2x128xf32>
    %add3A_248 = arith.constant 9.99999996E-13 : f32
    %add3A_249 = vector.broadcast %add3A_248 : f32 to vector<256xf32>
    %add3A_250 = arith.addf %reduce_sum3A_242, %add3A_249 : vector<256xf32>
    %sqrt3A_251 = math.sqrt %add3A_250 : vector<256xf32>
    %reshape3A_252 = vector.shape_cast %sqrt3A_251 : vector<256xf32> to vector<2x128xf32>
    %slice3A_253 = vector.extract_strided_slice %squeeze3A {offsets = [3, 0, 0], sizes = [1, 2, 128], strides = [1, 1, 1]} : vector<9x4x128xf32> to vector<1x2x128xf32>
    %squeeze3A_254 = vector.shape_cast %slice3A_253 : vector<1x2x128xf32> to vector<2x128xf32>
    %sub3A_255 = arith.subf %reshape3A_247, %squeeze3A_254 : vector<2x128xf32>
    %sub3A_256 = arith.constant 1.000000e-01 : f32
    %sub3A_257 = vector.broadcast %sub3A_256 : f32 to vector<2x128xf32>
    %sub3A_258 = arith.subf %sub3A_255, %sub3A_257 : vector<2x128xf32>
    %max3A_259 = arith.constant 0.000000e+00 : f32
    %max3A_260 = vector.broadcast %max3A_259 : f32 to vector<2x128xf32>
    %max3A_261 = arith.maximumf %sub3A_258, %max3A_260 : vector<2x128xf32>
    %reduce_sum3A_262 = vector.shape_cast %max3A_261 : vector<2x128xf32> to vector<1x2x128xf32>
    %reduce_sum3A_263 = arith.constant dense<0.000000e+00> : vector<1xf32>
    %reduce_sum3A_264 = vector.multi_reduction <add>, %reduce_sum3A_262, %reduce_sum3A_263 [1, 2] : vector<1x2x128xf32> to vector<1xf32>
    %reduce_sum3A_265 = vector.shape_cast %reduce_sum3A_264 : vector<1xf32> to vector<1x1x1xf32>
    %reduce_sum3A_266 = vector.extract %reduce_sum3A_265[0, 0, 0] : f32 from vector<1x1x1xf32>
    %add3A_267 = arith.addf %add3A_226, %reduce_sum3A_266 : f32
    %slice3A_268 = vector.extract_strided_slice %squeeze3A {offsets = [3, 2, 0], sizes = [1, 2, 128], strides = [1, 1, 1]} : vector<9x4x128xf32> to vector<1x2x128xf32>
    %squeeze3A_269 = vector.shape_cast %slice3A_268 : vector<1x2x128xf32> to vector<2x128xf32>
    %sub3A_270 = arith.subf %reshape3A_252, %squeeze3A_269 : vector<2x128xf32>
    %sub3A_271 = arith.constant 1.000000e-01 : f32
    %sub3A_272 = vector.broadcast %sub3A_271 : f32 to vector<2x128xf32>
    %sub3A_273 = arith.subf %sub3A_270, %sub3A_272 : vector<2x128xf32>
    %max3A_274 = arith.constant 0.000000e+00 : f32
    %max3A_275 = vector.broadcast %max3A_274 : f32 to vector<2x128xf32>
    %max3A_276 = arith.maximumf %sub3A_273, %max3A_275 : vector<2x128xf32>
    %reduce_sum3A_277 = vector.shape_cast %max3A_276 : vector<2x128xf32> to vector<1x2x128xf32>
    %reduce_sum3A_278 = arith.constant dense<0.000000e+00> : vector<1xf32>
    %reduce_sum3A_279 = vector.multi_reduction <add>, %reduce_sum3A_277, %reduce_sum3A_278 [1, 2] : vector<1x2x128xf32> to vector<1xf32>
    %reduce_sum3A_280 = vector.shape_cast %reduce_sum3A_279 : vector<1xf32> to vector<1x1x1xf32>
    %reduce_sum3A_281 = vector.extract %reduce_sum3A_280[0, 0, 0] : f32 from vector<1x1x1xf32>
    %add3A_282 = arith.addf %add3A_267, %reduce_sum3A_281 : f32
    %slice3A_283 = vector.extract_strided_slice %add3A_41 {offsets = [5, 0, 0], sizes = [1, 256, 128], strides = [1, 1, 1]} : vector<9x256x128xf32> to vector<1x256x128xf32>
    %squeeze3A_284 = vector.shape_cast %slice3A_283 : vector<1x256x128xf32> to vector<256x128xf32>
    %slice3A_285 = vector.extract_strided_slice %get3A_50 {offsets = [0, 0, 0], sizes = [1, 256, 128], strides = [1, 1, 1]} : vector<2x256x128xf32> to vector<1x256x128xf32>
    %squeeze3A_286 = vector.shape_cast %slice3A_285 : vector<1x256x128xf32> to vector<256x128xf32>
    %add3A_287 = arith.addf %squeeze3A_284, %squeeze3A_286 : vector<256x128xf32>
    %slice3A_288 = vector.extract_strided_slice %add3A_41 {offsets = [6, 0, 0], sizes = [1, 256, 128], strides = [1, 1, 1]} : vector<9x256x128xf32> to vector<1x256x128xf32>
    %squeeze3A_289 = vector.shape_cast %slice3A_288 : vector<1x256x128xf32> to vector<256x128xf32>
    %sub3A_290 = arith.subf %add3A_287, %squeeze3A_289 : vector<256x128xf32>
    %mul3A_291 = arith.mulf %sub3A_290, %sub3A_290 : vector<256x128xf32>
    %jit3A_292 = arith.constant 0.000000e+00 : f32
    %broadcast_in_dim3A_293 = vector.broadcast %jit3A_292 : f32 to vector<256x128xf32>
    %select_n3A_294 = arith.select %lt3A_52, %mul3A_291, %broadcast_in_dim3A_293 : vector<256x128xi1>, vector<256x128xf32>
    %reduce_sum3A_295 = arith.constant dense<0.000000e+00> : vector<256xf32>
    %reduce_sum3A_296 = vector.multi_reduction <add>, %select_n3A_294, %reduce_sum3A_295 [1] : vector<256x128xf32> to vector<256xf32>
    %jit3A_297 = arith.constant 0.000000e+00 : f32
    %broadcast_in_dim3A_298 = vector.broadcast %jit3A_297 : f32 to vector<256x128xf32>
    %select_n3A_299 = arith.select %lt3A_52, %broadcast_in_dim3A_298, %mul3A_291 : vector<256x128xi1>, vector<256x128xf32>
    %reduce_sum3A_300 = arith.constant dense<0.000000e+00> : vector<256xf32>
    %reduce_sum3A_301 = vector.multi_reduction <add>, %select_n3A_299, %reduce_sum3A_300 [1] : vector<256x128xf32> to vector<256xf32>
    %add3A_302 = arith.constant 9.99999996E-13 : f32
    %add3A_303 = vector.broadcast %add3A_302 : f32 to vector<256xf32>
    %add3A_304 = arith.addf %reduce_sum3A_296, %add3A_303 : vector<256xf32>
    %sqrt3A_305 = math.sqrt %add3A_304 : vector<256xf32>
    %reshape3A_306 = vector.shape_cast %sqrt3A_305 : vector<256xf32> to vector<2x128xf32>
    %add3A_307 = arith.constant 9.99999996E-13 : f32
    %add3A_308 = vector.broadcast %add3A_307 : f32 to vector<256xf32>
    %add3A_309 = arith.addf %reduce_sum3A_301, %add3A_308 : vector<256xf32>
    %sqrt3A_310 = math.sqrt %add3A_309 : vector<256xf32>
    %reshape3A_311 = vector.shape_cast %sqrt3A_310 : vector<256xf32> to vector<2x128xf32>
    %slice3A_312 = vector.extract_strided_slice %squeeze3A {offsets = [5, 0, 0], sizes = [1, 2, 128], strides = [1, 1, 1]} : vector<9x4x128xf32> to vector<1x2x128xf32>
    %squeeze3A_313 = vector.shape_cast %slice3A_312 : vector<1x2x128xf32> to vector<2x128xf32>
    %add3A_314 = arith.addf %reshape3A_306, %squeeze3A_313 : vector<2x128xf32>
    %slice3A_315 = vector.extract_strided_slice %squeeze3A {offsets = [6, 0, 0], sizes = [1, 2, 128], strides = [1, 1, 1]} : vector<9x4x128xf32> to vector<1x2x128xf32>
    %squeeze3A_316 = vector.shape_cast %slice3A_315 : vector<1x2x128xf32> to vector<2x128xf32>
    %sub3A_317 = arith.subf %add3A_314, %squeeze3A_316 : vector<2x128xf32>
    %sub3A_318 = arith.constant 1.000000e-01 : f32
    %sub3A_319 = vector.broadcast %sub3A_318 : f32 to vector<2x128xf32>
    %sub3A_320 = arith.subf %sub3A_317, %sub3A_319 : vector<2x128xf32>
    %max3A_321 = arith.constant 0.000000e+00 : f32
    %max3A_322 = vector.broadcast %max3A_321 : f32 to vector<2x128xf32>
    %max3A_323 = arith.maximumf %sub3A_320, %max3A_322 : vector<2x128xf32>
    %reduce_sum3A_324 = vector.shape_cast %max3A_323 : vector<2x128xf32> to vector<1x2x128xf32>
    %reduce_sum3A_325 = arith.constant dense<0.000000e+00> : vector<1xf32>
    %reduce_sum3A_326 = vector.multi_reduction <add>, %reduce_sum3A_324, %reduce_sum3A_325 [1, 2] : vector<1x2x128xf32> to vector<1xf32>
    %reduce_sum3A_327 = vector.shape_cast %reduce_sum3A_326 : vector<1xf32> to vector<1x1x1xf32>
    %reduce_sum3A_328 = vector.extract %reduce_sum3A_327[0, 0, 0] : f32 from vector<1x1x1xf32>
    %add3A_329 = arith.addf %add3A_282, %reduce_sum3A_328 : f32
    %slice3A_330 = vector.extract_strided_slice %squeeze3A {offsets = [5, 2, 0], sizes = [1, 2, 128], strides = [1, 1, 1]} : vector<9x4x128xf32> to vector<1x2x128xf32>
    %squeeze3A_331 = vector.shape_cast %slice3A_330 : vector<1x2x128xf32> to vector<2x128xf32>
    %add3A_332 = arith.addf %reshape3A_311, %squeeze3A_331 : vector<2x128xf32>
    %slice3A_333 = vector.extract_strided_slice %squeeze3A {offsets = [6, 2, 0], sizes = [1, 2, 128], strides = [1, 1, 1]} : vector<9x4x128xf32> to vector<1x2x128xf32>
    %squeeze3A_334 = vector.shape_cast %slice3A_333 : vector<1x2x128xf32> to vector<2x128xf32>
    %sub3A_335 = arith.subf %add3A_332, %squeeze3A_334 : vector<2x128xf32>
    %sub3A_336 = arith.constant 1.000000e-01 : f32
    %sub3A_337 = vector.broadcast %sub3A_336 : f32 to vector<2x128xf32>
    %sub3A_338 = arith.subf %sub3A_335, %sub3A_337 : vector<2x128xf32>
    %max3A_339 = arith.constant 0.000000e+00 : f32
    %max3A_340 = vector.broadcast %max3A_339 : f32 to vector<2x128xf32>
    %max3A_341 = arith.maximumf %sub3A_338, %max3A_340 : vector<2x128xf32>
    %reduce_sum3A_342 = vector.shape_cast %max3A_341 : vector<2x128xf32> to vector<1x2x128xf32>
    %reduce_sum3A_343 = arith.constant dense<0.000000e+00> : vector<1xf32>
    %reduce_sum3A_344 = vector.multi_reduction <add>, %reduce_sum3A_342, %reduce_sum3A_343 [1, 2] : vector<1x2x128xf32> to vector<1xf32>
    %reduce_sum3A_345 = vector.shape_cast %reduce_sum3A_344 : vector<1xf32> to vector<1x1x1xf32>
    %reduce_sum3A_346 = vector.extract %reduce_sum3A_345[0, 0, 0] : f32 from vector<1x1x1xf32>
    %add3A_347 = arith.addf %add3A_329, %reduce_sum3A_346 : f32
    %slice3A_348 = vector.extract_strided_slice %squeeze3A {offsets = [5, 0, 0], sizes = [1, 2, 128], strides = [1, 1, 1]} : vector<9x4x128xf32> to vector<1x2x128xf32>
    %squeeze3A_349 = vector.shape_cast %slice3A_348 : vector<1x2x128xf32> to vector<2x128xf32>
    %slice3A_350 = vector.extract_strided_slice %squeeze3A {offsets = [6, 0, 0], sizes = [1, 2, 128], strides = [1, 1, 1]} : vector<9x4x128xf32> to vector<1x2x128xf32>
    %squeeze3A_351 = vector.shape_cast %slice3A_350 : vector<1x2x128xf32> to vector<2x128xf32>
    %add3A_352 = arith.addf %squeeze3A_349, %squeeze3A_351 : vector<2x128xf32>
    %sub3A_353 = arith.subf %add3A_352, %reshape3A_306 : vector<2x128xf32>
    %add3A_354 = arith.constant 1.000000e-01 : f32
    %add3A_355 = vector.broadcast %add3A_354 : f32 to vector<2x128xf32>
    %add3A_356 = arith.addf %sub3A_353, %add3A_355 : vector<2x128xf32>
    %max3A_357 = arith.constant 0.000000e+00 : f32
    %max3A_358 = vector.broadcast %max3A_357 : f32 to vector<2x128xf32>
    %max3A_359 = arith.maximumf %add3A_356, %max3A_358 : vector<2x128xf32>
    %reduce_sum3A_360 = vector.shape_cast %max3A_359 : vector<2x128xf32> to vector<1x2x128xf32>
    %reduce_sum3A_361 = arith.constant dense<0.000000e+00> : vector<1xf32>
    %reduce_sum3A_362 = vector.multi_reduction <add>, %reduce_sum3A_360, %reduce_sum3A_361 [1, 2] : vector<1x2x128xf32> to vector<1xf32>
    %reduce_sum3A_363 = vector.shape_cast %reduce_sum3A_362 : vector<1xf32> to vector<1x1x1xf32>
    %reduce_sum3A_364 = vector.extract %reduce_sum3A_363[0, 0, 0] : f32 from vector<1x1x1xf32>
    %add3A_365 = arith.addf %add3A_347, %reduce_sum3A_364 : f32
    %slice3A_366 = vector.extract_strided_slice %squeeze3A {offsets = [5, 2, 0], sizes = [1, 2, 128], strides = [1, 1, 1]} : vector<9x4x128xf32> to vector<1x2x128xf32>
    %squeeze3A_367 = vector.shape_cast %slice3A_366 : vector<1x2x128xf32> to vector<2x128xf32>
    %slice3A_368 = vector.extract_strided_slice %squeeze3A {offsets = [6, 2, 0], sizes = [1, 2, 128], strides = [1, 1, 1]} : vector<9x4x128xf32> to vector<1x2x128xf32>
    %squeeze3A_369 = vector.shape_cast %slice3A_368 : vector<1x2x128xf32> to vector<2x128xf32>
    %add3A_370 = arith.addf %squeeze3A_367, %squeeze3A_369 : vector<2x128xf32>
    %sub3A_371 = arith.subf %add3A_370, %reshape3A_311 : vector<2x128xf32>
    %add3A_372 = arith.constant 1.000000e-01 : f32
    %add3A_373 = vector.broadcast %add3A_372 : f32 to vector<2x128xf32>
    %add3A_374 = arith.addf %sub3A_371, %add3A_373 : vector<2x128xf32>
    %max3A_375 = arith.constant 0.000000e+00 : f32
    %max3A_376 = vector.broadcast %max3A_375 : f32 to vector<2x128xf32>
    %max3A_377 = arith.maximumf %add3A_374, %max3A_376 : vector<2x128xf32>
    %reduce_sum3A_378 = vector.shape_cast %max3A_377 : vector<2x128xf32> to vector<1x2x128xf32>
    %reduce_sum3A_379 = arith.constant dense<0.000000e+00> : vector<1xf32>
    %reduce_sum3A_380 = vector.multi_reduction <add>, %reduce_sum3A_378, %reduce_sum3A_379 [1, 2] : vector<1x2x128xf32> to vector<1xf32>
    %reduce_sum3A_381 = vector.shape_cast %reduce_sum3A_380 : vector<1xf32> to vector<1x1x1xf32>
    %reduce_sum3A_382 = vector.extract %reduce_sum3A_381[0, 0, 0] : f32 from vector<1x1x1xf32>
    %add3A_383 = arith.addf %add3A_365, %reduce_sum3A_382 : f32
    %slice3A_384 = vector.extract_strided_slice %add3A_41 {offsets = [7, 0, 0], sizes = [1, 256, 128], strides = [1, 1, 1]} : vector<9x256x128xf32> to vector<1x256x128xf32>
    %squeeze3A_385 = vector.shape_cast %slice3A_384 : vector<1x256x128xf32> to vector<256x128xf32>
    %slice3A_386 = vector.extract_strided_slice %get3A_50 {offsets = [1, 0, 0], sizes = [1, 256, 128], strides = [1, 1, 1]} : vector<2x256x128xf32> to vector<1x256x128xf32>
    %squeeze3A_387 = vector.shape_cast %slice3A_386 : vector<1x256x128xf32> to vector<256x128xf32>
    %sub3A_388 = arith.subf %squeeze3A_385, %squeeze3A_387 : vector<256x128xf32>
    %slice3A_389 = vector.extract_strided_slice %add3A_41 {offsets = [8, 0, 0], sizes = [1, 256, 128], strides = [1, 1, 1]} : vector<9x256x128xf32> to vector<1x256x128xf32>
    %squeeze3A_390 = vector.shape_cast %slice3A_389 : vector<1x256x128xf32> to vector<256x128xf32>
    %sub3A_391 = arith.subf %sub3A_388, %squeeze3A_390 : vector<256x128xf32>
    %mul3A_392 = arith.mulf %sub3A_391, %sub3A_391 : vector<256x128xf32>
    %jit3A_393 = arith.constant 0.000000e+00 : f32
    %broadcast_in_dim3A_394 = vector.broadcast %jit3A_393 : f32 to vector<256x128xf32>
    %select_n3A_395 = arith.select %lt3A_52, %mul3A_392, %broadcast_in_dim3A_394 : vector<256x128xi1>, vector<256x128xf32>
    %reduce_sum3A_396 = arith.constant dense<0.000000e+00> : vector<256xf32>
    %reduce_sum3A_397 = vector.multi_reduction <add>, %select_n3A_395, %reduce_sum3A_396 [1] : vector<256x128xf32> to vector<256xf32>
    %jit3A_398 = arith.constant 0.000000e+00 : f32
    %broadcast_in_dim3A_399 = vector.broadcast %jit3A_398 : f32 to vector<256x128xf32>
    %select_n3A_400 = arith.select %lt3A_52, %broadcast_in_dim3A_399, %mul3A_392 : vector<256x128xi1>, vector<256x128xf32>
    %reduce_sum3A_401 = arith.constant dense<0.000000e+00> : vector<256xf32>
    %reduce_sum3A_402 = vector.multi_reduction <add>, %select_n3A_400, %reduce_sum3A_401 [1] : vector<256x128xf32> to vector<256xf32>
    %add3A_403 = arith.constant 9.99999996E-13 : f32
    %add3A_404 = vector.broadcast %add3A_403 : f32 to vector<256xf32>
    %add3A_405 = arith.addf %reduce_sum3A_397, %add3A_404 : vector<256xf32>
    %sqrt3A_406 = math.sqrt %add3A_405 : vector<256xf32>
    %reshape3A_407 = vector.shape_cast %sqrt3A_406 : vector<256xf32> to vector<2x128xf32>
    %add3A_408 = arith.constant 9.99999996E-13 : f32
    %add3A_409 = vector.broadcast %add3A_408 : f32 to vector<256xf32>
    %add3A_410 = arith.addf %reduce_sum3A_402, %add3A_409 : vector<256xf32>
    %sqrt3A_411 = math.sqrt %add3A_410 : vector<256xf32>
    %reshape3A_412 = vector.shape_cast %sqrt3A_411 : vector<256xf32> to vector<2x128xf32>
    %slice3A_413 = vector.extract_strided_slice %squeeze3A {offsets = [7, 0, 0], sizes = [1, 2, 128], strides = [1, 1, 1]} : vector<9x4x128xf32> to vector<1x2x128xf32>
    %squeeze3A_414 = vector.shape_cast %slice3A_413 : vector<1x2x128xf32> to vector<2x128xf32>
    %sub3A_415 = arith.subf %reshape3A_407, %squeeze3A_414 : vector<2x128xf32>
    %slice3A_416 = vector.extract_strided_slice %squeeze3A {offsets = [8, 0, 0], sizes = [1, 2, 128], strides = [1, 1, 1]} : vector<9x4x128xf32> to vector<1x2x128xf32>
    %squeeze3A_417 = vector.shape_cast %slice3A_416 : vector<1x2x128xf32> to vector<2x128xf32>
    %sub3A_418 = arith.subf %sub3A_415, %squeeze3A_417 : vector<2x128xf32>
    %sub3A_419 = arith.constant 1.000000e-01 : f32
    %sub3A_420 = vector.broadcast %sub3A_419 : f32 to vector<2x128xf32>
    %sub3A_421 = arith.subf %sub3A_418, %sub3A_420 : vector<2x128xf32>
    %max3A_422 = arith.constant 0.000000e+00 : f32
    %max3A_423 = vector.broadcast %max3A_422 : f32 to vector<2x128xf32>
    %max3A_424 = arith.maximumf %sub3A_421, %max3A_423 : vector<2x128xf32>
    %reduce_sum3A_425 = vector.shape_cast %max3A_424 : vector<2x128xf32> to vector<1x2x128xf32>
    %reduce_sum3A_426 = arith.constant dense<0.000000e+00> : vector<1xf32>
    %reduce_sum3A_427 = vector.multi_reduction <add>, %reduce_sum3A_425, %reduce_sum3A_426 [1, 2] : vector<1x2x128xf32> to vector<1xf32>
    %reduce_sum3A_428 = vector.shape_cast %reduce_sum3A_427 : vector<1xf32> to vector<1x1x1xf32>
    %reduce_sum3A_429 = vector.extract %reduce_sum3A_428[0, 0, 0] : f32 from vector<1x1x1xf32>
    %add3A_430 = arith.addf %add3A_383, %reduce_sum3A_429 : f32
    %slice3A_431 = vector.extract_strided_slice %squeeze3A {offsets = [7, 2, 0], sizes = [1, 2, 128], strides = [1, 1, 1]} : vector<9x4x128xf32> to vector<1x2x128xf32>
    %squeeze3A_432 = vector.shape_cast %slice3A_431 : vector<1x2x128xf32> to vector<2x128xf32>
    %sub3A_433 = arith.subf %reshape3A_412, %squeeze3A_432 : vector<2x128xf32>
    %slice3A_434 = vector.extract_strided_slice %squeeze3A {offsets = [8, 2, 0], sizes = [1, 2, 128], strides = [1, 1, 1]} : vector<9x4x128xf32> to vector<1x2x128xf32>
    %squeeze3A_435 = vector.shape_cast %slice3A_434 : vector<1x2x128xf32> to vector<2x128xf32>
    %sub3A_436 = arith.subf %sub3A_433, %squeeze3A_435 : vector<2x128xf32>
    %sub3A_437 = arith.constant 1.000000e-01 : f32
    %sub3A_438 = vector.broadcast %sub3A_437 : f32 to vector<2x128xf32>
    %sub3A_439 = arith.subf %sub3A_436, %sub3A_438 : vector<2x128xf32>
    %max3A_440 = arith.constant 0.000000e+00 : f32
    %max3A_441 = vector.broadcast %max3A_440 : f32 to vector<2x128xf32>
    %max3A_442 = arith.maximumf %sub3A_439, %max3A_441 : vector<2x128xf32>
    %reduce_sum3A_443 = vector.shape_cast %max3A_442 : vector<2x128xf32> to vector<1x2x128xf32>
    %reduce_sum3A_444 = arith.constant dense<0.000000e+00> : vector<1xf32>
    %reduce_sum3A_445 = vector.multi_reduction <add>, %reduce_sum3A_443, %reduce_sum3A_444 [1, 2] : vector<1x2x128xf32> to vector<1xf32>
    %reduce_sum3A_446 = vector.shape_cast %reduce_sum3A_445 : vector<1xf32> to vector<1x1x1xf32>
    %reduce_sum3A_447 = vector.extract %reduce_sum3A_446[0, 0, 0] : f32 from vector<1x1x1xf32>
    %add3A_448 = arith.addf %add3A_430, %reduce_sum3A_447 : f32
    %reshape3A_449 = vector.broadcast %add3A_448 : f32 to vector<1x1xf32>
    %eq3A = arith.constant 0 : i32
    %eq3A_450 = arith.cmpi eq, %arg0, %eq3A : i32
    %convert_element_type3A = arith.extui %eq3A_450 : i1 to i32
    %cond3A = arith.constant 0 : i32
    %cond3A_451 = arith.cmpi ne, %convert_element_type3A, %cond3A : i32
    scf.if %cond3A_451 {
      %swap3A = arith.constant 0 : index
      %swap3A_462 = arith.constant 0 : index
      %swap3A_463 = vector.load %arg8[%swap3A, %swap3A_462] : memref<1x1xf32, #tpu.memory_space<vmem>>, vector<1x1xf32>
      tpu.vector_store %arg8[%swap3A, %swap3A_462], %reshape3A_449 {strides = array<i32>} : memref<1x1xf32, #tpu.memory_space<vmem>>, vector<1x1xf32>,
    } else {
    }
    %gt3A = arith.constant 0 : i32
    %gt3A_452 = arith.cmpi sgt, %arg0, %gt3A : i32
    %convert_element_type3A_453 = arith.extui %gt3A_452 : i1 to i32
    %cond3A_454 = arith.constant 0 : i32
    %cond3A_455 = arith.cmpi ne, %convert_element_type3A_453, %cond3A_454 : i32
    scf.if %cond3A_455 {
      %get3A_462 = arith.constant 0 : index
      %get3A_463 = arith.constant 0 : index
      %get3A_464 = vector.load %arg8[%get3A_462, %get3A_463] : memref<1x1xf32, #tpu.memory_space<vmem>>, vector<1x1xf32>
      %add3A_465 = arith.addf %get3A_464, %reshape3A_449 : vector<1x1xf32>
      %swap3A = arith.constant 0 : index
      %swap3A_466 = arith.constant 0 : index
      %swap3A_467 = vector.load %arg8[%swap3A, %swap3A_466] : memref<1x1xf32, #tpu.memory_space<vmem>>, vector<1x1xf32>
      tpu.vector_store %arg8[%swap3A, %swap3A_466], %add3A_465 {strides = array<i32>} : memref<1x1xf32, #tpu.memory_space<vmem>>, vector<1x1xf32>,
    } else {
    }
    %eq3A_456 = arith.constant 31 : i32
    %eq3A_457 = arith.cmpi eq, %arg0, %eq3A_456 : i32
    %convert_element_type3A_458 = arith.extui %eq3A_457 : i1 to i32
    %cond3A_459 = arith.constant 6.10351563E-5 : f32
    %cond3A_460 = arith.constant 0 : i32
    %cond3A_461 = arith.cmpi ne, %convert_element_type3A_458, %cond3A_460 : i32
    scf.if %cond3A_461 {
      %get3A_462 = arith.constant 0 : index
      %get3A_463 = arith.constant 0 : index
      %get3A_464 = vector.load %arg8[%get3A_462, %get3A_463] : memref<1x1xf32, #tpu.memory_space<vmem>>, vector<1x1xf32>
      %mul3A_465 = vector.broadcast %cond3A_459 : f32 to vector<1x1xf32>
      %mul3A_466 = arith.mulf %get3A_464, %mul3A_465 : vector<1x1xf32>
      %swap3A = arith.constant 0 : index
      %swap3A_467 = arith.constant 0 : index
      %swap3A_468 = vector.load %arg8[%swap3A, %swap3A_467] : memref<1x1xf32, #tpu.memory_space<vmem>>, vector<1x1xf32>
      tpu.vector_store %arg8[%swap3A, %swap3A_467], %mul3A_466 {strides = array<i32>} : memref<1x1xf32, #tpu.memory_space<vmem>>, vector<1x1xf32>,
    } else {
    }
    return
  }
  func.func @transform_0(%arg0: i32) -> (i32, i32, i32) {
    %c0_i32 = arith.constant 0 : i32
    %c0_i32_0 = arith.constant 0 : i32
    %c0_i32_1 = arith.constant 0 : i32
    return %c0_i32, %arg0, %c0_i32_0 : i32, i32, i32
  }
  func.func @transform_1(%arg0: i32) -> (i32, i32, i32, i32) {
    %c0_i32 = arith.constant 0 : i32
    %c0_i32_0 = arith.constant 0 : i32
    %c0_i32_1 = arith.constant 0 : i32
    %c0_i32_2 = arith.constant 0 : i32
    return %c0_i32, %arg0, %c0_i32_0, %c0_i32_1 : i32, i32, i32, i32
  }
  func.func @transform_2(%arg0: i32) -> (i32, i32, i32) {
    %c0_i32 = arith.constant 0 : i32
    %c0_i32_0 = arith.constant 0 : i32
    %c0_i32_1 = arith.constant 0 : i32
    return %c0_i32, %arg0, %c0_i32_0 : i32, i32, i32
  }
  func.func @transform_3(%arg0: i32) -> (i32, i32) {
    %c0_i32 = arith.constant 0 : i32
    %c0_i32_0 = arith.constant 0 : i32
    %c0_i32_1 = arith.constant 0 : i32
    return %c0_i32, %c0_i32_0 : i32, i32
  }
  func.func @transform_4(%arg0: i32) -> (i32, i32) {
    %c0_i32 = arith.constant 0 : i32
    %c0_i32_0 = arith.constant 0 : i32
    %c0_i32_1 = arith.constant 0 : i32
    return %c0_i32, %c0_i32_0 : i32, i32
  }
  func.func @transform_5(%arg0: i32) -> (i32, i32) {
    %c0_i32 = arith.constant 0 : i32
    %c0_i32_0 = arith.constant 0 : i32
    %c0_i32_1 = arith.constant 0 : i32
    return %c0_i32, %c0_i32_0 : i32, i32
  }
  func.func @transform_6(%arg0: i32) -> (i32, i32) {
    %c0_i32 = arith.constant 0 : i32
    %c0_i32_0 = arith.constant 0 : i32
    %c0_i32_1 = arith.constant 0 : i32
    return %c0_i32, %c0_i32_0 : i32, i32
  }
  func.func @transform_7(%arg0: i32) -> (i32, i32) {
    %c0_i32 = arith.constant 0 : i32
    %c0_i32_0 = arith.constant 0 : i32
    %c0_i32_1 = arith.constant 0 : i32
    return %c0_i32, %c0_i32_0 : i32, i32
  }
}

</mosaic_0001>

<sc_bundles>
// kernel: kernel.5.cloned.1.call-start
scs
__scs_entry_jumppad:
0x0: {  	(pc) =	sbr.rel $0x88, $3  }
0x1: {  	(tag) =	ssettag $0x0;
	lr =	simm.s32 $0x1  }
0x2: {  	[smem:$0x3F98] =	sst lr;
	_ =	strace $0xD0000000  }
0x3: {  	_ = 	snop  }
0x4: {  	_ = 	snop  }
0x5: {  	_ = 	snop  }
0x6: {  	_ = 	snop  }
0x7: {  	_ = 	snop  }
__scs_overlays_trampoline_lowered:
0x8: {  	[smem:$0x3FA7] =	sst s0  }
0x9: {  	[smem:$0x3FA8] =	sst s1  }
0xa: {  	[smem:$0x3FA9] =	sst s2  }
0xb: {  	[smem:$0x3FAA] =	sst s3  }
0xc: {  	[smem:$0x3FAB] =	sst s4  }
0xd: {  	[smem:$0x3FAC] =	sst s5  }
0xe: {  	[smem:$0x3FAD] =	sst s6  }
0xf: {  	[smem:$0x3FAE] =	sst s7  }
0x10: {  	[smem:$0x3FAF] =	sst s8  }
0x11: {  	[smem:$0x3FB0] =	sst s9;
	s0 =	simm.s32 @!p0 $0x0  }
0x12: {  	s1 =	sld [smem:$0x3F96];
	s0 =	simm.s32 @p0 $0x1  }
0x13: {  	[smem:$0x3FB1] =	sst s0;
	s0 =	simm.s32 @!p1 $0x0  }
0x14: {  	s2 =	sld [smem:$0x3F95];
	s0 =	simm.s32 @p1 $0x1  }
0x15: {  	[smem:$0x3FB2] =	sst s0;
	s0 =	simm.s32 @!p2 $0x0  }
0x16: {  	s3 =	sld [smem:$0x3FDB];
	s0 =	simm.s32 @p2 $0x1  }
0x17: {  	s4 =	simm.s32 $0x1BF5;
	[smem:$0x3FB4] =	sst s0  }
0x18: {  	s0 =	sld [smem:$0x3F97];
	_ =	swait.ge [sflag:s4], $0x0  }
0x19: {  	s7 =	sld [smem:$0x3F98]  }
0x1a: {  	s8 =	sadd.s32 $0xFFFFE003, lr  }
0x1b: {  	s9 =	sadd.s32 $0xFFFFFEF7, lr;
	s5 =	simm.s32 $0xFFFFFFFF;
	p2 =	slt.u32 s8, $0xFFFFF086  }
0x1c: {  	p1 =	slt.u32 s9, $0xF7A;
	s5 =	simm.s32 @!p2 $0x0  }
0x1d: {  	s5 =	simm.s32 @p1 $0x1;
	p0 =	seq.s32 s7, s2  }
0x1e: {  	s7 =	smul.u32 @!p0 $0xF7A, s2;
	p2 =	seq.s32 @!p0 s5, $0x0  }
0x1f: {  	s9 =	smul.u32 $0xF7A, s1;
	s8 =	simm.s32 @!p0 $0x1BF5;
	p2 =	por !p2, p0  }
0x20: {  	[sflag:s8] =	ssyncset.s32 @!p0 $0xFFFFF086;
	s6 =	sadd.s32 @!p0 s3, s7;
	s7 =	simm.s32 @!p0 $0x108  }
0x21: {  	s3 =	sadd.s32 s3, s9;
	s6 =	sadd.s32 @!p0 $0x88, s6;
	s7 =	simm.s32 @p2 $0x1082  }
0x22: {  	[simem:s7], [sflag:s8] =	dma.local @!p0 [hbm:s6], $0xF7A  }
0x23: {  	s9 =	sor.u32 $0xD0000000, s2;
	s6 =	simm.s32 $0x108;
	_ =	swait.ge @!p0 [sflag:s8], $0x0  }
0x24: {  	s3 =	sadd.s32 $0x88, s3;
	s6 =	simm.s32 @!p1 $0x1082;
	[sflag:s4] =	ssyncset.s32 $0xFFFFF086  }
0x25: {  	[simem:s6], [sflag:s4] =	dma.local [hbm:s3], $0xF7A  }
0x26: {  	[smem:$0x3F98] =	sst s1;
	(tag) =	ssettag s2;
	_ =	strace s9  }
0x27: {  	s1 =	sld [smem:$0x3FA8]  }
0x28: {  	s2 =	sld [smem:$0x3FA9]  }
0x29: {  	s4 =	sld [smem:$0x3FAB]  }
0x2a: {  	p0 =	seq.s32 s5, $0x0;
	s5 =	sld [smem:$0x3FAC]  }
0x2b: {  	s6 =	sld [smem:$0x3FAD]  }
0x2c: {  	s7 =	sld [smem:$0x3FAE]  }
0x2d: {  	s3 =	simm.s32 $0x108;
	s8 =	sld [smem:$0x3FAF]  }
0x2e: {  	s3 =	simm.s32 @!p0 $0x1082;
	s9 =	sld [smem:$0x3FB0]  }
0x2f: {  	lr =	sadd.s32 s0, s3;
	s0 =	sld [smem:$0x3FA7]  }
0x30: {  	s3 =	sld [smem:$0x3FAA]  }
0x31: {  	[smem:$0x3FB3] =	sst s10  }
0x32: {  	s10 =	sld [smem:$0x3FB1];
	_ =	sdelay $0x3  }
0x33: {  	p0 =	seq.s32 s10, $0x1;
	s10 =	sld [smem:$0x3FB3];
	_ =	sdelay $0x3  }
0x34: {  	[smem:$0x3FB3] =	sst s10  }
0x35: {  	s10 =	sld [smem:$0x3FB2];
	_ =	sdelay $0x3  }
0x36: {  	p1 =	seq.s32 s10, $0x1;
	s10 =	sld [smem:$0x3FB3];
	_ =	sdelay $0x3  }
0x37: {  	[smem:$0x3FB3] =	sst s10  }
0x38: {  	s10 =	sld [smem:$0x3FB4]  }
0x39: {  	_ = 	snop;
	(pc) =	sbr.ind lr, $3  }
0x3a: {  	_ = 	snop  }
0x3b: {  	_ = 	snop  }
0x3c: {  	p2 =	seq.s32 s10, $0x1;
	s10 =	sld [smem:$0x3FB3]  }
0x3d: {  	_ =	shalt  }
0x3e: {  	_ =	shalt  }
0x3f: {  	_ =	shalt  }
0x40: {  	_ =	shalt  }
0x41: {  	_ =	shalt  }
0x42: {  	_ =	shalt  }
0x43: {  	_ =	shalt  }
0x44: {  	_ =	shalt  }
0x45: {  	_ =	shalt  }
0x46: {  	_ =	shalt  }
0x47: {  	_ =	shalt  }
0x48: {  	_ =	shalt  }
0x49: {  	_ =	shalt  }
0x4a: {  	_ =	shalt  }
0x4b: {  	_ =	shalt  }
0x4c: {  	_ =	shalt  }
0x4d: {  	_ =	shalt  }
0x4e: {  	_ =	shalt  }
0x4f: {  	_ =	shalt  }
0x50: {  	_ =	shalt  }
0x51: {  	_ =	shalt  }
0x52: {  	_ =	shalt  }
0x53: {  	_ =	shalt  }
0x54: {  	_ =	shalt  }
0x55: {  	_ =	shalt  }
0x56: {  	_ =	shalt  }
0x57: {  	_ =	shalt  }
0x58: {  	_ =	shalt  }
0x59: {  	_ =	shalt  }
0x5a: {  	_ =	shalt  }
0x5b: {  	_ =	shalt  }
0x5c: {  	_ =	shalt  }
0x5d: {  	_ =	shalt  }
0x5e: {  	_ =	shalt  }
0x5f: {  	_ =	shalt  }
0x60: {  	_ =	shalt  }
0x61: {  	_ =	shalt  }
0x62: {  	_ =	shalt  }
0x63: {  	_ =	shalt  }
0x64: {  	_ =	shalt  }
0x65: {  	_ =	shalt  }
0x66: {  	_ =	shalt  }
0x67: {  	_ =	shalt  }
0x68: {  	_ =	shalt  }
0x69: {  	_ =	shalt  }
0x6a: {  	_ =	shalt  }
0x6b: {  	_ =	shalt  }
0x6c: {  	_ =	shalt  }
0x6d: {  	_ =	shalt  }
0x6e: {  	_ =	shalt  }
0x6f: {  	_ =	shalt  }
0x70: {  	_ =	shalt  }
0x71: {  	_ =	shalt  }
0x72: {  	_ =	shalt  }
0x73: {  	_ =	shalt  }
0x74: {  	_ =	shalt  }
0x75: {  	_ =	shalt  }
0x76: {  	_ =	shalt  }
0x77: {  	_ =	shalt  }
0x78: {  	_ =	shalt  }
0x79: {  	_ =	shalt  }
0x7a: {  	_ =	shalt  }
0x7b: {  	_ =	shalt  }
0x7c: {  	_ =	shalt  }
0x7d: {  	_ =	shalt  }
0x7e: {  	_ =	shalt  }
0x7f: {  	_ =	shalt  }
0x80: {  	_ =	shalt  }
0x81: {  	_ =	shalt  }
0x82: {  	_ =	shalt  }
0x83: {  	_ =	shalt  }
0x84: {  	_ =	shalt  }
0x85: {  	_ =	shalt  }
0x86: {  	_ =	shalt  }
0x87: {  	_ =	shalt  }
.Lfunc_end0:
.L_simem_size_0:
called_computation_lowered:
.L_overlay_start_0:
0x88: {  	s2 =	sld [smem:$0x3FD9]  }
0x89: {  	s3 =	sld [smem:$0x3FFE];
	_ =	sdelay $0x1  }
0x8a: {  	s1 =	srdreg.scid  }
0x8b: {  	s0 =	sand.u32 $0x1, s1  }
0x8c: {  	s16 =	sshll.u32 s0, $0xA;
	s2 =	sadd.s32 s3, s2  }
0x8d: {  	s2 =	sadd.s32 s2, s16  }
0x8e: {  	[smem:$0x3FBF] =	sst s2  }
0x8f: {  	_ = 	snop  }
0x90: {  	(tm) =	ssettm $0x1  }
0x91: {  	s17 =	sld [smem:$0x3FFB];
	_ =	sdelay $0x3  }
0x92: {  	_ =	strace s17  }
0x93: {  	s2 =	sld [smem:$0x3FFC];
	_ =	sdelay $0x3  }
0x94: {  	_ =	strace s2  }
0x95: {  	s2 =	sld [smem:$0x3FFD];
	_ =	sdelay $0x3  }
0x96: {  	_ =	strace s2  }
0x97: {  	_ =	strace $0x8FFFFFFF  }
0x98: {  	s18 =	sld [smem:$0x3FDB];
	_ =	sdelay $0x1  }
0x99: {  	s19 =	simm.s32 $_scs_section_size  }
0x9a: {  	s4 =	simm.s32 $_size__tile_overlayer_lowered;
	s5 =	simm.s32 $_tile_overlayer_lowered  }
0x9b: {  	s22 =	simm.s32 $0x1BFF;
	s21 =	sshll.u32 s5, $0x1;
	s2 =	sadd.s32 s19, s18  }
0x9c: {  	s6 =	simm.s32 $0x0;
	s20 =	sshll.u32 s4, $0x1;
	s4 =	sadd.s32 s21, s2  }
0x9d: {  	[timem:s6], [sflag:s22] =	dma.local [hbm:s4], s20  }
0x9e: {  	_ =	swait.ge [sflag:s22], s20  }
0x9f: {  	s3 =	ssub.s32 $0x0, s20;
	[sflag:s22] =	ssyncset.done $0x0  }
0xa0: {  	[sflag:s22] =	ssyncadd.s32 s3;
	_ =	sdelay $0x1  }
0xa1: {  	s23 =	simm.s32 $0x1B8B  }
0xa2: {  	_ =	swait.ge [sflag:s23], $0x1  }
0xa3: {  	[sflag:s23] =	ssyncset.done $0x0  }
0xa4: {  	s25 =	simm.s32 $0x1B8E;
	s24 =	sld [smem:$0x3FFE];
	[sflag:s23] =	ssyncadd.s32 $0xFFFFFFFF  }
0xa5: {  	s26 =	simm.s32 $execute0_lowered;
	[smem:$0x3FD2] =	sst s25  }
0xa6: {  	s4 =	sshll.u32 s26, $0x1;
	_ =	strace $0x80000046;
	[dreg:$0x1] =	wrdreg $0xFFFFFFFF  }
0xa7: {  	s28 =	simm.s32 $_size_execute0_lowered;
	s2 =	sadd.s32 s2, s4;
	[dreg:$0x0] =	wrdreg $0x0  }
0xa8: {  	s4 =	sshll.u32 s28, $0x1;
	[dreg:$0x2] =	wrdreg s2  }
0xa9: {  	[dreg:$0x3] =	wrdreg s4  }
0xaa: {  	[dreg:$0x4] =	wrdreg $0xC0  }
0xab: {  	_ =	task [dreg:s6], $0x5FFFF  }
0xac: {  	[dreg:$0x1] =	wrdreg $0xFFFFFFFF  }
0xad: {  	[dreg:$0x0] =	wrdreg $0x60  }
0xae: {  	[dreg:$0x2] =	wrdreg s24  }
0xaf: {  	[dreg:$0x3] =	wrdreg $0x9  }
0xb0: {  	_ =	task.clear_ibuf [dreg:s6], $0x4FFFF;
	_ =	strace $0x90000046  }
0xb1: {  	s29 =	simm.s32 $0x9;
	_ =	strace $0x80000048  }
0xb2: {  	_ =	swait.ge [sflag:s29], $0x1  }
0xb3: {  	[sflag:s29] =	ssyncadd.s32 $0xFFFFFFFF  }
0xb4: {  	_ =	strace $0x90000048  }
0xb5: {  	_ =	sfence  }
0xb6: {  	s30 =	sld [smem:$0x0];
	_ =	sdelay $0x2  }
0xb7: {  	s31 =	sshll.u32 s1, $0xD;
	s1 =	sshrl.u32 s1, $0x2  }
0xb8: {  	s3 =	sand.u32 $0x4000, s31;
	s1 =	sadd.s32 s1, s30  }
0xb9: {  	s0 =	sor.u32 s3, s0;
	s1 =	sshll.u32 s1, $0x11  }
0xba: {  	s0 =	sor.u32 s1, s0  }
0xbb: {  	s0 =	sadd.s32 $0x8F2B, s0  }
0xbc: {  	[sflag:s0] =	ssyncadd.remote.s32 $0x1  }
0xbd: {  	_ =	sfence.sel $0xFFFF  }
0xbe: {  	[dreg:$0x0] =	wrdreg $0xFFFFFFFF;
	(pc) =	sbr.abs _section_cstart, $3  }
0xbf: {  	[dreg:$0x1] =	wrdreg $0xFFFFFFFF  }
0xc0: {  	_ =	task.clear_ibuf [dreg:s6], $0x2FFFF;
	_ =	strace $0x9FFFFFFF  }
0xc1: {  	(tm) =	ssettm $0x7FFFFFFF  }
tec
execute0_lowered:
.L_overlay_start_1:
0x0: {  	(tag) =	ssettag $0x1  }
0x1: {  	s0 =	rddreg [dreg:$0x0]  }
0x2: {  	s2 =	simm.s32 $0x0;
	s1 =	srdreg.scid;
	s3 =	stileid.u32  }
0x3: {  	s29 =	simm.s32 $0x4;
	s31 =	simm.s32 $0x5;
	[smem:$0x7FF] =	sst s2  }
0x4: {  	s1 =	sand.u32 $0x1, s1;
	s3 =	sshll.u32 s3, $0x1;
	s4 =	sadd.s32 $0x4800, s0  }
0x5: {  	s5 =	sadd.s32 $0x6CA00, s0;
	s6 =	sadd.s32 $0x68200, s0;
	s11 =	sadd.s32 $0x28200, s0  }
0x6: {  	s28 =	sadd.s32 $0xF4BC00, s0;
	s30 =	sadd.s32 $0x5800, s0;
	s3 =	sor.u32 s1, s3  }
0x7: {  	_ =	strace $0x80000047;
	s1 =	ssub.s32 $0x2, s1;
	s7 =	sshll.u32 s3, $0x6  }
0x8: {  	s8 =	sshrl.u32 s1, $0x1;
	s3 =	sshll.u32 s3, $0xC;
	s12 =	sor.u32 $0x800, s7  }
0x9: {  	s1 =	ssub.s32 s1, s8;
	s20 =	sadd.s32 s0, s7;
	s13 =	sor.u32 $0x1000, s7  }
0xa: {  	s14 =	sor.u32 $0x1800, s7;
	s25 =	sadd.s32 s4, s7;
	[dreg:$0x2] =	wrdreg s20  }
0xb: {  	s15 =	sor.u32 $0x2000, s7;
	s21 =	sadd.s32 s0, s12;
	[dreg:$0x7] =	wrdreg s25  }
0xc: {  	s16 =	sor.u32 $0x2800, s7;
	s22 =	sadd.s32 s0, s13;
	[dreg:$0x3] =	wrdreg s21  }
0xd: {  	s17 =	sor.u32 $0x3000, s7;
	s23 =	sadd.s32 s0, s14;
	[dreg:$0x4] =	wrdreg s22  }
0xe: {  	s18 =	sor.u32 $0x3800, s7;
	s24 =	sadd.s32 s0, s15;
	[dreg:$0x5] =	wrdreg s23  }
0xf: {  	s19 =	sor.u32 $0x4000, s7;
	s26 =	sadd.s32 s4, s12;
	[dreg:$0x6] =	wrdreg s24  }
0x10: {  	s8 =	sadd.s32 s5, s3;
	s4 =	sadd.s32 s6, s7;
	[dreg:$0x8] =	wrdreg s26  }
0x11: {  	s10 =	sadd.s32 s11, s3;
	s7 =	sadd.s32 s6, s13;
	[dreg:$0x9] =	wrdreg s4  }
0x12: {  	s20 =	sor.u32 $0x20000, s3;
	s13 =	sadd.s32 s6, s15;
	[dreg:$0xb] =	wrdreg s7  }
0x13: {  	s15 =	sadd.s32 s6, s16;
	s25 =	sadd.s32 $0x9800, s0;
	[dreg:$0xd] =	wrdreg s13  }
0x14: {  	s3 =	sadd.s32 $0x80000, s8;
	s9 =	sadd.s32 s5, s20;
	[dreg:$0xf] =	wrdreg s15  }
0x15: {  	s11 =	sadd.s32 s11, s20;
	s5 =	sadd.s32 s6, s12;
	[dreg:$0x16] =	wrdreg s25  }
0x16: {  	s12 =	sadd.s32 s6, s14;
	s14 =	sadd.s32 s0, s16;
	[dreg:$0xa] =	wrdreg s5  }
0x17: {  	s16 =	sadd.s32 s0, s17;
	s20 =	sadd.s32 s6, s17;
	[dreg:$0xc] =	wrdreg s12  }
0x18: {  	s21 =	sadd.s32 s0, s18;
	s22 =	sadd.s32 s6, s18;
	[dreg:$0xe] =	wrdreg s14  }
0x19: {  	s23 =	sadd.s32 s6, s19;
	s24 =	sadd.s32 s0, s19;
	[dreg:$0x10] =	wrdreg s16  }
0x1a: {  	s26 =	smax.u32 s1, $0x1;
	s0 =	sadd.s32 $0x40000, s8;
	[dreg:$0x11] =	wrdreg s20  }
0x1b: {  	s1 =	sadd.s32 $0x60000, s8;
	s4 =	sadd.s32 $0xA0000, s8;
	[dreg:$0x12] =	wrdreg s21  }
0x1c: {  	s6 =	sadd.s32 $0xE0000, s8;
	s7 =	sadd.s32 $0x100000, s8;
	[dreg:$0x13] =	wrdreg s22  }
0x1d: {  	s25 =	simm.s32 $0x9600;
	s13 =	simm.s32 $0x11600;
	[dreg:$0x14] =	wrdreg s23  }
0x1e: {  	s15 =	simm.s32 $0x1600;
	s17 =	simm.s32 $0x6;
	[dreg:$0x15] =	wrdreg s24  }
0x1f: {  	s19 =	simm.s32 $0x0;
	[dreg:$0x17] =	wrdreg s26;
	s5 =	sadd.s32 $0xC0000, s8  }
0x20: {  	s12 =	simm.s32 $0x8;
	s22 =	simm.s32 $0x19600;
	s24 =	simm.s32 $0x100  }
0x21: {  	s26 =	simm.s32 $0x1;
	s14 =	simm.s32 $0x2;
	s16 =	simm.s32 $0x3  }
.LBB2_1:
0x22: {  	s18 =	rddreg [dreg:$0x2]  }
0x23: {  	[tilespmem:s2], [sflag:$0x8] =	stream.linear.gather [hbm4b:s18+s2], $0x200, $0x38;
	[tilespmem:$0x1A800] =	vst v63  }
0x24: {  	_ =	swait.ge [sflag:s12], $0x200  }
0x25: {  	[sflag:s12] =	ssyncset.done $0x0  }
0x26: {  	s20 =	simm.s32 $0x200;
	s23 =	rddreg [dreg:$0x3];
	[sflag:s12] =	ssyncadd.s32 $0xFFFFFE00  }
0x27: {  	[tilespmem:s20], [sflag:$0x8] =	stream.linear.gather [hbm4b:s23+s2], $0x200, $0x38;
	[tilespmem:$0x1A800] =	vst v63  }
0x28: {  	_ =	swait.ge [sflag:s12], $0x200  }
0x29: {  	[sflag:s12] =	ssyncset.done $0x0  }
0x2a: {  	s23 =	simm.s32 $0x400;
	s21 =	rddreg [dreg:$0x4];
	[sflag:s12] =	ssyncadd.s32 $0xFFFFFE00  }
0x2b: {  	[tilespmem:s23], [sflag:$0x8] =	stream.linear.gather [hbm4b:s21+s2], $0x200, $0x38;
	[tilespmem:$0x1A800] =	vst v63  }
0x2c: {  	_ =	swait.ge [sflag:s12], $0x200  }
0x2d: {  	[sflag:s12] =	ssyncset.done $0x0  }
0x2e: {  	s23 =	simm.s32 $0x600;
	s21 =	rddreg [dreg:$0x5];
	[sflag:s12] =	ssyncadd.s32 $0xFFFFFE00  }
0x2f: {  	[tilespmem:s23], [sflag:$0x8] =	stream.linear.gather [hbm4b:s21+s2], $0x200, $0x38;
	[tilespmem:$0x1A800] =	vst v63  }
0x30: {  	_ =	swait.ge [sflag:s12], $0x200  }
0x31: {  	[sflag:s12] =	ssyncset.done $0x0  }
0x32: {  	s23 =	simm.s32 $0x800;
	s21 =	rddreg [dreg:$0x6];
	[sflag:s12] =	ssyncadd.s32 $0xFFFFFE00  }
0x33: {  	[tilespmem:s23], [sflag:$0x8] =	stream.linear.gather [hbm4b:s21+s2], $0x200, $0x38;
	[tilespmem:$0x1A800] =	vst v63  }
0x34: {  	_ =	swait.ge [sflag:s12], $0x200  }
0x35: {  	[sflag:s12] =	ssyncset.done $0x0  }
0x36: {  	s23 =	simm.s32 $0xA00;
	s21 =	rddreg [dreg:$0xe];
	[sflag:s12] =	ssyncadd.s32 $0xFFFFFE00  }
0x37: {  	[tilespmem:s23], [sflag:$0x8] =	stream.linear.gather [hbm4b:s21+s2], $0x200, $0x38;
	[tilespmem:$0x1A800] =	vst v63  }
0x38: {  	_ =	swait.ge [sflag:s12], $0x200  }
0x39: {  	[sflag:s12] =	ssyncset.done $0x0  }
0x3a: {  	s23 =	simm.s32 $0xC00;
	s21 =	rddreg [dreg:$0x10];
	[sflag:s12] =	ssyncadd.s32 $0xFFFFFE00  }
0x3b: {  	[tilespmem:s23], [sflag:$0x8] =	stream.linear.gather [hbm4b:s21+s2], $0x200, $0x38;
	[tilespmem:$0x1A800] =	vst v63  }
0x3c: {  	_ =	swait.ge [sflag:s12], $0x200  }
0x3d: {  	[sflag:s12] =	ssyncset.done $0x0  }
0x3e: {  	s23 =	simm.s32 $0xE00;
	s21 =	rddreg [dreg:$0x12];
	[sflag:s12] =	ssyncadd.s32 $0xFFFFFE00  }
0x3f: {  	[tilespmem:s23], [sflag:$0x8] =	stream.linear.gather [hbm4b:s21+s2], $0x200, $0x38;
	[tilespmem:$0x1A800] =	vst v63  }
0x40: {  	_ =	swait.ge [sflag:s12], $0x200  }
0x41: {  	[sflag:s12] =	ssyncset.done $0x0  }
0x42: {  	s23 =	simm.s32 $0x1000;
	s21 =	rddreg [dreg:$0x15];
	[sflag:s12] =	ssyncadd.s32 $0xFFFFFE00  }
0x43: {  	[tilespmem:s23], [sflag:$0x8] =	stream.linear.gather [hbm4b:s21+s2], $0x200, $0x38;
	[tilespmem:$0x1A800] =	vst v63  }
0x44: {  	_ =	swait.ge [sflag:s12], $0x200  }
0x45: {  	[sflag:s12] =	ssyncset.done $0x0  }
0x46: {  	s20 =	simm.s32 $0x1200;
	s21 =	rddreg [dreg:$0x7];
	[sflag:s12] =	ssyncadd.s32 $0xFFFFFE00  }
0x47: {  	[tilespmem:s20], [sflag:$0x8] =	stream.linear.gather [hbm4b:s21+s2], $0x200, $0x38;
	[tilespmem:$0x1A800] =	vst v63  }
0x48: {  	_ =	swait.ge [sflag:s12], $0x200  }
0x49: {  	[sflag:s12] =	ssyncset.done $0x0  }
0x4a: {  	s21 =	simm.s32 $0x1400;
	s23 =	rddreg [dreg:$0x8];
	[sflag:s12] =	ssyncadd.s32 $0xFFFFFE00  }
0x4b: {  	[tilespmem:s21], [sflag:$0x8] =	stream.linear.gather [hbm4b:s23+s2], $0x200, $0x38;
	[tilespmem:$0x1A800] =	vst v63  }
0x4c: {  	_ =	swait.ge [sflag:s12], $0x200  }
0x4d: {  	[sflag:s12] =	ssyncset.done $0x0  }
0x4e: {  	s23 =	rddreg [dreg:$0x16];
	[sflag:s12] =	ssyncadd.s32 $0xFFFFFE00  }
0x4f: {  	[tilespmem:s22], [sflag:$0x7] =	stream.indirect.gather [hbm4b:s23+s20], $0x1, s2, s20, $0xb8;
	[tilespmem:$0x1A800] =	vst v63  }
0x50: {  	_ = 	snop  }
0x51: {  	[tilespmem:s15], [sflag:$0x1] =	stream.indirect.gather [hbm4b:s28+s24], $0x80, s2, s24, $0xb8;
	[tilespmem:$0x1A800] =	vst v63  }
0x52: {  	_ = 	snop  }
0x53: {  	[tilespmem:s25], [sflag:$0x2] =	stream.indirect.gather [hbm4b:s28+s24], $0x80, s24, s24, $0xb8;
	[tilespmem:$0x1A800] =	vst v63  }
0x54: {  	_ =	swait.ge [sflag:s26], $0x8000  }
0x55: {  	s21 =	simm.s32 $0x1600;
	s20 =	simm.s32 $0x10;
	[sflag:s26] =	ssyncset.done $0x0  }
0x56: {  	s23 =	sadd.s32 $0x0, s8;
	s22 =	simm.s32 $0x1680;
	[sflag:s26] =	ssyncadd.s32 $0xFFFF8000  }
.LBB2_2:
0x57: {  	[hbm4b:s23+s2] =	stream.linear.scatter [tilespmem:s21], [sflag:$0x4], $0x40, $0x38;
	[tilespmem:$0x1A800] =	vst v63  }
0x58: {  	s18 =	smov.u32 s20;
	s21 =	smov.u32 s22;
	p0 =	sne.s32 s20, $0xFF0  }
.Ltmp0:
0x59: {  	s20 =	sadd.s32 $0x10, s20;
	(pc) =	sbr.rel @p0 .LBB2_2-.Ltmp0, $2  }
0x5a: {  	_ =	sdelay $0x2  }
0x5b: {  	s22 =	sadd.s32 $0x80, s22;
	s23 =	sadd.s32 s18, s8  }
0x5c: {  	[hbm4b:s23+s2] =	stream.linear.scatter [tilespmem:s21], [sflag:$0x4], $0x40, $0x38;
	[tilespmem:$0x1A800] =	vst v63  }
0x5d: {  	s18 =	simm.s32 $0x200  }
0x5e: {  	[tilespmem:s13], [sflag:$0x3] =	stream.indirect.gather [hbm4b:s28+s24], $0x80, s18, s24, $0xb8;
	[tilespmem:$0x1A800] =	vst v63  }
0x5f: {  	s20 =	sadd.s32 $0x8, s8;
	_ =	swait.ge [sflag:s14], $0x8000  }
0x60: {  	s22 =	simm.s32 $0x9600;
	s23 =	simm.s32 $0x10;
	[sflag:s14] =	ssyncset.done $0x0  }
0x61: {  	s21 =	simm.s32 $0x9680;
	s18 =	sadd.s32 $0x0, s20;
	[sflag:s14] =	ssyncadd.s32 $0xFFFF8000  }
.LBB2_4:
0x62: {  	[hbm4b:s18+s2] =	stream.linear.scatter [tilespmem:s22], [sflag:$0x5], $0x40, $0x38;
	[tilespmem:$0x1A800] =	vst v63  }
0x63: {  	s18 =	smov.u32 s23;
	s22 =	smov.u32 s21;
	p0 =	sne.s32 s23, $0xFF0  }
.Ltmp1:
0x64: {  	s23 =	sadd.s32 $0x10, s23;
	(pc) =	sbr.rel @p0 .LBB2_4-.Ltmp1, $2  }
0x65: {  	_ =	sdelay $0x2  }
0x66: {  	s21 =	sadd.s32 $0x80, s21;
	s18 =	sadd.s32 s18, s20  }
0x67: {  	[hbm4b:s18+s2] =	stream.linear.scatter [tilespmem:s22], [sflag:$0x5], $0x40, $0x38;
	[tilespmem:$0x1A800] =	vst v63  }
0x68: {  	_ =	swait.ge [sflag:s29], $0x4000  }
0x69: {  	[sflag:s29] =	ssyncset.done $0x0  }
0x6a: {  	s23 =	simm.s32 $0x300;
	[sflag:s29] =	ssyncadd.s32 $0xFFFFC000  }
0x6b: {  	[tilespmem:s15], [sflag:$0x1] =	stream.indirect.gather [hbm4b:s28+s24], $0x80, s23, s24, $0xb8;
	[tilespmem:$0x1A800] =	vst v63  }
0x6c: {  	_ =	swait.ge [sflag:s16], $0x8000  }
0x6d: {  	s20 =	simm.s32 $0x11600;
	s22 =	simm.s32 $0x10;
	[sflag:s16] =	ssyncset.done $0x0  }
0x6e: {  	s18 =	sadd.s32 $0x0, s9;
	s21 =	simm.s32 $0x11680;
	[sflag:s16] =	ssyncadd.s32 $0xFFFF8000  }
.LBB2_6:
0x6f: {  	[hbm4b:s18+s2] =	stream.linear.scatter [tilespmem:s20], [sflag:$0x6], $0x40, $0x38;
	[tilespmem:$0x1A800] =	vst v63  }
0x70: {  	s18 =	smov.u32 s22;
	s20 =	smov.u32 s21;
	p0 =	sne.s32 s22, $0xFF0  }
.Ltmp2:
0x71: {  	s22 =	sadd.s32 $0x10, s22;
	(pc) =	sbr.rel @p0 .LBB2_6-.Ltmp2, $2  }
0x72: {  	_ =	sdelay $0x2  }
0x73: {  	s21 =	sadd.s32 $0x80, s21;
	s18 =	sadd.s32 s18, s9  }
0x74: {  	[hbm4b:s18+s2] =	stream.linear.scatter [tilespmem:s20], [sflag:$0x6], $0x40, $0x38;
	[tilespmem:$0x1A800] =	vst v63  }
0x75: {  	_ =	swait.ge [sflag:s31], $0x4000  }
0x76: {  	[sflag:s31] =	ssyncset.done $0x0  }
0x77: {  	s23 =	simm.s32 $0x400;
	[sflag:s31] =	ssyncadd.s32 $0xFFFFC000  }
0x78: {  	[tilespmem:s25], [sflag:$0x2] =	stream.indirect.gather [hbm4b:s28+s24], $0x80, s23, s24, $0xb8;
	[tilespmem:$0x1A800] =	vst v63  }
0x79: {  	s20 =	sadd.s32 $0x8, s9;
	_ =	swait.ge [sflag:s26], $0x8000  }
0x7a: {  	s22 =	simm.s32 $0x1600;
	s21 =	simm.s32 $0x1680;
	[sflag:s26] =	ssyncset.done $0x0  }
0x7b: {  	s18 =	sadd.s32 $0x0, s20;
	s23 =	simm.s32 $0x10;
	[sflag:s26] =	ssyncadd.s32 $0xFFFF8000  }
.LBB2_8:
0x7c: {  	[hbm4b:s18+s2] =	stream.linear.scatter [tilespmem:s22], [sflag:$0x4], $0x40, $0x38;
	[tilespmem:$0x1A800] =	vst v63  }
0x7d: {  	s18 =	smov.u32 s23;
	s22 =	smov.u32 s21;
	p0 =	sne.s32 s23, $0xFF0  }
.Ltmp3:
0x7e: {  	s23 =	sadd.s32 $0x10, s23;
	(pc) =	sbr.rel @p0 .LBB2_8-.Ltmp3, $2  }
0x7f: {  	_ =	sdelay $0x2  }
0x80: {  	s21 =	sadd.s32 $0x80, s21;
	s18 =	sadd.s32 s18, s20  }
0x81: {  	[hbm4b:s18+s2] =	stream.linear.scatter [tilespmem:s22], [sflag:$0x4], $0x40, $0x38;
	[tilespmem:$0x1A800] =	vst v63  }
0x82: {  	_ =	swait.ge [sflag:s17], $0x4000  }
0x83: {  	[sflag:s17] =	ssyncset.done $0x0  }
0x84: {  	s23 =	simm.s32 $0x500;
	[sflag:s17] =	ssyncadd.s32 $0xFFFFC000  }
0x85: {  	[tilespmem:s13], [sflag:$0x3] =	stream.indirect.gather [hbm4b:s28+s24], $0x80, s23, s24, $0xb8;
	[tilespmem:$0x1A800] =	vst v63  }
0x86: {  	_ =	swait.ge [sflag:s14], $0x8000  }
0x87: {  	s20 =	simm.s32 $0x9600;
	s22 =	simm.s32 $0x10;
	[sflag:s14] =	ssyncset.done $0x0  }
0x88: {  	s18 =	sadd.s32 $0x0, s0;
	s21 =	simm.s32 $0x9680;
	[sflag:s14] =	ssyncadd.s32 $0xFFFF8000  }
.LBB2_10:
0x89: {  	[hbm4b:s18+s2] =	stream.linear.scatter [tilespmem:s20], [sflag:$0x5], $0x40, $0x38;
	[tilespmem:$0x1A800] =	vst v63  }
0x8a: {  	s18 =	smov.u32 s22;
	s20 =	smov.u32 s21;
	p0 =	sne.s32 s22, $0xFF0  }
.Ltmp4:
0x8b: {  	s22 =	sadd.s32 $0x10, s22;
	(pc) =	sbr.rel @p0 .LBB2_10-.Ltmp4, $2  }
0x8c: {  	_ =	sdelay $0x2  }
0x8d: {  	s21 =	sadd.s32 $0x80, s21;
	s18 =	sadd.s32 s18, s0  }
0x8e: {  	[hbm4b:s18+s2] =	stream.linear.scatter [tilespmem:s20], [sflag:$0x5], $0x40, $0x38;
	[tilespmem:$0x1A800] =	vst v63  }
0x8f: {  	_ =	swait.ge [sflag:s29], $0x4000  }
0x90: {  	[sflag:s29] =	ssyncset.done $0x0  }
0x91: {  	s23 =	simm.s32 $0x600;
	[sflag:s29] =	ssyncadd.s32 $0xFFFFC000  }
0x92: {  	[tilespmem:s15], [sflag:$0x1] =	stream.indirect.gather [hbm4b:s28+s24], $0x80, s23, s24, $0xb8;
	[tilespmem:$0x1A800] =	vst v63  }
0x93: {  	s20 =	sadd.s32 $0x8, s0;
	_ =	swait.ge [sflag:s16], $0x8000  }
0x94: {  	s22 =	simm.s32 $0x11600;
	s21 =	simm.s32 $0x11680;
	[sflag:s16] =	ssyncset.done $0x0  }
0x95: {  	s18 =	sadd.s32 $0x0, s20;
	s23 =	simm.s32 $0x10;
	[sflag:s16] =	ssyncadd.s32 $0xFFFF8000  }
.LBB2_12:
0x96: {  	[hbm4b:s18+s2] =	stream.linear.scatter [tilespmem:s22], [sflag:$0x6], $0x40, $0x38;
	[tilespmem:$0x1A800] =	vst v63  }
0x97: {  	s18 =	smov.u32 s23;
	s22 =	smov.u32 s21;
	p0 =	sne.s32 s23, $0xFF0  }
.Ltmp5:
0x98: {  	s23 =	sadd.s32 $0x10, s23;
	(pc) =	sbr.rel @p0 .LBB2_12-.Ltmp5, $2  }
0x99: {  	_ =	sdelay $0x2  }
0x9a: {  	s21 =	sadd.s32 $0x80, s21;
	s18 =	sadd.s32 s18, s20  }
0x9b: {  	[hbm4b:s18+s2] =	stream.linear.scatter [tilespmem:s22], [sflag:$0x6], $0x40, $0x38;
	[tilespmem:$0x1A800] =	vst v63  }
0x9c: {  	_ =	swait.ge [sflag:s31], $0x4000  }
0x9d: {  	[sflag:s31] =	ssyncset.done $0x0  }
0x9e: {  	s23 =	simm.s32 $0x700;
	[sflag:s31] =	ssyncadd.s32 $0xFFFFC000  }
0x9f: {  	[tilespmem:s25], [sflag:$0x2] =	stream.indirect.gather [hbm4b:s28+s24], $0x80, s23, s24, $0xb8;
	[tilespmem:$0x1A800] =	vst v63  }
0xa0: {  	_ =	swait.ge [sflag:s26], $0x8000  }
0xa1: {  	s20 =	simm.s32 $0x1600;
	s22 =	simm.s32 $0x10;
	[sflag:s26] =	ssyncset.done $0x0  }
0xa2: {  	s18 =	sadd.s32 $0x0, s1;
	s21 =	simm.s32 $0x1680;
	[sflag:s26] =	ssyncadd.s32 $0xFFFF8000  }
.LBB2_14:
0xa3: {  	[hbm4b:s18+s2] =	stream.linear.scatter [tilespmem:s20], [sflag:$0x4], $0x40, $0x38;
	[tilespmem:$0x1A800] =	vst v63  }
0xa4: {  	s18 =	smov.u32 s22;
	s20 =	smov.u32 s21;
	p0 =	sne.s32 s22, $0xFF0  }
.Ltmp6:
0xa5: {  	s22 =	sadd.s32 $0x10, s22;
	(pc) =	sbr.rel @p0 .LBB2_14-.Ltmp6, $2  }
0xa6: {  	_ =	sdelay $0x2  }
0xa7: {  	s21 =	sadd.s32 $0x80, s21;
	s18 =	sadd.s32 s18, s1  }
0xa8: {  	[hbm4b:s18+s2] =	stream.linear.scatter [tilespmem:s20], [sflag:$0x4], $0x40, $0x38;
	[tilespmem:$0x1A800] =	vst v63  }
0xa9: {  	_ =	swait.ge [sflag:s17], $0x4000  }
0xaa: {  	[sflag:s17] =	ssyncset.done $0x0  }
0xab: {  	s23 =	simm.s32 $0x800;
	[sflag:s17] =	ssyncadd.s32 $0xFFFFC000  }
0xac: {  	[tilespmem:s13], [sflag:$0x3] =	stream.indirect.gather [hbm4b:s28+s24], $0x80, s23, s24, $0xb8;
	[tilespmem:$0x1A800] =	vst v63  }
0xad: {  	s20 =	sadd.s32 $0x8, s1;
	_ =	swait.ge [sflag:s14], $0x8000  }
0xae: {  	s22 =	simm.s32 $0x9600;
	s21 =	simm.s32 $0x9680;
	[sflag:s14] =	ssyncset.done $0x0  }
0xaf: {  	s18 =	sadd.s32 $0x0, s20;
	s23 =	simm.s32 $0x10;
	[sflag:s14] =	ssyncadd.s32 $0xFFFF8000  }
.LBB2_16:
0xb0: {  	[hbm4b:s18+s2] =	stream.linear.scatter [tilespmem:s22], [sflag:$0x5], $0x40, $0x38;
	[tilespmem:$0x1A800] =	vst v63  }
0xb1: {  	s18 =	smov.u32 s23;
	s22 =	smov.u32 s21;
	p0 =	sne.s32 s23, $0xFF0  }
.Ltmp7:
0xb2: {  	s23 =	sadd.s32 $0x10, s23;
	(pc) =	sbr.rel @p0 .LBB2_16-.Ltmp7, $2  }
0xb3: {  	_ =	sdelay $0x2  }
0xb4: {  	s21 =	sadd.s32 $0x80, s21;
	s18 =	sadd.s32 s18, s20  }
0xb5: {  	[hbm4b:s18+s2] =	stream.linear.scatter [tilespmem:s22], [sflag:$0x5], $0x40, $0x38;
	[tilespmem:$0x1A800] =	vst v63  }
0xb6: {  	_ =	swait.ge [sflag:s29], $0x4000  }
0xb7: {  	[sflag:s29] =	ssyncset.done $0x0  }
0xb8: {  	s23 =	simm.s32 $0x900;
	[sflag:s29] =	ssyncadd.s32 $0xFFFFC000  }
0xb9: {  	[tilespmem:s15], [sflag:$0x1] =	stream.indirect.gather [hbm4b:s28+s24], $0x80, s23, s24, $0xb8;
	[tilespmem:$0x1A800] =	vst v63  }
0xba: {  	_ =	swait.ge [sflag:s16], $0x8000  }
0xbb: {  	s20 =	simm.s32 $0x11600;
	s22 =	simm.s32 $0x10;
	[sflag:s16] =	ssyncset.done $0x0  }
0xbc: {  	s18 =	sadd.s32 $0x0, s3;
	s21 =	simm.s32 $0x11680;
	[sflag:s16] =	ssyncadd.s32 $0xFFFF8000  }
.LBB2_18:
0xbd: {  	[hbm4b:s18+s2] =	stream.linear.scatter [tilespmem:s20], [sflag:$0x6], $0x40, $0x38;
	[tilespmem:$0x1A800] =	vst v63  }
0xbe: {  	s18 =	smov.u32 s22;
	s20 =	smov.u32 s21;
	p0 =	sne.s32 s22, $0xFF0  }
.Ltmp8:
0xbf: {  	s22 =	sadd.s32 $0x10, s22;
	(pc) =	sbr.rel @p0 .LBB2_18-.Ltmp8, $2  }
0xc0: {  	_ =	sdelay $0x2  }
0xc1: {  	s21 =	sadd.s32 $0x80, s21;
	s18 =	sadd.s32 s18, s3  }
0xc2: {  	[hbm4b:s18+s2] =	stream.linear.scatter [tilespmem:s20], [sflag:$0x6], $0x40, $0x38;
	[tilespmem:$0x1A800] =	vst v63  }
0xc3: {  	_ =	swait.ge [sflag:s31], $0x4000  }
0xc4: {  	[sflag:s31] =	ssyncset.done $0x0  }
0xc5: {  	s23 =	simm.s32 $0xA00;
	[sflag:s31] =	ssyncadd.s32 $0xFFFFC000  }
0xc6: {  	[tilespmem:s25], [sflag:$0x2] =	stream.indirect.gather [hbm4b:s28+s24], $0x80, s23, s24, $0xb8;
	[tilespmem:$0x1A800] =	vst v63  }
0xc7: {  	s20 =	sadd.s32 $0x8, s3;
	_ =	swait.ge [sflag:s26], $0x8000  }
0xc8: {  	s22 =	simm.s32 $0x1600;
	s21 =	simm.s32 $0x1680;
	[sflag:s26] =	ssyncset.done $0x0  }
0xc9: {  	s18 =	sadd.s32 $0x0, s20;
	s23 =	simm.s32 $0x10;
	[sflag:s26] =	ssyncadd.s32 $0xFFFF8000  }
.LBB2_20:
0xca: {  	[hbm4b:s18+s2] =	stream.linear.scatter [tilespmem:s22], [sflag:$0x4], $0x40, $0x38;
	[tilespmem:$0x1A800] =	vst v63  }
0xcb: {  	s18 =	smov.u32 s23;
	s22 =	smov.u32 s21;
	p0 =	sne.s32 s23, $0xFF0  }
.Ltmp9:
0xcc: {  	s23 =	sadd.s32 $0x10, s23;
	(pc) =	sbr.rel @p0 .LBB2_20-.Ltmp9, $2  }
0xcd: {  	_ =	sdelay $0x2  }
0xce: {  	s21 =	sadd.s32 $0x80, s21;
	s18 =	sadd.s32 s18, s20  }
0xcf: {  	[hbm4b:s18+s2] =	stream.linear.scatter [tilespmem:s22], [sflag:$0x4], $0x40, $0x38;
	[tilespmem:$0x1A800] =	vst v63  }
0xd0: {  	_ =	swait.ge [sflag:s17], $0x4000  }
0xd1: {  	[sflag:s17] =	ssyncset.done $0x0  }
0xd2: {  	s23 =	simm.s32 $0xB00;
	[sflag:s17] =	ssyncadd.s32 $0xFFFFC000  }
0xd3: {  	[tilespmem:s13], [sflag:$0x3] =	stream.indirect.gather [hbm4b:s28+s24], $0x80, s23, s24, $0xb8;
	[tilespmem:$0x1A800] =	vst v63  }
0xd4: {  	_ =	swait.ge [sflag:s14], $0x8000  }
0xd5: {  	s20 =	simm.s32 $0x9600;
	s22 =	simm.s32 $0x10;
	[sflag:s14] =	ssyncset.done $0x0  }
0xd6: {  	s18 =	sadd.s32 $0x0, s4;
	s21 =	simm.s32 $0x9680;
	[sflag:s14] =	ssyncadd.s32 $0xFFFF8000  }
.LBB2_22:
0xd7: {  	[hbm4b:s18+s2] =	stream.linear.scatter [tilespmem:s20], [sflag:$0x5], $0x40, $0x38;
	[tilespmem:$0x1A800] =	vst v63  }
0xd8: {  	s18 =	smov.u32 s22;
	s20 =	smov.u32 s21;
	p0 =	sne.s32 s22, $0xFF0  }
.Ltmp10:
0xd9: {  	s22 =	sadd.s32 $0x10, s22;
	(pc) =	sbr.rel @p0 .LBB2_22-.Ltmp10, $2  }
0xda: {  	_ =	sdelay $0x2  }
0xdb: {  	s21 =	sadd.s32 $0x80, s21;
	s18 =	sadd.s32 s18, s4  }
0xdc: {  	[hbm4b:s18+s2] =	stream.linear.scatter [tilespmem:s20], [sflag:$0x5], $0x40, $0x38;
	[tilespmem:$0x1A800] =	vst v63  }
0xdd: {  	_ =	swait.ge [sflag:s29], $0x4000  }
0xde: {  	[sflag:s29] =	ssyncset.done $0x0  }
0xdf: {  	s23 =	simm.s32 $0xC00;
	[sflag:s29] =	ssyncadd.s32 $0xFFFFC000  }
0xe0: {  	[tilespmem:s15], [sflag:$0x1] =	stream.indirect.gather [hbm4b:s28+s24], $0x80, s23, s24, $0xb8;
	[tilespmem:$0x1A800] =	vst v63  }
0xe1: {  	s20 =	sadd.s32 $0x8, s4;
	_ =	swait.ge [sflag:s16], $0x8000  }
0xe2: {  	s22 =	simm.s32 $0x11600;
	s21 =	simm.s32 $0x11680;
	[sflag:s16] =	ssyncset.done $0x0  }
0xe3: {  	s18 =	sadd.s32 $0x0, s20;
	s23 =	simm.s32 $0x10;
	[sflag:s16] =	ssyncadd.s32 $0xFFFF8000  }
.LBB2_24:
0xe4: {  	[hbm4b:s18+s2] =	stream.linear.scatter [tilespmem:s22], [sflag:$0x6], $0x40, $0x38;
	[tilespmem:$0x1A800] =	vst v63  }
0xe5: {  	s18 =	smov.u32 s23;
	s22 =	smov.u32 s21;
	p0 =	sne.s32 s23, $0xFF0  }
.Ltmp11:
0xe6: {  	s23 =	sadd.s32 $0x10, s23;
	(pc) =	sbr.rel @p0 .LBB2_24-.Ltmp11, $2  }
0xe7: {  	_ =	sdelay $0x2  }
0xe8: {  	s21 =	sadd.s32 $0x80, s21;
	s18 =	sadd.s32 s18, s20  }
0xe9: {  	[hbm4b:s18+s2] =	stream.linear.scatter [tilespmem:s22], [sflag:$0x6], $0x40, $0x38;
	[tilespmem:$0x1A800] =	vst v63  }
0xea: {  	_ =	swait.ge [sflag:s31], $0x4000  }
0xeb: {  	[sflag:s31] =	ssyncset.done $0x0  }
0xec: {  	s23 =	simm.s32 $0xD00;
	[sflag:s31] =	ssyncadd.s32 $0xFFFFC000  }
0xed: {  	[tilespmem:s25], [sflag:$0x2] =	stream.indirect.gather [hbm4b:s28+s24], $0x80, s23, s24, $0xb8;
	[tilespmem:$0x1A800] =	vst v63  }
0xee: {  	_ =	swait.ge [sflag:s26], $0x8000  }
0xef: {  	s20 =	simm.s32 $0x1600;
	s22 =	simm.s32 $0x10;
	[sflag:s26] =	ssyncset.done $0x0  }
0xf0: {  	s18 =	sadd.s32 $0x0, s5;
	s21 =	simm.s32 $0x1680;
	[sflag:s26] =	ssyncadd.s32 $0xFFFF8000  }
.LBB2_26:
0xf1: {  	[hbm4b:s18+s2] =	stream.linear.scatter [tilespmem:s20], [sflag:$0x4], $0x40, $0x38;
	[tilespmem:$0x1A800] =	vst v63  }
0xf2: {  	s18 =	smov.u32 s22;
	s20 =	smov.u32 s21;
	p0 =	sne.s32 s22, $0xFF0  }
.Ltmp12:
0xf3: {  	s22 =	sadd.s32 $0x10, s22;
	(pc) =	sbr.rel @p0 .LBB2_26-.Ltmp12, $2  }
0xf4: {  	_ =	sdelay $0x2  }
0xf5: {  	s21 =	sadd.s32 $0x80, s21;
	s18 =	sadd.s32 s18, s5  }
0xf6: {  	[hbm4b:s18+s2] =	stream.linear.scatter [tilespmem:s20], [sflag:$0x4], $0x40, $0x38;
	[tilespmem:$0x1A800] =	vst v63  }
0xf7: {  	_ =	swait.ge [sflag:s17], $0x4000  }
0xf8: {  	[sflag:s17] =	ssyncset.done $0x0  }
0xf9: {  	s23 =	simm.s32 $0xE00;
	[sflag:s17] =	ssyncadd.s32 $0xFFFFC000  }
0xfa: {  	[tilespmem:s13], [sflag:$0x3] =	stream.indirect.gather [hbm4b:s28+s24], $0x80, s23, s24, $0xb8;
	[tilespmem:$0x1A800] =	vst v63  }
0xfb: {  	s20 =	sadd.s32 $0x8, s5;
	_ =	swait.ge [sflag:s14], $0x8000  }
0xfc: {  	s22 =	simm.s32 $0x9600;
	s21 =	simm.s32 $0x9680;
	[sflag:s14] =	ssyncset.done $0x0  }
0xfd: {  	s18 =	sadd.s32 $0x0, s20;
	s23 =	simm.s32 $0x10;
	[sflag:s14] =	ssyncadd.s32 $0xFFFF8000  }
.LBB2_28:
0xfe: {  	[hbm4b:s18+s2] =	stream.linear.scatter [tilespmem:s22], [sflag:$0x5], $0x40, $0x38;
	[tilespmem:$0x1A800] =	vst v63  }
0xff: {  	s18 =	smov.u32 s23;
	s22 =	smov.u32 s21;
	p0 =	sne.s32 s23, $0xFF0  }
.Ltmp13:
0x100: {  	s23 =	sadd.s32 $0x10, s23;
	(pc) =	sbr.rel @p0 .LBB2_28-.Ltmp13, $2  }
0x101: {  	_ =	sdelay $0x2  }
0x102: {  	s21 =	sadd.s32 $0x80, s21;
	s18 =	sadd.s32 s18, s20  }
0x103: {  	[hbm4b:s18+s2] =	stream.linear.scatter [tilespmem:s22], [sflag:$0x5], $0x40, $0x38;
	[tilespmem:$0x1A800] =	vst v63  }
0x104: {  	_ =	swait.ge [sflag:s29], $0x4000  }
0x105: {  	[sflag:s29] =	ssyncset.done $0x0  }
0x106: {  	s23 =	simm.s32 $0xF00;
	[sflag:s29] =	ssyncadd.s32 $0xFFFFC000  }
0x107: {  	[tilespmem:s15], [sflag:$0x1] =	stream.indirect.gather [hbm4b:s28+s24], $0x80, s23, s24, $0xb8;
	[tilespmem:$0x1A800] =	vst v63  }
0x108: {  	_ =	swait.ge [sflag:s16], $0x8000  }
0x109: {  	s20 =	simm.s32 $0x11600;
	s22 =	simm.s32 $0x10;
	[sflag:s16] =	ssyncset.done $0x0  }
0x10a: {  	s18 =	sadd.s32 $0x0, s6;
	s21 =	simm.s32 $0x11680;
	[sflag:s16] =	ssyncadd.s32 $0xFFFF8000  }
.LBB2_30:
0x10b: {  	[hbm4b:s18+s2] =	stream.linear.scatter [tilespmem:s20], [sflag:$0x6], $0x40, $0x38;
	[tilespmem:$0x1A800] =	vst v63  }
0x10c: {  	s18 =	smov.u32 s22;
	s20 =	smov.u32 s21;
	p0 =	sne.s32 s22, $0xFF0  }
.Ltmp14:
0x10d: {  	s22 =	sadd.s32 $0x10, s22;
	(pc) =	sbr.rel @p0 .LBB2_30-.Ltmp14, $2  }
0x10e: {  	_ =	sdelay $0x2  }
0x10f: {  	s21 =	sadd.s32 $0x80, s21;
	s18 =	sadd.s32 s18, s6  }
0x110: {  	[hbm4b:s18+s2] =	stream.linear.scatter [tilespmem:s20], [sflag:$0x6], $0x40, $0x38;
	[tilespmem:$0x1A800] =	vst v63  }
0x111: {  	_ =	swait.ge [sflag:s31], $0x4000  }
0x112: {  	[sflag:s31] =	ssyncset.done $0x0  }
0x113: {  	s23 =	simm.s32 $0x1000;
	[sflag:s31] =	ssyncadd.s32 $0xFFFFC000  }
0x114: {  	[tilespmem:s25], [sflag:$0x2] =	stream.indirect.gather [hbm4b:s28+s24], $0x80, s23, s24, $0xb8;
	[tilespmem:$0x1A800] =	vst v63  }
0x115: {  	s20 =	sadd.s32 $0x8, s6;
	_ =	swait.ge [sflag:s26], $0x8000  }
0x116: {  	s22 =	simm.s32 $0x1600;
	s21 =	simm.s32 $0x1680;
	[sflag:s26] =	ssyncset.done $0x0  }
0x117: {  	s18 =	sadd.s32 $0x0, s20;
	s23 =	simm.s32 $0x10;
	[sflag:s26] =	ssyncadd.s32 $0xFFFF8000  }
.LBB2_32:
0x118: {  	[hbm4b:s18+s2] =	stream.linear.scatter [tilespmem:s22], [sflag:$0x4], $0x40, $0x38;
	[tilespmem:$0x1A800] =	vst v63  }
0x119: {  	s18 =	smov.u32 s23;
	s22 =	smov.u32 s21;
	p0 =	sne.s32 s23, $0xFF0  }
.Ltmp15:
0x11a: {  	s23 =	sadd.s32 $0x10, s23;
	(pc) =	sbr.rel @p0 .LBB2_32-.Ltmp15, $2  }
0x11b: {  	_ =	sdelay $0x2  }
0x11c: {  	s21 =	sadd.s32 $0x80, s21;
	s18 =	sadd.s32 s18, s20  }
0x11d: {  	[hbm4b:s18+s2] =	stream.linear.scatter [tilespmem:s22], [sflag:$0x4], $0x40, $0x38;
	[tilespmem:$0x1A800] =	vst v63  }
0x11e: {  	_ =	swait.ge [sflag:s17], $0x4000  }
0x11f: {  	[sflag:s17] =	ssyncset.done $0x0  }
0x120: {  	s23 =	simm.s32 $0x1100;
	[sflag:s17] =	ssyncadd.s32 $0xFFFFC000  }
0x121: {  	[tilespmem:s13], [sflag:$0x3] =	stream.indirect.gather [hbm4b:s28+s24], $0x80, s23, s24, $0xb8;
	[tilespmem:$0x1A800] =	vst v63  }
0x122: {  	_ =	swait.ge [sflag:s14], $0x8000  }
0x123: {  	s20 =	simm.s32 $0x9600;
	s22 =	simm.s32 $0x10;
	[sflag:s14] =	ssyncset.done $0x0  }
0x124: {  	s18 =	sadd.s32 $0x0, s7;
	s21 =	simm.s32 $0x9680;
	[sflag:s14] =	ssyncadd.s32 $0xFFFF8000  }
.LBB2_34:
0x125: {  	[hbm4b:s18+s2] =	stream.linear.scatter [tilespmem:s20], [sflag:$0x5], $0x40, $0x38;
	[tilespmem:$0x1A800] =	vst v63  }
0x126: {  	s18 =	smov.u32 s22;
	s20 =	smov.u32 s21;
	p0 =	sne.s32 s22, $0xFF0  }
.Ltmp16:
0x127: {  	s22 =	sadd.s32 $0x10, s22;
	(pc) =	sbr.rel @p0 .LBB2_34-.Ltmp16, $2  }
0x128: {  	_ =	sdelay $0x2  }
0x129: {  	s21 =	sadd.s32 $0x80, s21;
	s18 =	sadd.s32 s18, s7  }
0x12a: {  	[hbm4b:s18+s2] =	stream.linear.scatter [tilespmem:s20], [sflag:$0x5], $0x40, $0x38;
	[tilespmem:$0x1A800] =	vst v63  }
0x12b: {  	_ =	swait.ge [sflag:s29], $0x4000  }
0x12c: {  	[sflag:s29] =	ssyncset.done $0x0  }
0x12d: {  	s23 =	simm.s32 $0x1200;
	[sflag:s29] =	ssyncadd.s32 $0xFFFFC000  }
0x12e: {  	[tilespmem:s15], [sflag:$0x1] =	stream.indirect.gather [hbm4b:s30+s24], $0x80, s23, s24, $0xb8;
	[tilespmem:$0x1A800] =	vst v63  }
0x12f: {  	s20 =	sadd.s32 $0x8, s7;
	_ =	swait.ge [sflag:s16], $0x8000  }
0x130: {  	s22 =	simm.s32 $0x11600;
	s21 =	simm.s32 $0x11680;
	[sflag:s16] =	ssyncset.done $0x0  }
0x131: {  	s18 =	sadd.s32 $0x0, s20;
	s23 =	simm.s32 $0x10;
	[sflag:s16] =	ssyncadd.s32 $0xFFFF8000  }
.LBB2_36:
0x132: {  	[hbm4b:s18+s2] =	stream.linear.scatter [tilespmem:s22], [sflag:$0x6], $0x40, $0x38;
	[tilespmem:$0x1A800] =	vst v63  }
0x133: {  	s18 =	smov.u32 s23;
	s22 =	smov.u32 s21;
	p0 =	sne.s32 s23, $0xFF0  }
.Ltmp17:
0x134: {  	s23 =	sadd.s32 $0x10, s23;
	(pc) =	sbr.rel @p0 .LBB2_36-.Ltmp17, $2  }
0x135: {  	_ =	sdelay $0x2  }
0x136: {  	s21 =	sadd.s32 $0x80, s21;
	s18 =	sadd.s32 s18, s20  }
0x137: {  	[hbm4b:s18+s2] =	stream.linear.scatter [tilespmem:s22], [sflag:$0x6], $0x40, $0x38;
	[tilespmem:$0x1A800] =	vst v63  }
0x138: {  	_ =	swait.ge [sflag:s31], $0x4000  }
0x139: {  	[sflag:s31] =	ssyncset.done $0x0  }
0x13a: {  	s23 =	simm.s32 $0x1300;
	[sflag:s31] =	ssyncadd.s32 $0xFFFFC000  }
0x13b: {  	[tilespmem:s25], [sflag:$0x2] =	stream.indirect.gather [hbm4b:s30+s24], $0x80, s23, s24, $0xb8;
	[tilespmem:$0x1A800] =	vst v63  }
0x13c: {  	_ =	swait.ge [sflag:s26], $0x8000  }
0x13d: {  	s20 =	simm.s32 $0x1600;
	s22 =	simm.s32 $0x10;
	[sflag:s26] =	ssyncset.done $0x0  }
0x13e: {  	s18 =	sadd.s32 $0x0, s10;
	s21 =	simm.s32 $0x1680;
	[sflag:s26] =	ssyncadd.s32 $0xFFFF8000  }
.LBB2_38:
0x13f: {  	[hbm4b:s18+s2] =	stream.linear.scatter [tilespmem:s20], [sflag:$0x4], $0x40, $0x38;
	[tilespmem:$0x1A800] =	vst v63  }
0x140: {  	s18 =	smov.u32 s22;
	s20 =	smov.u32 s21;
	p0 =	sne.s32 s22, $0xFF0  }
.Ltmp18:
0x141: {  	s22 =	sadd.s32 $0x10, s22;
	(pc) =	sbr.rel @p0 .LBB2_38-.Ltmp18, $2  }
0x142: {  	_ =	sdelay $0x2  }
0x143: {  	s21 =	sadd.s32 $0x80, s21;
	s18 =	sadd.s32 s18, s10  }
0x144: {  	[hbm4b:s18+s2] =	stream.linear.scatter [tilespmem:s20], [sflag:$0x4], $0x40, $0x38;
	[tilespmem:$0x1A800] =	vst v63  }
0x145: {  	_ =	swait.ge [sflag:s17], $0x4000  }
0x146: {  	[sflag:s17] =	ssyncset.done $0x0  }
0x147: {  	s23 =	simm.s32 $0x1400;
	[sflag:s17] =	ssyncadd.s32 $0xFFFFC000  }
0x148: {  	[tilespmem:s13], [sflag:$0x3] =	stream.indirect.gather [hbm4b:s30+s24], $0x80, s23, s24, $0xb8;
	[tilespmem:$0x1A800] =	vst v63  }
0x149: {  	s20 =	sadd.s32 $0x8, s10;
	_ =	swait.ge [sflag:s14], $0x8000  }
0x14a: {  	s22 =	simm.s32 $0x9600;
	s21 =	simm.s32 $0x9680;
	[sflag:s14] =	ssyncset.done $0x0  }
0x14b: {  	s18 =	sadd.s32 $0x0, s20;
	s23 =	simm.s32 $0x10;
	[sflag:s14] =	ssyncadd.s32 $0xFFFF8000  }
.LBB2_40:
0x14c: {  	[hbm4b:s18+s2] =	stream.linear.scatter [tilespmem:s22], [sflag:$0x5], $0x40, $0x38;
	[tilespmem:$0x1A800] =	vst v63  }
0x14d: {  	s18 =	smov.u32 s23;
	s22 =	smov.u32 s21;
	p0 =	sne.s32 s23, $0xFF0  }
.Ltmp19:
0x14e: {  	s23 =	sadd.s32 $0x10, s23;
	(pc) =	sbr.rel @p0 .LBB2_40-.Ltmp19, $2  }
0x14f: {  	_ =	sdelay $0x2  }
0x150: {  	s21 =	sadd.s32 $0x80, s21;
	s18 =	sadd.s32 s18, s20  }
0x151: {  	[hbm4b:s18+s2] =	stream.linear.scatter [tilespmem:s22], [sflag:$0x5], $0x40, $0x38;
	[tilespmem:$0x1A800] =	vst v63  }
0x152: {  	_ =	swait.ge [sflag:s29], $0x4000  }
0x153: {  	[sflag:s29] =	ssyncset.done $0x0  }
0x154: {  	s23 =	simm.s32 $0x1500;
	[sflag:s29] =	ssyncadd.s32 $0xFFFFC000  }
0x155: {  	[tilespmem:s15], [sflag:$0x1] =	stream.indirect.gather [hbm4b:s30+s24], $0x80, s23, s24, $0xb8;
	[tilespmem:$0x1A800] =	vst v63  }
0x156: {  	_ =	swait.ge [sflag:s16], $0x8000  }
0x157: {  	s20 =	simm.s32 $0x11600;
	s22 =	simm.s32 $0x10;
	[sflag:s16] =	ssyncset.done $0x0  }
0x158: {  	s18 =	sadd.s32 $0x0, s11;
	s21 =	simm.s32 $0x11680;
	[sflag:s16] =	ssyncadd.s32 $0xFFFF8000  }
.LBB2_42:
0x159: {  	[hbm4b:s18+s2] =	stream.linear.scatter [tilespmem:s20], [sflag:$0x6], $0x40, $0x38;
	[tilespmem:$0x1A800] =	vst v63  }
0x15a: {  	s18 =	smov.u32 s22;
	s20 =	smov.u32 s21;
	p0 =	sne.s32 s22, $0xFF0  }
.Ltmp20:
0x15b: {  	s22 =	sadd.s32 $0x10, s22;
	(pc) =	sbr.rel @p0 .LBB2_42-.Ltmp20, $2  }
0x15c: {  	_ =	sdelay $0x2  }
0x15d: {  	s21 =	sadd.s32 $0x80, s21;
	s18 =	sadd.s32 s18, s11  }
0x15e: {  	[hbm4b:s18+s2] =	stream.linear.scatter [tilespmem:s20], [sflag:$0x6], $0x40, $0x38;
	[tilespmem:$0x1A800] =	vst v63  }
0x15f: {  	s20 =	sadd.s32 $0x8, s11;
	_ =	swait.ge [sflag:s26], $0x8000  }
0x160: {  	s22 =	simm.s32 $0x1600;
	s23 =	simm.s32 $0x10;
	[sflag:s26] =	ssyncset.done $0x0  }
0x161: {  	s21 =	simm.s32 $0x1680;
	s18 =	sadd.s32 $0x0, s20;
	[sflag:s26] =	ssyncadd.s32 $0xFFFF8000  }
.LBB2_44:
0x162: {  	[hbm4b:s18+s2] =	stream.linear.scatter [tilespmem:s22], [sflag:$0x4], $0x40, $0x38;
	[tilespmem:$0x1A800] =	vst v63  }
0x163: {  	s18 =	smov.u32 s23;
	s22 =	smov.u32 s21;
	p0 =	sne.s32 s23, $0xFF0  }
.Ltmp21:
0x164: {  	s23 =	sadd.s32 $0x10, s23;
	(pc) =	sbr.rel @p0 .LBB2_44-.Ltmp21, $2  }
0x165: {  	_ =	sdelay $0x2  }
0x166: {  	s21 =	sadd.s32 $0x80, s21;
	s18 =	sadd.s32 s18, s20  }
0x167: {  	[hbm4b:s18+s2] =	stream.linear.scatter [tilespmem:s22], [sflag:$0x4], $0x40, $0x38;
	[tilespmem:$0x1A800] =	vst v63  }
0x168: {  	_ =	swait.ge [sflag:s17], $0x4000  }
0x169: {  	[sflag:s17] =	ssyncset.done $0x0  }
0x16a: {  	[sflag:s17] =	ssyncadd.s32 $0xFFFFC000  }
0x16b: {  	_ =	swait.ge [sflag:s29], $0x4000  }
0x16c: {  	[sflag:s29] =	ssyncset.done $0x0  }
0x16d: {  	s20 =	simm.s32 $0x7;
	[sflag:s29] =	ssyncadd.s32 $0xFFFFC000  }
0x16e: {  	_ =	swait.ge [sflag:s20], $0x1200  }
0x16f: {  	[sflag:s20] =	ssyncset.done $0x0  }
0x170: {  	s22 =	simm.s32 $0x19600;
	s21 =	rddreg [dreg:$0x9];
	[sflag:s20] =	ssyncadd.s32 $0xFFFFEE00  }
0x171: {  	[hbm4b:s21+s2] =	stream.linear.scatter [tilespmem:s22], [sflag:$0x8], $0x200, $0x38;
	[tilespmem:$0x1A800] =	vst v63  }
0x172: {  	_ =	swait.ge [sflag:s12], $0x200  }
0x173: {  	[sflag:s12] =	ssyncset.done $0x0  }
0x174: {  	s20 =	simm.s32 $0x19800;
	s23 =	rddreg [dreg:$0xa];
	[sflag:s12] =	ssyncadd.s32 $0xFFFFFE00  }
0x175: {  	[hbm4b:s23+s2] =	stream.linear.scatter [tilespmem:s20], [sflag:$0x8], $0x200, $0x38;
	[tilespmem:$0x1A800] =	vst v63  }
0x176: {  	_ =	swait.ge [sflag:s12], $0x200  }
0x177: {  	[sflag:s12] =	ssyncset.done $0x0  }
0x178: {  	s23 =	simm.s32 $0x19A00;
	s21 =	rddreg [dreg:$0xb];
	[sflag:s12] =	ssyncadd.s32 $0xFFFFFE00  }
0x179: {  	[hbm4b:s21+s2] =	stream.linear.scatter [tilespmem:s23], [sflag:$0x8], $0x200, $0x38;
	[tilespmem:$0x1A800] =	vst v63  }
0x17a: {  	_ =	swait.ge [sflag:s12], $0x200  }
0x17b: {  	[sflag:s12] =	ssyncset.done $0x0  }
0x17c: {  	s23 =	simm.s32 $0x19C00;
	s21 =	rddreg [dreg:$0xc];
	[sflag:s12] =	ssyncadd.s32 $0xFFFFFE00  }
0x17d: {  	[hbm4b:s21+s2] =	stream.linear.scatter [tilespmem:s23], [sflag:$0x8], $0x200, $0x38;
	[tilespmem:$0x1A800] =	vst v63  }
0x17e: {  	_ =	swait.ge [sflag:s12], $0x200  }
0x17f: {  	[sflag:s12] =	ssyncset.done $0x0  }
0x180: {  	s23 =	simm.s32 $0x19E00;
	s21 =	rddreg [dreg:$0xd];
	[sflag:s12] =	ssyncadd.s32 $0xFFFFFE00  }
0x181: {  	[hbm4b:s21+s2] =	stream.linear.scatter [tilespmem:s23], [sflag:$0x8], $0x200, $0x38;
	[tilespmem:$0x1A800] =	vst v63  }
0x182: {  	_ =	swait.ge [sflag:s12], $0x200  }
0x183: {  	[sflag:s12] =	ssyncset.done $0x0  }
0x184: {  	s23 =	simm.s32 $0x1A000;
	s21 =	rddreg [dreg:$0xf];
	[sflag:s12] =	ssyncadd.s32 $0xFFFFFE00  }
0x185: {  	[hbm4b:s21+s2] =	stream.linear.scatter [tilespmem:s23], [sflag:$0x8], $0x200, $0x38;
	[tilespmem:$0x1A800] =	vst v63  }
0x186: {  	_ =	swait.ge [sflag:s12], $0x200  }
0x187: {  	[sflag:s12] =	ssyncset.done $0x0  }
0x188: {  	s23 =	simm.s32 $0x1A200;
	s21 =	rddreg [dreg:$0x11];
	[sflag:s12] =	ssyncadd.s32 $0xFFFFFE00  }
0x189: {  	[hbm4b:s21+s2] =	stream.linear.scatter [tilespmem:s23], [sflag:$0x8], $0x200, $0x38;
	[tilespmem:$0x1A800] =	vst v63  }
0x18a: {  	_ =	swait.ge [sflag:s12], $0x200  }
0x18b: {  	[sflag:s12] =	ssyncset.done $0x0  }
0x18c: {  	s23 =	simm.s32 $0x1A400;
	s21 =	rddreg [dreg:$0x13];
	[sflag:s12] =	ssyncadd.s32 $0xFFFFFE00  }
0x18d: {  	[hbm4b:s21+s2] =	stream.linear.scatter [tilespmem:s23], [sflag:$0x8], $0x200, $0x38;
	[tilespmem:$0x1A800] =	vst v63  }
0x18e: {  	_ =	swait.ge [sflag:s12], $0x200  }
0x18f: {  	[sflag:s12] =	ssyncset.done $0x0  }
0x190: {  	s21 =	simm.s32 $0x1A600;
	s20 =	rddreg [dreg:$0x14];
	[sflag:s12] =	ssyncadd.s32 $0xFFFFFE00  }
0x191: {  	[hbm4b:s20+s2] =	stream.linear.scatter [tilespmem:s21], [sflag:$0x8], $0x200, $0x38;
	[tilespmem:$0x1A800] =	vst v63  }
0x192: {  	_ =	swait.ge [sflag:s12], $0x200  }
0x193: {  	s19 =	sadd.s32 $0x1, s19;
	s23 =	rddreg [dreg:$0x17]  }
0x194: {  	p0 =	sne.s32 s19, s23  }
.Ltmp22:
0x195: {  	_ = 	snop;
	(pc) =	sbr.rel @p0 .LBB2_1-.Ltmp22, $3  }
0x196: {  	_ =	sdelay $0x1  }
0x197: {  	[sflag:s12] =	ssyncset.done $0x0  }
0x198: {  	[sflag:s12] =	ssyncadd.s32 $0xFFFFFE00  }
0x199: {  	_ =	sfence.sel $0x180000  }
0x19a: {  	[bflag:$0x0] =	sbarrier.arrive $0xFFFF  }
0x19b: {  	_ =	strace $0x90000047  }
0x19c: {  	s0 =	stileid.u32;
	[bflag:$0x2] =	sbarrier.arrive $0xFFFF  }
0x19d: {  	p0 =	sne.s32 s0, $0x0;
	s0 =	rddreg [dreg:$0x1]  }
0x19e: {  	s0 =	sadd.s32 @!p0 $0x100000, s0  }
0x19f: {  	[sflag:s0] =	ssyncadd.tile.s32 @!p0 $0x1;
	_ =	shalt  }
.Lfunc_end2:
_tile_overlayer_lowered:
.L_overlay_start_2:
0x1a0: {  	(tag) =	ssettag $0x2  }
0x1a1: {  	s0 =	rddreg [dreg:$0x0];
	s2 =	stileid.u32  }
0x1a2: {  	s1 =	rddreg [dreg:$0x1];
	p0 =	sne.s32 s2, $0x0  }
0x1a3: {  	s3 =	rddreg [dreg:$0x2];
	[bflag:$0x3] =	sbarrier.arrive $0xFFFF;
	s2 =	simm.s32 @!p0 $0x1C08  }
0x1a4: {  	[timem:s3], [sflag:s2] =	dma.local @!p0 [hbm:s0], s1  }
0x1a5: {  	s0 =	simm.s32 @!p0 $0x8  }
0x1a6: {  	_ =	swait.ge @!p0 [sflag:s0], s1  }
0x1a7: {  	s1 =	ssub.s32 @!p0 $0x0, s1;
	[sflag:s0] =	ssyncset.done @!p0 $0x0  }
0x1a8: {  	[sflag:s0] =	ssyncadd.s32 @!p0 s1  }
0x1a9: {  	[bflag:$0x3] =	sbarrier.arrive $0xFFFF  }
0x1aa: {  	_ =	shalt  }

</sc_bundles>
